<compile_context>
chip_gen: v7x
topology: tpu7x:2x2x1
jax: 0.10.2.dev20260603
libtpu: 0.0.44.dev20260713+nightly
codegen_flags: <defaults>
</compile_context>

<pallas_src>
import functools

import jax
import jax.numpy as jnp
import numpy as np
from jax import lax
from jax.experimental import pallas as pl
from jax.experimental.pallas import tpu as pltpu
from jax.experimental.pallas import tpu_sc as plsc

N = 10000
E = 320000
D = 128
SH = 9
EF = 16
MLP = 64
RO = 42
G = 100
AGG_NORM = 32.0

CH = 64
NTILES = 32
NCHUNKS = E // CH
EBLK = 2048
NBLK = 2000
NPAD = 10240


def _silu(x):
    return x / (1.0 + jnp.exp(-x))


def _edge_body(ef_ref, sh_ref, w1, b1, w2, g, rg_ref):
    i = pl.program_id(0)
    ef = ef_ref[...]
    sh = sh_ref[...]
    rows = lax.broadcasted_iota(jnp.int32, (EBLK, 1), 0) + i * EBLK
    mask = rows < E
    hid = _silu(jnp.dot(ef, w1[...], preferred_element_type=jnp.float32)
                + b1[...])
    radial = jnp.dot(hid.astype(jnp.bfloat16), w2[...].astype(jnp.bfloat16),
                     preferred_element_type=jnp.float32)
    gate = jnp.sum(sh * g[...], axis=1, keepdims=True)
    rg_ref[...] = jnp.where(mask, radial * gate, 0.0)


def _edge_precompute(edge_feats, edge_sh, Wr1, br1, Wr2, wsh):
    grid = -(-E // EBLK)
    full = lambda shape: pl.BlockSpec(shape, lambda i: (0,) * len(shape))
    return pl.pallas_call(
        _edge_body,
        grid=(grid,),
        in_specs=[
            pl.BlockSpec((EBLK, EF), lambda i: (i, 0)),
            pl.BlockSpec((EBLK, SH), lambda i: (i, 0)),
            full((EF, MLP)), full((1, MLP)), full((MLP, D)), full((1, SH)),
        ],
        out_specs=pl.BlockSpec((EBLK, D), lambda i: (i, 0)),
        out_shape=jax.ShapeDtypeStruct((E, D), jnp.float32),
    )(edge_feats, edge_sh,
      Wr1, br1.reshape(1, MLP), Wr2, wsh.reshape(1, SH))


def _sc_body(h_hbm, rg_hbm, src_hbm, dst_hbm, out_hbm,
             srcv0, srcv1, dstv0, dstv1, rgv0, rgv1, rowsv0, rowsv1, acc,
             ssrc0, ssrc1, sdst0, sdst1, srg0, srg1, sg0, sg1, ssc0, ssc1):
    c = lax.axis_index("c")
    s = lax.axis_index("s")
    wid = c * 16 + s
    nch = 156 + (wid < 8).astype(jnp.int32)
    base = wid * 156 + jnp.minimum(wid, 8)
    srcv = [srcv0, srcv1]
    dstv = [dstv0, dstv1]
    rgv = [rgv0, rgv1]
    rowsv = [rowsv0, rowsv1]
    ssrc = [ssrc0, ssrc1]
    sdst = [sdst0, sdst1]
    srg = [srg0, srg1]
    sg = [sg0, sg1]
    ssc = [ssc0, ssc1]

    def zrow(r, _):
        for k in range(D // 16):
            rowsv0[r, pl.ds(k * 16, 16)] = jnp.zeros((16,), jnp.float32)
        return 0

    lax.fori_loop(0, CH, zrow, 0)
    for i in range(NPAD // 16 // CH):
        pltpu.sync_copy(rowsv0, acc.at[pl.ds(s * (NPAD // 16) + i * CH, CH)])
    plsc.subcore_barrier()

    def start_idx(b, chunk):
        pltpu.async_copy(src_hbm.at[chunk], srcv[b], ssrc[b])
        pltpu.async_copy(dst_hbm.at[chunk], dstv[b], sdst[b])
        pltpu.async_copy(rg_hbm.at[pl.ds(chunk * CH, CH)], rgv[b], srg[b])

    def wait_idx_part(b, which):
        if which == 0:
            pltpu.make_async_copy(src_hbm.at[0], srcv[b], ssrc[b]).wait()
        elif which == 1:
            pltpu.make_async_copy(dst_hbm.at[0], dstv[b], sdst[b]).wait()
        else:
            pltpu.make_async_copy(rg_hbm.at[pl.ds(0, CH)], rgv[b],
                                  srg[b]).wait()

    def start_gather(b):
        pltpu.async_copy(h_hbm.at[srcv[b]], rowsv[b], sg[b])

    def wait_gather(b):
        pltpu.make_async_copy(h_hbm.at[srcv[b]], rowsv[b], sg[b]).wait()

    def start_scatter(b):
        pltpu.async_copy(rowsv[b], acc.at[dstv[b]], ssc[b], add=True)

    def wait_scatter(b):
        pltpu.make_async_copy(rowsv[b], acc.at[dstv[b]], ssc[b]).wait()

    start_idx(0, base)
    start_idx(1, base + 1)
    wait_idx_part(0, 0)
    start_gather(0)

    def ring_body(j0, _):
        for b in range(2):
            j = j0 * 2 + b
            bo = 1 - b

            @pl.when(j < nch)
            def _():
                @pl.when(j + 1 < nch)
                def _():
                    wait_idx_part(bo, 0)

                    @pl.when(j >= 1)
                    def _():
                        wait_scatter(bo)

                    start_gather(bo)

                wait_gather(b)
                wait_idx_part(b, 2)
                wait_idx_part(b, 1)

                def mulrow(r, _):
                    for k in range(D // 16):
                        sl = pl.ds(k * 16, 16)
                        rowsv[b][r, sl] = rowsv[b][r, sl] * rgv[b][r, sl]
                    return 0

                lax.fori_loop(0, CH, mulrow, 0)
                start_scatter(b)

                @pl.when(j + 2 < nch)
                def _():
                    start_idx(b, base + j + 2)
        return 0

    lax.fori_loop(0, (157 + 1) // 2, ring_body, 0)
    wait_scatter(0)
    wait_scatter(1)
    plsc.subcore_barrier()

    base = s * 624
    pltpu.sync_copy(acc.at[pl.ds(base, 624)],
                    out_hbm.at[c, pl.ds(base, 624)])

    @pl.when(s == 15)
    def _():
        pltpu.sync_copy(acc.at[pl.ds(9984, 16)],
                        out_hbm.at[c, pl.ds(9984, 16)])


@functools.lru_cache(maxsize=1)
def _sc_kernel():
    return pl.kernel(
        _sc_body,
        out_type=jax.ShapeDtypeStruct((2, N, D), jnp.float32),
        mesh=plsc.VectorSubcoreMesh(core_axis_name="c", subcore_axis_name="s"),
        scratch_types=(
            [pltpu.VMEM((CH,), jnp.int32)] * 4
            + [pltpu.VMEM((CH, D), jnp.float32)] * 4
            + [pltpu.VMEM_SHARED((NPAD, D), jnp.float32)]
            + [pltpu.SemaphoreType.DMA] * 10
        ),
    )


def _sc_scatter(h, rg, src, dst):
    return _sc_kernel()(h, rg, src, dst)


def _node_body(agg_ref, w_ref, b_ref, res_ref, out_ref):
    a = (agg_ref[0] + agg_ref[1]) * (1.0 / AGG_NORM)
    h = _silu(jnp.dot(a, w_ref[...], preferred_element_type=jnp.float32)
              + b_ref[...])
    out_ref[...] = h + res_ref[...]


def _node_update(agg2, Wlin, blin, res):
    grid = N // NBLK
    full = lambda shape: pl.BlockSpec(shape, lambda i: (0,) * len(shape))
    return pl.pallas_call(
        _node_body,
        grid=(grid,),
        in_specs=[
            pl.BlockSpec((2, NBLK, D), lambda i: (0, i, 0)),
            full((D, D)), full((1, D)),
            pl.BlockSpec((NBLK, D), lambda i: (i, 0)),
        ],
        out_specs=pl.BlockSpec((NBLK, D), lambda i: (i, 0)),
        out_shape=jax.ShapeDtypeStruct((N, D), jnp.float32),
    )(agg2, Wlin, blin.reshape(1, D), res)


def _head_body(agg_ref, h1_ref, w_ref, b_ref, wro1_ref, bro1_ref, wro2_ref,
               bidx_ref, m_ref, c36_ref, ng0_ref, out_ref, sums, cnt):
    i = pl.program_id(0)
    a = (agg_ref[0] + agg_ref[1]) * (1.0 / AGG_NORM)
    h2 = h1_ref[...] + _silu(
        jnp.dot(a, w_ref[...], preferred_element_type=jnp.float32) + b_ref[...])
    o = jnp.dot(
        _silu(jnp.dot(h2, wro1_ref[...], preferred_element_type=jnp.float32)
              + bro1_ref[...]),
        wro2_ref[...], preferred_element_type=jnp.float32)
    onehot = (bidx_ref[...] ==
              lax.broadcasted_iota(jnp.int32, (NBLK, G), 1)).astype(jnp.float32)
    dn = (((0,), (0,)), ((), ()))
    s_part = lax.dot_general(onehot, o, dn,
                             preferred_element_type=jnp.float32)
    c_part = lax.dot_general(onehot, jnp.ones((NBLK, 1), jnp.float32), dn,
                             preferred_element_type=jnp.float32)

    @pl.when(i == 0)
    def _():
        sums[...] = jnp.zeros_like(sums)
        cnt[...] = jnp.zeros_like(cnt)

    sums[...] += s_part
    cnt[...] += c_part

    @pl.when(i == pl.num_programs(0) - 1)
    def _():
        gf = (sums[...] + ng0_ref[...]) / jnp.maximum(cnt[...], 1.0)
        cf = jnp.dot(gf, m_ref[...], preferred_element_type=jnp.float32) \
            + c36_ref[...]
        cols = []
        for i6 in range(6):
            ci = cf[:, 6 * i6:6 * i6 + 6]
            for j6 in range(6):
                cj = cf[:, 6 * j6:6 * j6 + 6]
                col = jnp.sum(ci * cj, axis=1, keepdims=True)
                if i6 == j6:
                    col = col + 1e-3
                cols.append(col)
        out_ref[...] = jnp.concatenate(cols, axis=1)


def _head(agg2, h1, Wlin, blin, W_ro1, b_ro1, W_ro2, bidx2d, M, c36, ng0):
    grid = N // NBLK
    full = lambda shape: pl.BlockSpec(shape, lambda i: (0,) * len(shape))
    return pl.pallas_call(
        _head_body,
        grid=(grid,),
        in_specs=[
            pl.BlockSpec((2, NBLK, D), lambda i: (0, i, 0)),
            pl.BlockSpec((NBLK, D), lambda i: (i, 0)),
            full((D, D)), full((1, D)),
            full((D, D)), full((1, D)), full((D, RO)),
            pl.BlockSpec((NBLK, 1), lambda i: (i, 0)),
            full((RO, 36)), full((1, 36)), full((1, 1)),
        ],
        out_specs=pl.BlockSpec((G, 36), lambda i: (0, 0)),
        out_shape=jax.ShapeDtypeStruct((G, 36), jnp.float32),
        scratch_shapes=[
            pltpu.VMEM((G, RO), jnp.float32),
            pltpu.VMEM((G, 1), jnp.float32),
        ],
    )(agg2, h1, Wlin, blin.reshape(1, D), W_ro1, b_ro1.reshape(1, D), W_ro2,
      bidx2d, M, c36, ng0)


def _build_head_mats(W0, b0, W2, W4):
    A = jnp.zeros((RO, 21), jnp.float32)
    A = A.at[0:4, 0:2].set(W0)
    for i in range(4):
        for o in range(2):
            for m in range(5):
                A = A.at[4 + 5 * i + m, 2 + 5 * o + m].set(W2[i, o])
    for i in range(2):
        for m in range(9):
            A = A.at[24 + 9 * i + m, 12 + m].set(W4[i, 0])
    b21 = jnp.zeros((21,), jnp.float32).at[0:2].set(b0)

    iu0, iu1 = np.triu_indices(6)
    S = np.zeros((21, 36), np.float32)
    for k in range(21):
        ii, jj = int(iu0[k]), int(iu1[k])
        S[k, 6 * ii + jj] = 1.0
        if ii != jj:
            S[k, 6 * jj + ii] = 1.0
    S = jnp.asarray(S)
    return A @ S, (b21 @ S).reshape(1, 36)


def kernel(edge_index, node_ft, edge_sh, edge_feats, batch_idx, num_graphs,
           Wr1_0, br1_0, Wr2_0, wsh_0, Wlin_0, blin_0,
           Wr1_1, br1_1, Wr2_1, wsh_1, Wlin_1, blin_1,
           W_ro1, b_ro1, W_ro2, W0, b0, W2, W4):
    src = edge_index[0].reshape(NCHUNKS, CH)
    dst = edge_index[1].reshape(NCHUNKS, CH)

    rg0 = _edge_precompute(edge_feats, edge_sh, Wr1_0, br1_0, Wr2_0, wsh_0)
    rg1 = _edge_precompute(edge_feats, edge_sh, Wr1_1, br1_1, Wr2_1, wsh_1)
    agg0 = _sc_scatter(node_ft, rg0, src, dst)
    h1 = _node_update(agg0, Wlin_0, blin_0, jnp.zeros((N, D), jnp.float32))
    agg1 = _sc_scatter(h1, rg1, src, dst)

    M, c36 = _build_head_mats(W0, b0, W2, W4)
    ng0 = (jnp.asarray(num_graphs, jnp.int32) - G).astype(jnp.float32).reshape(
        1, 1)
    cpos36 = _head(agg1, h1, Wlin_1, blin_1, W_ro1, b_ro1, W_ro2,
                   batch_idx.reshape(N, 1), M, c36, ng0)
    return cpos36.reshape(G, 6, 6)

# --- scband reference (transcript-rebuilt; emitter-appended) ---
"""Pipeline reference for scband-gnn-head-48137993454077 (READ-ONLY COPY).

The authoritative reference and input builder live on the scoring server;
editing this copy changes nothing except your own understanding.
"""

import jax, jax.numpy as jnp
import numpy as np

N = 10000
E = 320000
D = 128
SH = 9
EF = 16
MLP = 64
RO = 42
G = 100
AGG_NORM = 32.0


def setup_inputs(seed: int = 0) -> dict:
    key = jax.random.key(seed)
    ks = jax.random.split(key, 32)
    s = 0.05
    inp = {}
    inp["edge_index"] = jax.random.randint(ks[0], (2, E), 0, N, dtype=jnp.int32)
    inp["node_ft"] = jax.random.normal(ks[1], (N, D), dtype=jnp.float32)
    inp["edge_sh"] = jax.random.normal(ks[2], (E, SH), dtype=jnp.float32)
    inp["edge_feats"] = jax.random.normal(ks[3], (E, EF), dtype=jnp.float32)
    inp["batch_idx"] = jnp.sort(jax.random.randint(ks[4], (N,), 0, G, dtype=jnp.int32))
    inp["num_graphs"] = G
    # layer 0 params
    inp["Wr1_0"] = jax.random.normal(ks[5], (EF, MLP), dtype=jnp.float32) * s
    inp["br1_0"] = jnp.zeros((MLP,), dtype=jnp.float32)
    inp["Wr2_0"] = jax.random.normal(ks[6], (MLP, D), dtype=jnp.float32) * s
    inp["wsh_0"] = jax.random.normal(ks[7], (SH,), dtype=jnp.float32) * s
    inp["Wlin_0"] = jax.random.normal(ks[8], (D, D), dtype=jnp.float32) * s
    inp["blin_0"] = jnp.zeros((D,), dtype=jnp.float32)
    # layer 1 params
    inp["Wr1_1"] = jax.random.normal(ks[9], (EF, MLP), dtype=jnp.float32) * s
    inp["br1_1"] = jnp.zeros((MLP,), dtype=jnp.float32)
    inp["Wr2_1"] = jax.random.normal(ks[10], (MLP, D), dtype=jnp.float32) * s
    inp["wsh_1"] = jax.random.normal(ks[11], (SH,), dtype=jnp.float32) * s
    inp["Wlin_1"] = jax.random.normal(ks[12], (D, D), dtype=jnp.float32) * s
    inp["blin_1"] = jnp.zeros((D,), dtype=jnp.float32)
    # nonlinear readout
    inp["W_ro1"] = jax.random.normal(ks[13], (D, D), dtype=jnp.float32) * s
    inp["b_ro1"] = jnp.zeros((D,), dtype=jnp.float32)
    inp["W_ro2"] = jax.random.normal(ks[14], (D, RO), dtype=jnp.float32) * s
    # irrep-wise linear: 4x0e->2x0e (+bias), 4x2e->2x2e, 2x4e->1x4e
    inp["W0"] = jax.random.normal(ks[15], (4, 2), dtype=jnp.float32) * s
    inp["b0"] = jnp.zeros((2,), dtype=jnp.float32)
    inp["W2"] = jax.random.normal(ks[16], (4, 2), dtype=jnp.float32) * s
    inp["W4"] = jax.random.normal(ks[17], (2, 1), dtype=jnp.float32) * s
    return inp


def _mace_layer(h, src, dst, edge_sh, edge_feats, Wr1, br1, Wr2, wsh, Wlin, blin):
    # radial MLP on edge basis features -> per-edge channel weights
    radial = jax.nn.silu(edge_feats @ Wr1 + br1) @ Wr2  # [E, D]
    # learned contraction of spherical harmonics (angular part)
    gate = edge_sh @ wsh  # [E]
    msg = h[src] * radial * gate[:, None]  # gather + modulate
    agg = jnp.zeros_like(h).at[dst].add(msg) / AGG_NORM  # scatter-add
    return jax.nn.silu(agg @ Wlin + blin)


def reference(edge_index, node_ft, edge_sh, edge_feats, batch_idx, num_graphs,
              Wr1_0, br1_0, Wr2_0, wsh_0, Wlin_0, blin_0,
              Wr1_1, br1_1, Wr2_1, wsh_1, Wlin_1, blin_1,
              W_ro1, b_ro1, W_ro2, W0, b0, W2, W4):
    src = edge_index[0]
    dst = edge_index[1]
    h = _mace_layer(node_ft, src, dst, edge_sh, edge_feats, Wr1_0, br1_0, Wr2_0, wsh_0, Wlin_0, blin_0)
    h = h + _mace_layer(h, src, dst, edge_sh, edge_feats, Wr1_1, br1_1, Wr2_1, wsh_1, Wlin_1, blin_1)
    # nonlinear readout block
    out = jax.nn.silu(h @ W_ro1 + b_ro1) @ W_ro2  # [N, 42]
    # global mean pool per graph
    ng_zero = (jnp.asarray(num_graphs) - G).astype(out.dtype)
    sums = (jnp.zeros((G, RO), dtype=out.dtype) + ng_zero).at[batch_idx].add(out)
    cnt = jnp.zeros((G,), dtype=out.dtype).at[batch_idx].add(1.0)
    graph_ft = sums / jnp.maximum(cnt, 1.0)[:, None]  # [G, 42]
    # irrep-wise linear 4x0e+4x2e+2x4e -> 2x0e+2x2e+1x4e (21 dims)
    s0 = graph_ft[:, :4] @ W0 + b0  # [G, 2]
    d = graph_ft[:, 4:24].reshape(-1, 4, 5)
    d2 = jnp.einsum('gim,io->gom', d, W2).reshape(-1, 10)
    q = graph_ft[:, 24:42].reshape(-1, 2, 9)
    q2 = jnp.einsum('gim,io->gom', q, W4).reshape(-1, 9)
    stiff_ft = jnp.concatenate([s0, d2, q2], axis=1)  # [G, 21]
    # 21 independent components -> symmetric 6x6 Mandel stiffness
    iu0, iu1 = np.triu_indices(6)
    Cu = jnp.zeros((stiff_ft.shape[0], 6, 6), dtype=stiff_ft.dtype).at[:, iu0, iu1].set(stiff_ft)
    Csym = Cu + jnp.swapaxes(Cu, 1, 2) - jnp.eye(6, dtype=Cu.dtype)[None] * Cu
    # positive-definite layer: C C^T + eps I
    Cpos = jnp.matmul(Csym, jnp.swapaxes(Csym, 1, 2)) + 1e-3 * jnp.eye(6, dtype=Csym.dtype)[None]
    return Cpos


if False:  # reference __main__ guard neutralized (emitter)
    inp = setup_inputs()
    out = reference(**inp)
    print(out.shape)

if __name__ == "__main__":
    import jax
    _d = setup_inputs()
    print(jax.jit(kernel)(*tuple(_d.values())))

</pallas_src>

<mosaic_0001>
#map = affine_map<(d0, d1) -> (0, 0)>
#map1 = affine_map<(d0, d1) -> (0, 0, 0)>
module attributes {stable_mosaic.version = 14 : i64} {
  func.func @_sc_body(%arg0: i32, %arg1: i32, %arg2: memref<10000x128xf32, #tpu.memory_space<hbm>>, %arg3: memref<320000x128xf32, #tpu.memory_space<hbm>>, %arg4: memref<5000x64xi32, #tpu.memory_space<hbm>>, %arg5: memref<5000x64xi32, #tpu.memory_space<hbm>>, %arg6: memref<2x10000x128xf32, #tpu.memory_space<hbm>>, %arg7: memref<64xi32, #tpu.memory_space<vmem>>, %arg8: memref<64xi32, #tpu.memory_space<vmem>>, %arg9: memref<64xi32, #tpu.memory_space<vmem>>, %arg10: memref<64xi32, #tpu.memory_space<vmem>>, %arg11: memref<64x128xf32, #tpu.memory_space<vmem>>, %arg12: memref<64x128xf32, #tpu.memory_space<vmem>>, %arg13: memref<64x128xf32, #tpu.memory_space<vmem>>, %arg14: memref<64x128xf32, #tpu.memory_space<vmem>>, %arg15: memref<10240x128xf32, #tpu.memory_space<vmem_shared>>, %arg16: memref<!tpu.dma_semaphore, #tpu.memory_space<semaphore_mem>>, %arg17: memref<!tpu.dma_semaphore, #tpu.memory_space<semaphore_mem>>, %arg18: memref<!tpu.dma_semaphore, #tpu.memory_space<semaphore_mem>>, %arg19: memref<!tpu.dma_semaphore, #tpu.memory_space<semaphore_mem>>, %arg20: memref<!tpu.dma_semaphore, #tpu.memory_space<semaphore_mem>>, %arg21: memref<!tpu.dma_semaphore, #tpu.memory_space<semaphore_mem>>, %arg22: memref<!tpu.dma_semaphore, #tpu.memory_space<semaphore_mem>>, %arg23: memref<!tpu.dma_semaphore, #tpu.memory_space<semaphore_mem>>, %arg24: memref<!tpu.dma_semaphore, #tpu.memory_space<semaphore_mem>>, %arg25: memref<!tpu.dma_semaphore, #tpu.memory_space<semaphore_mem>>) attributes {dimension_semantics = [#tpu.dimension_semantics<core_parallel>, #tpu.dimension_semantics<subcore_parallel>], iteration_bounds = array<i64: 2, 16>, scalar_prefetch = 0 : i64, scratch_operands = 19 : i64, tpu.core_type = #tpu.core_type<sc_vector_subcore>, window_params = [{transform_indices = #map}, {transform_indices = #map}, {transform_indices = #map}, {transform_indices = #map}, {transform_indices = #map1}]} {
    %mul3A = arith.constant 16 : i32
    %mul3A_0 = arith.muli %arg0, %mul3A : i32
    %add3A = arith.addi %mul3A_0, %arg1 : i32
    %lt3A = arith.constant 8 : i32
    %lt3A_1 = arith.cmpi slt, %add3A, %lt3A : i32
    %convert_element_type3A = arith.extui %lt3A_1 : i1 to i32
    %add3A_2 = arith.constant 156 : i32
    %add3A_3 = arith.addi %add3A_2, %convert_element_type3A : i32
    %mul3A_4 = arith.constant 156 : i32
    %mul3A_5 = arith.muli %add3A, %mul3A_4 : i32
    %min3A = arith.constant 8 : i32
    %min3A_6 = arith.minsi %add3A, %min3A : i32
    %add3A_7 = arith.addi %mul3A_5, %min3A_6 : i32
    %scan3A = arith.constant 0 : i32
    %scan3A_8 = arith.constant 0 : i32
    %scan3A_9 = arith.constant 64 : i32
    %scan3A_10 = arith.addi %scan3A_8, %scan3A_9 : i32
    %scan3A_11 = arith.constant 1 : i32
    %scan3A_12 = scf.for %scan3A_119 = %scan3A_8 to %scan3A_10 step %scan3A_11 iter_args(%scan3A_120 = %scan3A) -> (i32)  : i32 {
      %broadcast_in_dim3A = arith.constant 0.000000e+00 : f32
      %broadcast_in_dim3A_121 = vector.broadcast %broadcast_in_dim3A : f32 to vector<16xf32>
      %swap3A = arith.index_cast %scan3A_119 : i32 to index
      %swap3A_122 = arith.constant 0 : index
      %swap3A_123 = tpu.vector_load %arg13[%swap3A, %swap3A_122] {strides = array<i32>} : memref<64x128xf32, #tpu.memory_space<vmem>>, vector<1x16xf32>,
      %swap3A_124 = vector.shape_cast %swap3A_123 : vector<1x16xf32> to vector<16xf32>
      %swap3A_125 = vector.shape_cast %broadcast_in_dim3A_121 : vector<16xf32> to vector<1x16xf32>
      tpu.vector_store %arg13[%swap3A, %swap3A_122], %swap3A_125 {strides = array<i32>} : memref<64x128xf32, #tpu.memory_space<vmem>>, vector<1x16xf32>,
      %broadcast_in_dim3A_126 = arith.constant 0.000000e+00 : f32
      %broadcast_in_dim3A_127 = vector.broadcast %broadcast_in_dim3A_126 : f32 to vector<16xf32>
      %swap3A_128 = arith.index_cast %scan3A_119 : i32 to index
      %swap3A_129 = arith.constant 16 : index
      %swap3A_130 = tpu.vector_load %arg13[%swap3A_128, %swap3A_129] {strides = array<i32>} : memref<64x128xf32, #tpu.memory_space<vmem>>, vector<1x16xf32>,
      %swap3A_131 = vector.shape_cast %swap3A_130 : vector<1x16xf32> to vector<16xf32>
      %swap3A_132 = vector.shape_cast %broadcast_in_dim3A_127 : vector<16xf32> to vector<1x16xf32>
      tpu.vector_store %arg13[%swap3A_128, %swap3A_129], %swap3A_132 {strides = array<i32>} : memref<64x128xf32, #tpu.memory_space<vmem>>, vector<1x16xf32>,
      %broadcast_in_dim3A_133 = arith.constant 0.000000e+00 : f32
      %broadcast_in_dim3A_134 = vector.broadcast %broadcast_in_dim3A_133 : f32 to vector<16xf32>
      %swap3A_135 = arith.index_cast %scan3A_119 : i32 to index
      %swap3A_136 = arith.constant 32 : index
      %swap3A_137 = tpu.vector_load %arg13[%swap3A_135, %swap3A_136] {strides = array<i32>} : memref<64x128xf32, #tpu.memory_space<vmem>>, vector<1x16xf32>,
      %swap3A_138 = vector.shape_cast %swap3A_137 : vector<1x16xf32> to vector<16xf32>
      %swap3A_139 = vector.shape_cast %broadcast_in_dim3A_134 : vector<16xf32> to vector<1x16xf32>
      tpu.vector_store %arg13[%swap3A_135, %swap3A_136], %swap3A_139 {strides = array<i32>} : memref<64x128xf32, #tpu.memory_space<vmem>>, vector<1x16xf32>,
      %broadcast_in_dim3A_140 = arith.constant 0.000000e+00 : f32
      %broadcast_in_dim3A_141 = vector.broadcast %broadcast_in_dim3A_140 : f32 to vector<16xf32>
      %swap3A_142 = arith.index_cast %scan3A_119 : i32 to index
      %swap3A_143 = arith.constant 48 : index
      %swap3A_144 = tpu.vector_load %arg13[%swap3A_142, %swap3A_143] {strides = array<i32>} : memref<64x128xf32, #tpu.memory_space<vmem>>, vector<1x16xf32>,
      %swap3A_145 = vector.shape_cast %swap3A_144 : vector<1x16xf32> to vector<16xf32>
      %swap3A_146 = vector.shape_cast %broadcast_in_dim3A_141 : vector<16xf32> to vector<1x16xf32>
      tpu.vector_store %arg13[%swap3A_142, %swap3A_143], %swap3A_146 {strides = array<i32>} : memref<64x128xf32, #tpu.memory_space<vmem>>, vector<1x16xf32>,
      %broadcast_in_dim3A_147 = arith.constant 0.000000e+00 : f32
      %broadcast_in_dim3A_148 = vector.broadcast %broadcast_in_dim3A_147 : f32 to vector<16xf32>
      %swap3A_149 = arith.index_cast %scan3A_119 : i32 to index
      %swap3A_150 = arith.constant 64 : index
      %swap3A_151 = tpu.vector_load %arg13[%swap3A_149, %swap3A_150] {strides = array<i32>} : memref<64x128xf32, #tpu.memory_space<vmem>>, vector<1x16xf32>,
      %swap3A_152 = vector.shape_cast %swap3A_151 : vector<1x16xf32> to vector<16xf32>
      %swap3A_153 = vector.shape_cast %broadcast_in_dim3A_148 : vector<16xf32> to vector<1x16xf32>
      tpu.vector_store %arg13[%swap3A_149, %swap3A_150], %swap3A_153 {strides = array<i32>} : memref<64x128xf32, #tpu.memory_space<vmem>>, vector<1x16xf32>,
      %broadcast_in_dim3A_154 = arith.constant 0.000000e+00 : f32
      %broadcast_in_dim3A_155 = vector.broadcast %broadcast_in_dim3A_154 : f32 to vector<16xf32>
      %swap3A_156 = arith.index_cast %scan3A_119 : i32 to index
      %swap3A_157 = arith.constant 80 : index
      %swap3A_158 = tpu.vector_load %arg13[%swap3A_156, %swap3A_157] {strides = array<i32>} : memref<64x128xf32, #tpu.memory_space<vmem>>, vector<1x16xf32>,
      %swap3A_159 = vector.shape_cast %swap3A_158 : vector<1x16xf32> to vector<16xf32>
      %swap3A_160 = vector.shape_cast %broadcast_in_dim3A_155 : vector<16xf32> to vector<1x16xf32>
      tpu.vector_store %arg13[%swap3A_156, %swap3A_157], %swap3A_160 {strides = array<i32>} : memref<64x128xf32, #tpu.memory_space<vmem>>, vector<1x16xf32>,
      %broadcast_in_dim3A_161 = arith.constant 0.000000e+00 : f32
      %broadcast_in_dim3A_162 = vector.broadcast %broadcast_in_dim3A_161 : f32 to vector<16xf32>
      %swap3A_163 = arith.index_cast %scan3A_119 : i32 to index
      %swap3A_164 = arith.constant 96 : index
      %swap3A_165 = tpu.vector_load %arg13[%swap3A_163, %swap3A_164] {strides = array<i32>} : memref<64x128xf32, #tpu.memory_space<vmem>>, vector<1x16xf32>,
      %swap3A_166 = vector.shape_cast %swap3A_165 : vector<1x16xf32> to vector<16xf32>
      %swap3A_167 = vector.shape_cast %broadcast_in_dim3A_162 : vector<16xf32> to vector<1x16xf32>
      tpu.vector_store %arg13[%swap3A_163, %swap3A_164], %swap3A_167 {strides = array<i32>} : memref<64x128xf32, #tpu.memory_space<vmem>>, vector<1x16xf32>,
      %broadcast_in_dim3A_168 = arith.constant 0.000000e+00 : f32
      %broadcast_in_dim3A_169 = vector.broadcast %broadcast_in_dim3A_168 : f32 to vector<16xf32>
      %swap3A_170 = arith.index_cast %scan3A_119 : i32 to index
      %swap3A_171 = arith.constant 112 : index
      %swap3A_172 = tpu.vector_load %arg13[%swap3A_170, %swap3A_171] {strides = array<i32>} : memref<64x128xf32, #tpu.memory_space<vmem>>, vector<1x16xf32>,
      %swap3A_173 = vector.shape_cast %swap3A_172 : vector<1x16xf32> to vector<16xf32>
      %swap3A_174 = vector.shape_cast %broadcast_in_dim3A_169 : vector<16xf32> to vector<1x16xf32>
      tpu.vector_store %arg13[%swap3A_170, %swap3A_171], %swap3A_174 {strides = array<i32>} : memref<64x128xf32, #tpu.memory_space<vmem>>, vector<1x16xf32>,
      %scan3A_175 = arith.constant 0 : i32
      scf.yield %scan3A_175 : i32
    }
    %scan3A_13 = arith.constant 64 : i32
    %mul3A_14 = arith.constant 640 : i32
    %mul3A_15 = arith.muli %arg1, %mul3A_14 : i32
    %add3A_16 = arith.constant 0 : i32
    %add3A_17 = arith.addi %mul3A_15, %add3A_16 : i32
    "tpu.region"() ({
      %run_scoped3A = tpu.sem_alloc : memref<!tpu.dma_semaphore, #tpu.memory_space<semaphore_mem>>
      %dma_start3A_119 = arith.constant 0 : i32
      %dma_start3A_120 = tpu.memref_slice %arg15[%add3A_17, %dma_start3A_119] : memref<10240x128xf32, #tpu.memory_space<vmem_shared>> -> memref<64x128xf32, #tpu.memory_space<vmem_shared>>
      %dma_start3A_121 = arith.constant 0 : i32
      %dma_start3A_122 = tpu.memref_slice %arg15[%add3A_17, %dma_start3A_121] : memref<10240x128xf32, #tpu.memory_space<vmem_shared>> -> memref<64x128xf32, #tpu.memory_space<vmem_shared>>
      tpu.enqueue_dma source(%arg13 : memref<64x128xf32, #tpu.memory_space<vmem>>) target(%dma_start3A_122 : memref<64x128xf32, #tpu.memory_space<vmem_shared>>) target_semaphore(%run_scoped3A : memref<!tpu.dma_semaphore, #tpu.memory_space<semaphore_mem>>)
      %dma_wait3A_123 = arith.constant 0 : i32
      %dma_wait3A_124 = tpu.memref_slice %arg15[%add3A_17, %dma_wait3A_123] : memref<10240x128xf32, #tpu.memory_space<vmem_shared>> -> memref<64x128xf32, #tpu.memory_space<vmem_shared>>
      %dma_wait3A_125 = arith.constant 0 : i32
      %dma_wait3A_126 = tpu.memref_slice %arg15[%add3A_17, %dma_wait3A_125] : memref<10240x128xf32, #tpu.memory_space<vmem_shared>> -> memref<64x128xf32, #tpu.memory_space<vmem_shared>>
      tpu.wait_dma2 semaphore(%run_scoped3A : memref<!tpu.dma_semaphore, #tpu.memory_space<semaphore_mem>>) src(%arg13 : memref<64x128xf32, #tpu.memory_space<vmem>>) dst(%dma_wait3A_126 : memref<64x128xf32, #tpu.memory_space<vmem_shared>>)
      tpu.yield
    }) : () -> ()
    %mul3A_18 = arith.constant 640 : i32
    %mul3A_19 = arith.muli %arg1, %mul3A_18 : i32
    %add3A_20 = arith.constant 64 : i32
    %add3A_21 = arith.addi %mul3A_19, %add3A_20 : i32
    "tpu.region"() ({
      %run_scoped3A = tpu.sem_alloc : memref<!tpu.dma_semaphore, #tpu.memory_space<semaphore_mem>>
      %dma_start3A_119 = arith.constant 0 : i32
      %dma_start3A_120 = tpu.memref_slice %arg15[%add3A_21, %dma_start3A_119] : memref<10240x128xf32, #tpu.memory_space<vmem_shared>> -> memref<64x128xf32, #tpu.memory_space<vmem_shared>>
      %dma_start3A_121 = arith.constant 0 : i32
      %dma_start3A_122 = tpu.memref_slice %arg15[%add3A_21, %dma_start3A_121] : memref<10240x128xf32, #tpu.memory_space<vmem_shared>> -> memref<64x128xf32, #tpu.memory_space<vmem_shared>>
      tpu.enqueue_dma source(%arg13 : memref<64x128xf32, #tpu.memory_space<vmem>>) target(%dma_start3A_122 : memref<64x128xf32, #tpu.memory_space<vmem_shared>>) target_semaphore(%run_scoped3A : memref<!tpu.dma_semaphore, #tpu.memory_space<semaphore_mem>>)
      %dma_wait3A_123 = arith.constant 0 : i32
      %dma_wait3A_124 = tpu.memref_slice %arg15[%add3A_21, %dma_wait3A_123] : memref<10240x128xf32, #tpu.memory_space<vmem_shared>> -> memref<64x128xf32, #tpu.memory_space<vmem_shared>>
      %dma_wait3A_125 = arith.constant 0 : i32
      %dma_wait3A_126 = tpu.memref_slice %arg15[%add3A_21, %dma_wait3A_125] : memref<10240x128xf32, #tpu.memory_space<vmem_shared>> -> memref<64x128xf32, #tpu.memory_space<vmem_shared>>
      tpu.wait_dma2 semaphore(%run_scoped3A : memref<!tpu.dma_semaphore, #tpu.memory_space<semaphore_mem>>) src(%arg13 : memref<64x128xf32, #tpu.memory_space<vmem>>) dst(%dma_wait3A_126 : memref<64x128xf32, #tpu.memory_space<vmem_shared>>)
      tpu.yield
    }) : () -> ()
    %mul3A_22 = arith.constant 640 : i32
    %mul3A_23 = arith.muli %arg1, %mul3A_22 : i32
    %add3A_24 = arith.constant 128 : i32
    %add3A_25 = arith.addi %mul3A_23, %add3A_24 : i32
    "tpu.region"() ({
      %run_scoped3A = tpu.sem_alloc : memref<!tpu.dma_semaphore, #tpu.memory_space<semaphore_mem>>
      %dma_start3A_119 = arith.constant 0 : i32
      %dma_start3A_120 = tpu.memref_slice %arg15[%add3A_25, %dma_start3A_119] : memref<10240x128xf32, #tpu.memory_space<vmem_shared>> -> memref<64x128xf32, #tpu.memory_space<vmem_shared>>
      %dma_start3A_121 = arith.constant 0 : i32
      %dma_start3A_122 = tpu.memref_slice %arg15[%add3A_25, %dma_start3A_121] : memref<10240x128xf32, #tpu.memory_space<vmem_shared>> -> memref<64x128xf32, #tpu.memory_space<vmem_shared>>
      tpu.enqueue_dma source(%arg13 : memref<64x128xf32, #tpu.memory_space<vmem>>) target(%dma_start3A_122 : memref<64x128xf32, #tpu.memory_space<vmem_shared>>) target_semaphore(%run_scoped3A : memref<!tpu.dma_semaphore, #tpu.memory_space<semaphore_mem>>)
      %dma_wait3A_123 = arith.constant 0 : i32
      %dma_wait3A_124 = tpu.memref_slice %arg15[%add3A_25, %dma_wait3A_123] : memref<10240x128xf32, #tpu.memory_space<vmem_shared>> -> memref<64x128xf32, #tpu.memory_space<vmem_shared>>
      %dma_wait3A_125 = arith.constant 0 : i32
      %dma_wait3A_126 = tpu.memref_slice %arg15[%add3A_25, %dma_wait3A_125] : memref<10240x128xf32, #tpu.memory_space<vmem_shared>> -> memref<64x128xf32, #tpu.memory_space<vmem_shared>>
      tpu.wait_dma2 semaphore(%run_scoped3A : memref<!tpu.dma_semaphore, #tpu.memory_space<semaphore_mem>>) src(%arg13 : memref<64x128xf32, #tpu.memory_space<vmem>>) dst(%dma_wait3A_126 : memref<64x128xf32, #tpu.memory_space<vmem_shared>>)
      tpu.yield
    }) : () -> ()
    %mul3A_26 = arith.constant 640 : i32
    %mul3A_27 = arith.muli %arg1, %mul3A_26 : i32
    %add3A_28 = arith.constant 192 : i32
    %add3A_29 = arith.addi %mul3A_27, %add3A_28 : i32
    "tpu.region"() ({
      %run_scoped3A = tpu.sem_alloc : memref<!tpu.dma_semaphore, #tpu.memory_space<semaphore_mem>>
      %dma_start3A_119 = arith.constant 0 : i32
      %dma_start3A_120 = tpu.memref_slice %arg15[%add3A_29, %dma_start3A_119] : memref<10240x128xf32, #tpu.memory_space<vmem_shared>> -> memref<64x128xf32, #tpu.memory_space<vmem_shared>>
      %dma_start3A_121 = arith.constant 0 : i32
      %dma_start3A_122 = tpu.memref_slice %arg15[%add3A_29, %dma_start3A_121] : memref<10240x128xf32, #tpu.memory_space<vmem_shared>> -> memref<64x128xf32, #tpu.memory_space<vmem_shared>>
      tpu.enqueue_dma source(%arg13 : memref<64x128xf32, #tpu.memory_space<vmem>>) target(%dma_start3A_122 : memref<64x128xf32, #tpu.memory_space<vmem_shared>>) target_semaphore(%run_scoped3A : memref<!tpu.dma_semaphore, #tpu.memory_space<semaphore_mem>>)
      %dma_wait3A_123 = arith.constant 0 : i32
      %dma_wait3A_124 = tpu.memref_slice %arg15[%add3A_29, %dma_wait3A_123] : memref<10240x128xf32, #tpu.memory_space<vmem_shared>> -> memref<64x128xf32, #tpu.memory_space<vmem_shared>>
      %dma_wait3A_125 = arith.constant 0 : i32
      %dma_wait3A_126 = tpu.memref_slice %arg15[%add3A_29, %dma_wait3A_125] : memref<10240x128xf32, #tpu.memory_space<vmem_shared>> -> memref<64x128xf32, #tpu.memory_space<vmem_shared>>
      tpu.wait_dma2 semaphore(%run_scoped3A : memref<!tpu.dma_semaphore, #tpu.memory_space<semaphore_mem>>) src(%arg13 : memref<64x128xf32, #tpu.memory_space<vmem>>) dst(%dma_wait3A_126 : memref<64x128xf32, #tpu.memory_space<vmem_shared>>)
      tpu.yield
    }) : () -> ()
    %mul3A_30 = arith.constant 640 : i32
    %mul3A_31 = arith.muli %arg1, %mul3A_30 : i32
    %add3A_32 = arith.constant 256 : i32
    %add3A_33 = arith.addi %mul3A_31, %add3A_32 : i32
    "tpu.region"() ({
      %run_scoped3A = tpu.sem_alloc : memref<!tpu.dma_semaphore, #tpu.memory_space<semaphore_mem>>
      %dma_start3A_119 = arith.constant 0 : i32
      %dma_start3A_120 = tpu.memref_slice %arg15[%add3A_33, %dma_start3A_119] : memref<10240x128xf32, #tpu.memory_space<vmem_shared>> -> memref<64x128xf32, #tpu.memory_space<vmem_shared>>
      %dma_start3A_121 = arith.constant 0 : i32
      %dma_start3A_122 = tpu.memref_slice %arg15[%add3A_33, %dma_start3A_121] : memref<10240x128xf32, #tpu.memory_space<vmem_shared>> -> memref<64x128xf32, #tpu.memory_space<vmem_shared>>
      tpu.enqueue_dma source(%arg13 : memref<64x128xf32, #tpu.memory_space<vmem>>) target(%dma_start3A_122 : memref<64x128xf32, #tpu.memory_space<vmem_shared>>) target_semaphore(%run_scoped3A : memref<!tpu.dma_semaphore, #tpu.memory_space<semaphore_mem>>)
      %dma_wait3A_123 = arith.constant 0 : i32
      %dma_wait3A_124 = tpu.memref_slice %arg15[%add3A_33, %dma_wait3A_123] : memref<10240x128xf32, #tpu.memory_space<vmem_shared>> -> memref<64x128xf32, #tpu.memory_space<vmem_shared>>
      %dma_wait3A_125 = arith.constant 0 : i32
      %dma_wait3A_126 = tpu.memref_slice %arg15[%add3A_33, %dma_wait3A_125] : memref<10240x128xf32, #tpu.memory_space<vmem_shared>> -> memref<64x128xf32, #tpu.memory_space<vmem_shared>>
      tpu.wait_dma2 semaphore(%run_scoped3A : memref<!tpu.dma_semaphore, #tpu.memory_space<semaphore_mem>>) src(%arg13 : memref<64x128xf32, #tpu.memory_space<vmem>>) dst(%dma_wait3A_126 : memref<64x128xf32, #tpu.memory_space<vmem_shared>>)
      tpu.yield
    }) : () -> ()
    %mul3A_34 = arith.constant 640 : i32
    %mul3A_35 = arith.muli %arg1, %mul3A_34 : i32
    %add3A_36 = arith.constant 320 : i32
    %add3A_37 = arith.addi %mul3A_35, %add3A_36 : i32
    "tpu.region"() ({
      %run_scoped3A = tpu.sem_alloc : memref<!tpu.dma_semaphore, #tpu.memory_space<semaphore_mem>>
      %dma_start3A_119 = arith.constant 0 : i32
      %dma_start3A_120 = tpu.memref_slice %arg15[%add3A_37, %dma_start3A_119] : memref<10240x128xf32, #tpu.memory_space<vmem_shared>> -> memref<64x128xf32, #tpu.memory_space<vmem_shared>>
      %dma_start3A_121 = arith.constant 0 : i32
      %dma_start3A_122 = tpu.memref_slice %arg15[%add3A_37, %dma_start3A_121] : memref<10240x128xf32, #tpu.memory_space<vmem_shared>> -> memref<64x128xf32, #tpu.memory_space<vmem_shared>>
      tpu.enqueue_dma source(%arg13 : memref<64x128xf32, #tpu.memory_space<vmem>>) target(%dma_start3A_122 : memref<64x128xf32, #tpu.memory_space<vmem_shared>>) target_semaphore(%run_scoped3A : memref<!tpu.dma_semaphore, #tpu.memory_space<semaphore_mem>>)
      %dma_wait3A_123 = arith.constant 0 : i32
      %dma_wait3A_124 = tpu.memref_slice %arg15[%add3A_37, %dma_wait3A_123] : memref<10240x128xf32, #tpu.memory_space<vmem_shared>> -> memref<64x128xf32, #tpu.memory_space<vmem_shared>>
      %dma_wait3A_125 = arith.constant 0 : i32
      %dma_wait3A_126 = tpu.memref_slice %arg15[%add3A_37, %dma_wait3A_125] : memref<10240x128xf32, #tpu.memory_space<vmem_shared>> -> memref<64x128xf32, #tpu.memory_space<vmem_shared>>
      tpu.wait_dma2 semaphore(%run_scoped3A : memref<!tpu.dma_semaphore, #tpu.memory_space<semaphore_mem>>) src(%arg13 : memref<64x128xf32, #tpu.memory_space<vmem>>) dst(%dma_wait3A_126 : memref<64x128xf32, #tpu.memory_space<vmem_shared>>)
      tpu.yield
    }) : () -> ()
    %mul3A_38 = arith.constant 640 : i32
    %mul3A_39 = arith.muli %arg1, %mul3A_38 : i32
    %add3A_40 = arith.constant 384 : i32
    %add3A_41 = arith.addi %mul3A_39, %add3A_40 : i32
    "tpu.region"() ({
      %run_scoped3A = tpu.sem_alloc : memref<!tpu.dma_semaphore, #tpu.memory_space<semaphore_mem>>
      %dma_start3A_119 = arith.constant 0 : i32
      %dma_start3A_120 = tpu.memref_slice %arg15[%add3A_41, %dma_start3A_119] : memref<10240x128xf32, #tpu.memory_space<vmem_shared>> -> memref<64x128xf32, #tpu.memory_space<vmem_shared>>
      %dma_start3A_121 = arith.constant 0 : i32
      %dma_start3A_122 = tpu.memref_slice %arg15[%add3A_41, %dma_start3A_121] : memref<10240x128xf32, #tpu.memory_space<vmem_shared>> -> memref<64x128xf32, #tpu.memory_space<vmem_shared>>
      tpu.enqueue_dma source(%arg13 : memref<64x128xf32, #tpu.memory_space<vmem>>) target(%dma_start3A_122 : memref<64x128xf32, #tpu.memory_space<vmem_shared>>) target_semaphore(%run_scoped3A : memref<!tpu.dma_semaphore, #tpu.memory_space<semaphore_mem>>)
      %dma_wait3A_123 = arith.constant 0 : i32
      %dma_wait3A_124 = tpu.memref_slice %arg15[%add3A_41, %dma_wait3A_123] : memref<10240x128xf32, #tpu.memory_space<vmem_shared>> -> memref<64x128xf32, #tpu.memory_space<vmem_shared>>
      %dma_wait3A_125 = arith.constant 0 : i32
      %dma_wait3A_126 = tpu.memref_slice %arg15[%add3A_41, %dma_wait3A_125] : memref<10240x128xf32, #tpu.memory_space<vmem_shared>> -> memref<64x128xf32, #tpu.memory_space<vmem_shared>>
      tpu.wait_dma2 semaphore(%run_scoped3A : memref<!tpu.dma_semaphore, #tpu.memory_space<semaphore_mem>>) src(%arg13 : memref<64x128xf32, #tpu.memory_space<vmem>>) dst(%dma_wait3A_126 : memref<64x128xf32, #tpu.memory_space<vmem_shared>>)
      tpu.yield
    }) : () -> ()
    %mul3A_42 = arith.constant 640 : i32
    %mul3A_43 = arith.muli %arg1, %mul3A_42 : i32
    %add3A_44 = arith.constant 448 : i32
    %add3A_45 = arith.addi %mul3A_43, %add3A_44 : i32
    "tpu.region"() ({
      %run_scoped3A = tpu.sem_alloc : memref<!tpu.dma_semaphore, #tpu.memory_space<semaphore_mem>>
      %dma_start3A_119 = arith.constant 0 : i32
      %dma_start3A_120 = tpu.memref_slice %arg15[%add3A_45, %dma_start3A_119] : memref<10240x128xf32, #tpu.memory_space<vmem_shared>> -> memref<64x128xf32, #tpu.memory_space<vmem_shared>>
      %dma_start3A_121 = arith.constant 0 : i32
      %dma_start3A_122 = tpu.memref_slice %arg15[%add3A_45, %dma_start3A_121] : memref<10240x128xf32, #tpu.memory_space<vmem_shared>> -> memref<64x128xf32, #tpu.memory_space<vmem_shared>>
      tpu.enqueue_dma source(%arg13 : memref<64x128xf32, #tpu.memory_space<vmem>>) target(%dma_start3A_122 : memref<64x128xf32, #tpu.memory_space<vmem_shared>>) target_semaphore(%run_scoped3A : memref<!tpu.dma_semaphore, #tpu.memory_space<semaphore_mem>>)
      %dma_wait3A_123 = arith.constant 0 : i32
      %dma_wait3A_124 = tpu.memref_slice %arg15[%add3A_45, %dma_wait3A_123] : memref<10240x128xf32, #tpu.memory_space<vmem_shared>> -> memref<64x128xf32, #tpu.memory_space<vmem_shared>>
      %dma_wait3A_125 = arith.constant 0 : i32
      %dma_wait3A_126 = tpu.memref_slice %arg15[%add3A_45, %dma_wait3A_125] : memref<10240x128xf32, #tpu.memory_space<vmem_shared>> -> memref<64x128xf32, #tpu.memory_space<vmem_shared>>
      tpu.wait_dma2 semaphore(%run_scoped3A : memref<!tpu.dma_semaphore, #tpu.memory_space<semaphore_mem>>) src(%arg13 : memref<64x128xf32, #tpu.memory_space<vmem>>) dst(%dma_wait3A_126 : memref<64x128xf32, #tpu.memory_space<vmem_shared>>)
      tpu.yield
    }) : () -> ()
    %mul3A_46 = arith.constant 640 : i32
    %mul3A_47 = arith.muli %arg1, %mul3A_46 : i32
    %add3A_48 = arith.constant 512 : i32
    %add3A_49 = arith.addi %mul3A_47, %add3A_48 : i32
    "tpu.region"() ({
      %run_scoped3A = tpu.sem_alloc : memref<!tpu.dma_semaphore, #tpu.memory_space<semaphore_mem>>
      %dma_start3A_119 = arith.constant 0 : i32
      %dma_start3A_120 = tpu.memref_slice %arg15[%add3A_49, %dma_start3A_119] : memref<10240x128xf32, #tpu.memory_space<vmem_shared>> -> memref<64x128xf32, #tpu.memory_space<vmem_shared>>
      %dma_start3A_121 = arith.constant 0 : i32
      %dma_start3A_122 = tpu.memref_slice %arg15[%add3A_49, %dma_start3A_121] : memref<10240x128xf32, #tpu.memory_space<vmem_shared>> -> memref<64x128xf32, #tpu.memory_space<vmem_shared>>
      tpu.enqueue_dma source(%arg13 : memref<64x128xf32, #tpu.memory_space<vmem>>) target(%dma_start3A_122 : memref<64x128xf32, #tpu.memory_space<vmem_shared>>) target_semaphore(%run_scoped3A : memref<!tpu.dma_semaphore, #tpu.memory_space<semaphore_mem>>)
      %dma_wait3A_123 = arith.constant 0 : i32
      %dma_wait3A_124 = tpu.memref_slice %arg15[%add3A_49, %dma_wait3A_123] : memref<10240x128xf32, #tpu.memory_space<vmem_shared>> -> memref<64x128xf32, #tpu.memory_space<vmem_shared>>
      %dma_wait3A_125 = arith.constant 0 : i32
      %dma_wait3A_126 = tpu.memref_slice %arg15[%add3A_49, %dma_wait3A_125] : memref<10240x128xf32, #tpu.memory_space<vmem_shared>> -> memref<64x128xf32, #tpu.memory_space<vmem_shared>>
      tpu.wait_dma2 semaphore(%run_scoped3A : memref<!tpu.dma_semaphore, #tpu.memory_space<semaphore_mem>>) src(%arg13 : memref<64x128xf32, #tpu.memory_space<vmem>>) dst(%dma_wait3A_126 : memref<64x128xf32, #tpu.memory_space<vmem_shared>>)
      tpu.yield
    }) : () -> ()
    %mul3A_50 = arith.constant 640 : i32
    %mul3A_51 = arith.muli %arg1, %mul3A_50 : i32
    %add3A_52 = arith.constant 576 : i32
    %add3A_53 = arith.addi %mul3A_51, %add3A_52 : i32
    "tpu.region"() ({
      %run_scoped3A = tpu.sem_alloc : memref<!tpu.dma_semaphore, #tpu.memory_space<semaphore_mem>>
      %dma_start3A_119 = arith.constant 0 : i32
      %dma_start3A_120 = tpu.memref_slice %arg15[%add3A_53, %dma_start3A_119] : memref<10240x128xf32, #tpu.memory_space<vmem_shared>> -> memref<64x128xf32, #tpu.memory_space<vmem_shared>>
      %dma_start3A_121 = arith.constant 0 : i32
      %dma_start3A_122 = tpu.memref_slice %arg15[%add3A_53, %dma_start3A_121] : memref<10240x128xf32, #tpu.memory_space<vmem_shared>> -> memref<64x128xf32, #tpu.memory_space<vmem_shared>>
      tpu.enqueue_dma source(%arg13 : memref<64x128xf32, #tpu.memory_space<vmem>>) target(%dma_start3A_122 : memref<64x128xf32, #tpu.memory_space<vmem_shared>>) target_semaphore(%run_scoped3A : memref<!tpu.dma_semaphore, #tpu.memory_space<semaphore_mem>>)
      %dma_wait3A_123 = arith.constant 0 : i32
      %dma_wait3A_124 = tpu.memref_slice %arg15[%add3A_53, %dma_wait3A_123] : memref<10240x128xf32, #tpu.memory_space<vmem_shared>> -> memref<64x128xf32, #tpu.memory_space<vmem_shared>>
      %dma_wait3A_125 = arith.constant 0 : i32
      %dma_wait3A_126 = tpu.memref_slice %arg15[%add3A_53, %dma_wait3A_125] : memref<10240x128xf32, #tpu.memory_space<vmem_shared>> -> memref<64x128xf32, #tpu.memory_space<vmem_shared>>
      tpu.wait_dma2 semaphore(%run_scoped3A : memref<!tpu.dma_semaphore, #tpu.memory_space<semaphore_mem>>) src(%arg13 : memref<64x128xf32, #tpu.memory_space<vmem>>) dst(%dma_wait3A_126 : memref<64x128xf32, #tpu.memory_space<vmem_shared>>)
      tpu.yield
    }) : () -> ()
    %barrier3A = arith.constant 0 : index
    tpu.barrier barrier_id(%barrier3A)
    %dma_start3A = arith.constant 0 : i32
    %dma_start3A_54 = tpu.memref_slice %arg4[%add3A_7, %dma_start3A] : memref<5000x64xi32, #tpu.memory_space<hbm>> -> memref<1x64xi32, #tpu.memory_space<hbm>>
    %dma_start3A_55 = tpu.memref_squeeze %dma_start3A_54 : memref<1x64xi32, #tpu.memory_space<hbm>> -> memref<64xi32, #tpu.memory_space<hbm>>
    %dma_start3A_56 = arith.constant 0 : i32
    %dma_start3A_57 = tpu.memref_slice %arg4[%add3A_7, %dma_start3A_56] : memref<5000x64xi32, #tpu.memory_space<hbm>> -> memref<1x64xi32, #tpu.memory_space<hbm>>
    %dma_start3A_58 = tpu.memref_squeeze %dma_start3A_57 : memref<1x64xi32, #tpu.memory_space<hbm>> -> memref<64xi32, #tpu.memory_space<hbm>>
    tpu.enqueue_dma source(%dma_start3A_58 : memref<64xi32, #tpu.memory_space<hbm>>) target(%arg7 : memref<64xi32, #tpu.memory_space<vmem>>) target_semaphore(%arg16 : memref<!tpu.dma_semaphore, #tpu.memory_space<semaphore_mem>>)
    %dma_start3A_59 = arith.constant 0 : i32
    %dma_start3A_60 = tpu.memref_slice %arg5[%add3A_7, %dma_start3A_59] : memref<5000x64xi32, #tpu.memory_space<hbm>> -> memref<1x64xi32, #tpu.memory_space<hbm>>
    %dma_start3A_61 = tpu.memref_squeeze %dma_start3A_60 : memref<1x64xi32, #tpu.memory_space<hbm>> -> memref<64xi32, #tpu.memory_space<hbm>>
    %dma_start3A_62 = arith.constant 0 : i32
    %dma_start3A_63 = tpu.memref_slice %arg5[%add3A_7, %dma_start3A_62] : memref<5000x64xi32, #tpu.memory_space<hbm>> -> memref<1x64xi32, #tpu.memory_space<hbm>>
    %dma_start3A_64 = tpu.memref_squeeze %dma_start3A_63 : memref<1x64xi32, #tpu.memory_space<hbm>> -> memref<64xi32, #tpu.memory_space<hbm>>
    tpu.enqueue_dma source(%dma_start3A_64 : memref<64xi32, #tpu.memory_space<hbm>>) target(%arg9 : memref<64xi32, #tpu.memory_space<vmem>>) target_semaphore(%arg18 : memref<!tpu.dma_semaphore, #tpu.memory_space<semaphore_mem>>)
    %mul3A_65 = arith.constant 64 : i32
    %mul3A_66 = arith.muli %add3A_7, %mul3A_65 : i32
    %dma_start3A_67 = arith.constant 0 : i32
    %dma_start3A_68 = tpu.memref_slice %arg3[%mul3A_66, %dma_start3A_67] : memref<320000x128xf32, #tpu.memory_space<hbm>> -> memref<64x128xf32, #tpu.memory_space<hbm>>
    %dma_start3A_69 = arith.constant 0 : i32
    %dma_start3A_70 = tpu.memref_slice %arg3[%mul3A_66, %dma_start3A_69] : memref<320000x128xf32, #tpu.memory_space<hbm>> -> memref<64x128xf32, #tpu.memory_space<hbm>>
    tpu.enqueue_dma source(%dma_start3A_70 : memref<64x128xf32, #tpu.memory_space<hbm>>) target(%arg11 : memref<64x128xf32, #tpu.memory_space<vmem>>) target_semaphore(%arg20 : memref<!tpu.dma_semaphore, #tpu.memory_space<semaphore_mem>>)
    %add3A_71 = arith.constant 1 : i32
    %add3A_72 = arith.addi %add3A_7, %add3A_71 : i32
    %dma_start3A_73 = arith.constant 0 : i32
    %dma_start3A_74 = tpu.memref_slice %arg4[%add3A_72, %dma_start3A_73] : memref<5000x64xi32, #tpu.memory_space<hbm>> -> memref<1x64xi32, #tpu.memory_space<hbm>>
    %dma_start3A_75 = tpu.memref_squeeze %dma_start3A_74 : memref<1x64xi32, #tpu.memory_space<hbm>> -> memref<64xi32, #tpu.memory_space<hbm>>
    %dma_start3A_76 = arith.constant 0 : i32
    %dma_start3A_77 = tpu.memref_slice %arg4[%add3A_72, %dma_start3A_76] : memref<5000x64xi32, #tpu.memory_space<hbm>> -> memref<1x64xi32, #tpu.memory_space<hbm>>
    %dma_start3A_78 = tpu.memref_squeeze %dma_start3A_77 : memref<1x64xi32, #tpu.memory_space<hbm>> -> memref<64xi32, #tpu.memory_space<hbm>>
    tpu.enqueue_dma source(%dma_start3A_78 : memref<64xi32, #tpu.memory_space<hbm>>) target(%arg8 : memref<64xi32, #tpu.memory_space<vmem>>) target_semaphore(%arg17 : memref<!tpu.dma_semaphore, #tpu.memory_space<semaphore_mem>>)
    %dma_start3A_79 = arith.constant 0 : i32
    %dma_start3A_80 = tpu.memref_slice %arg5[%add3A_72, %dma_start3A_79] : memref<5000x64xi32, #tpu.memory_space<hbm>> -> memref<1x64xi32, #tpu.memory_space<hbm>>
    %dma_start3A_81 = tpu.memref_squeeze %dma_start3A_80 : memref<1x64xi32, #tpu.memory_space<hbm>> -> memref<64xi32, #tpu.memory_space<hbm>>
    %dma_start3A_82 = arith.constant 0 : i32
    %dma_start3A_83 = tpu.memref_slice %arg5[%add3A_72, %dma_start3A_82] : memref<5000x64xi32, #tpu.memory_space<hbm>> -> memref<1x64xi32, #tpu.memory_space<hbm>>
    %dma_start3A_84 = tpu.memref_squeeze %dma_start3A_83 : memref<1x64xi32, #tpu.memory_space<hbm>> -> memref<64xi32, #tpu.memory_space<hbm>>
    tpu.enqueue_dma source(%dma_start3A_84 : memref<64xi32, #tpu.memory_space<hbm>>) target(%arg10 : memref<64xi32, #tpu.memory_space<vmem>>) target_semaphore(%arg19 : memref<!tpu.dma_semaphore, #tpu.memory_space<semaphore_mem>>)
    %mul3A_85 = arith.constant 64 : i32
    %mul3A_86 = arith.muli %add3A_72, %mul3A_85 : i32
    %dma_start3A_87 = arith.constant 0 : i32
    %dma_start3A_88 = tpu.memref_slice %arg3[%mul3A_86, %dma_start3A_87] : memref<320000x128xf32, #tpu.memory_space<hbm>> -> memref<64x128xf32, #tpu.memory_space<hbm>>
    %dma_start3A_89 = arith.constant 0 : i32
    %dma_start3A_90 = tpu.memref_slice %arg3[%mul3A_86, %dma_start3A_89] : memref<320000x128xf32, #tpu.memory_space<hbm>> -> memref<64x128xf32, #tpu.memory_space<hbm>>
    tpu.enqueue_dma source(%dma_start3A_90 : memref<64x128xf32, #tpu.memory_space<hbm>>) target(%arg12 : memref<64x128xf32, #tpu.memory_space<vmem>>) target_semaphore(%arg21 : memref<!tpu.dma_semaphore, #tpu.memory_space<semaphore_mem>>)
    %dma_wait3A = arith.constant 0 : i32
    %dma_wait3A_91 = arith.constant 0 : i32
    %dma_wait3A_92 = tpu.memref_slice %arg4[%dma_wait3A, %dma_wait3A_91] : memref<5000x64xi32, #tpu.memory_space<hbm>> -> memref<1x64xi32, #tpu.memory_space<hbm>>
    %dma_wait3A_93 = tpu.memref_squeeze %dma_wait3A_92 : memref<1x64xi32, #tpu.memory_space<hbm>> -> memref<64xi32, #tpu.memory_space<hbm>>
    %dma_wait3A_94 = arith.constant 0 : i32
    %dma_wait3A_95 = tpu.memref_slice %arg4[%dma_wait3A, %dma_wait3A_94] : memref<5000x64xi32, #tpu.memory_space<hbm>> -> memref<1x64xi32, #tpu.memory_space<hbm>>
    %dma_wait3A_96 = tpu.memref_squeeze %dma_wait3A_95 : memref<1x64xi32, #tpu.memory_space<hbm>> -> memref<64xi32, #tpu.memory_space<hbm>>
    tpu.wait_dma2 semaphore(%arg16 : memref<!tpu.dma_semaphore, #tpu.memory_space<semaphore_mem>>) src(%dma_wait3A_96 : memref<64xi32, #tpu.memory_space<hbm>>) dst(%arg7 : memref<64xi32, #tpu.memory_space<vmem>>)
    %dma_start3A_97 = arith.constant 0 : i32
    %dma_start3A_98 = arith.constant 0 : i32
    %dma_start3A_99 = tpu.memref_slice %arg2[%dma_start3A_97, %dma_start3A_98] : memref<10000x128xf32, #tpu.memory_space<hbm>> -> memref<10000x128xf32, #tpu.memory_space<hbm>>
    tpu.enqueue_indirect_dma source(%dma_start3A_99 : memref<10000x128xf32, #tpu.memory_space<hbm>>) target(%arg13 : memref<64x128xf32, #tpu.memory_space<vmem>>) offsets(%arg7 : memref<64xi32, #tpu.memory_space<vmem>>) semaphore(%arg22 : memref<!tpu.dma_semaphore, #tpu.memory_space<semaphore_mem>>)
    %scan3A_100 = arith.constant 0 : i32
    %scan3A_101 = arith.constant 0 : i32
    %scan3A_102 = arith.constant 79 : i32
    %scan3A_103 = arith.addi %scan3A_101, %scan3A_102 : i32
    %scan3A_104 = arith.constant 1 : i32
    %scan3A_105 = scf.for %scan3A_119 = %scan3A_101 to %scan3A_103 step %scan3A_104 iter_args(%scan3A_120 = %scan3A_100) -> (i32)  : i32 {
      %mul3A_121 = arith.constant 2 : i32
      %mul3A_122 = arith.muli %scan3A_119, %mul3A_121 : i32
      %add3A_123 = arith.constant 0 : i32
      %add3A_124 = arith.addi %mul3A_122, %add3A_123 : i32
      %lt3A_125 = arith.cmpi slt, %add3A_124, %add3A_3 : i32
      %convert_element_type3A_126 = arith.extui %lt3A_125 : i1 to i32
      %cond3A_127 = arith.constant 0 : i32
      %cond3A_128 = arith.cmpi ne, %convert_element_type3A_126, %cond3A_127 : i32
      scf.if %cond3A_128 {
        %add3A_138 = arith.constant 1 : i32
        %add3A_139 = arith.addi %add3A_124, %add3A_138 : i32
        %lt3A_140 = arith.cmpi slt, %add3A_139, %add3A_3 : i32
        %convert_element_type3A_141 = arith.extui %lt3A_140 : i1 to i32
        %cond3A_142 = arith.constant 0 : i32
        %cond3A_143 = arith.cmpi ne, %convert_element_type3A_141, %cond3A_142 : i32
        scf.if %cond3A_143 {
          %dma_wait3A_176 = arith.constant 0 : i32
          %dma_wait3A_177 = arith.constant 0 : i32
          %dma_wait3A_178 = tpu.memref_slice %arg4[%dma_wait3A_176, %dma_wait3A_177] : memref<5000x64xi32, #tpu.memory_space<hbm>> -> memref<1x64xi32, #tpu.memory_space<hbm>>
          %dma_wait3A_179 = tpu.memref_squeeze %dma_wait3A_178 : memref<1x64xi32, #tpu.memory_space<hbm>> -> memref<64xi32, #tpu.memory_space<hbm>>
          %dma_wait3A_180 = arith.constant 0 : i32
          %dma_wait3A_181 = tpu.memref_slice %arg4[%dma_wait3A_176, %dma_wait3A_180] : memref<5000x64xi32, #tpu.memory_space<hbm>> -> memref<1x64xi32, #tpu.memory_space<hbm>>
          %dma_wait3A_182 = tpu.memref_squeeze %dma_wait3A_181 : memref<1x64xi32, #tpu.memory_space<hbm>> -> memref<64xi32, #tpu.memory_space<hbm>>
          tpu.wait_dma2 semaphore(%arg17 : memref<!tpu.dma_semaphore, #tpu.memory_space<semaphore_mem>>) src(%dma_wait3A_182 : memref<64xi32, #tpu.memory_space<hbm>>) dst(%arg8 : memref<64xi32, #tpu.memory_space<vmem>>)
          %ge3A = arith.constant 1 : i32
          %ge3A_183 = arith.cmpi sge, %add3A_124, %ge3A : i32
          %convert_element_type3A_184 = arith.extui %ge3A_183 : i1 to i32
          %cond3A_185 = arith.constant 0 : i32
          %cond3A_186 = arith.cmpi ne, %convert_element_type3A_184, %cond3A_185 : i32
          scf.if %cond3A_186 {
            %dma_wait3A_190 = arith.constant 0 : i32
            %dma_wait3A_191 = arith.constant 0 : i32
            %dma_wait3A_192 = tpu.memref_slice %arg15[%dma_wait3A_190, %dma_wait3A_191] : memref<10240x128xf32, #tpu.memory_space<vmem_shared>> -> memref<10240x128xf32, #tpu.memory_space<vmem_shared>>
            tpu.wait_indirect_dma semaphore(%arg25 : memref<!tpu.dma_semaphore, #tpu.memory_space<semaphore_mem>>) src(%arg14 : memref<64x128xf32, #tpu.memory_space<vmem>>) dst(%dma_wait3A_192 : memref<10240x128xf32, #tpu.memory_space<vmem_shared>>)
          } else {
          }
          %dma_start3A_187 = arith.constant 0 : i32
          %dma_start3A_188 = arith.constant 0 : i32
          %dma_start3A_189 = tpu.memref_slice %arg2[%dma_start3A_187, %dma_start3A_188] : memref<10000x128xf32, #tpu.memory_space<hbm>> -> memref<10000x128xf32, #tpu.memory_space<hbm>>
          tpu.enqueue_indirect_dma source(%dma_start3A_189 : memref<10000x128xf32, #tpu.memory_space<hbm>>) target(%arg14 : memref<64x128xf32, #tpu.memory_space<vmem>>) offsets(%arg8 : memref<64xi32, #tpu.memory_space<vmem>>) semaphore(%arg23 : memref<!tpu.dma_semaphore, #tpu.memory_space<semaphore_mem>>)
        } else {
        }
        %dma_wait3A_144 = arith.constant 0 : i32
        %dma_wait3A_145 = arith.constant 0 : i32
        %dma_wait3A_146 = tpu.memref_slice %arg2[%dma_wait3A_144, %dma_wait3A_145] : memref<10000x128xf32, #tpu.memory_space<hbm>> -> memref<10000x128xf32, #tpu.memory_space<hbm>>
        tpu.wait_indirect_dma semaphore(%arg22 : memref<!tpu.dma_semaphore, #tpu.memory_space<semaphore_mem>>) src(%dma_wait3A_146 : memref<10000x128xf32, #tpu.memory_space<hbm>>) dst(%arg13 : memref<64x128xf32, #tpu.memory_space<vmem>>)
        %dma_wait3A_147 = arith.constant 0 : i32
        %dma_wait3A_148 = arith.constant 0 : i32
        %dma_wait3A_149 = tpu.memref_slice %arg3[%dma_wait3A_147, %dma_wait3A_148] : memref<320000x128xf32, #tpu.memory_space<hbm>> -> memref<64x128xf32, #tpu.memory_space<hbm>>
        %dma_wait3A_150 = arith.constant 0 : i32
        %dma_wait3A_151 = arith.constant 0 : i32
        %dma_wait3A_152 = tpu.memref_slice %arg3[%dma_wait3A_150, %dma_wait3A_151] : memref<320000x128xf32, #tpu.memory_space<hbm>> -> memref<64x128xf32, #tpu.memory_space<hbm>>
        tpu.wait_dma2 semaphore(%arg20 : memref<!tpu.dma_semaphore, #tpu.memory_space<semaphore_mem>>) src(%dma_wait3A_152 : memref<64x128xf32, #tpu.memory_space<hbm>>) dst(%arg11 : memref<64x128xf32, #tpu.memory_space<vmem>>)
        %dma_wait3A_153 = arith.constant 0 : i32
        %dma_wait3A_154 = arith.constant 0 : i32
        %dma_wait3A_155 = tpu.memref_slice %arg5[%dma_wait3A_153, %dma_wait3A_154] : memref<5000x64xi32, #tpu.memory_space<hbm>> -> memref<1x64xi32, #tpu.memory_space<hbm>>
        %dma_wait3A_156 = tpu.memref_squeeze %dma_wait3A_155 : memref<1x64xi32, #tpu.memory_space<hbm>> -> memref<64xi32, #tpu.memory_space<hbm>>
        %dma_wait3A_157 = arith.constant 0 : i32
        %dma_wait3A_158 = tpu.memref_slice %arg5[%dma_wait3A_153, %dma_wait3A_157] : memref<5000x64xi32, #tpu.memory_space<hbm>> -> memref<1x64xi32, #tpu.memory_space<hbm>>
        %dma_wait3A_159 = tpu.memref_squeeze %dma_wait3A_158 : memref<1x64xi32, #tpu.memory_space<hbm>> -> memref<64xi32, #tpu.memory_space<hbm>>
        tpu.wait_dma2 semaphore(%arg18 : memref<!tpu.dma_semaphore, #tpu.memory_space<semaphore_mem>>) src(%dma_wait3A_159 : memref<64xi32, #tpu.memory_space<hbm>>) dst(%arg9 : memref<64xi32, #tpu.memory_space<vmem>>)
        %scan3A_160 = arith.constant 0 : i32
        %scan3A_161 = arith.constant 0 : i32
        %scan3A_162 = arith.constant 64 : i32
        %scan3A_163 = arith.addi %scan3A_161, %scan3A_162 : i32
        %scan3A_164 = arith.constant 1 : i32
        %scan3A_165 = scf.for %scan3A_176 = %scan3A_161 to %scan3A_163 step %scan3A_164 iter_args(%scan3A_177 = %scan3A_160) -> (i32)  : i32 {
          %get3A = arith.index_cast %scan3A_176 : i32 to index
          %get3A_178 = arith.constant 0 : index
          %get3A_179 = tpu.vector_load %arg13[%get3A, %get3A_178] {strides = array<i32>} : memref<64x128xf32, #tpu.memory_space<vmem>>, vector<1x16xf32>,
          %get3A_180 = vector.shape_cast %get3A_179 : vector<1x16xf32> to vector<16xf32>
          %get3A_181 = arith.index_cast %scan3A_176 : i32 to index
          %get3A_182 = arith.constant 0 : index
          %get3A_183 = tpu.vector_load %arg11[%get3A_181, %get3A_182] {strides = array<i32>} : memref<64x128xf32, #tpu.memory_space<vmem>>, vector<1x16xf32>,
          %get3A_184 = vector.shape_cast %get3A_183 : vector<1x16xf32> to vector<16xf32>
          %mul3A_185 = arith.mulf %get3A_180, %get3A_184 : vector<16xf32>
          %swap3A = arith.index_cast %scan3A_176 : i32 to index
          %swap3A_186 = arith.constant 0 : index
          %swap3A_187 = tpu.vector_load %arg13[%swap3A, %swap3A_186] {strides = array<i32>} : memref<64x128xf32, #tpu.memory_space<vmem>>, vector<1x16xf32>,
          %swap3A_188 = vector.shape_cast %swap3A_187 : vector<1x16xf32> to vector<16xf32>
          %swap3A_189 = vector.shape_cast %mul3A_185 : vector<16xf32> to vector<1x16xf32>
          tpu.vector_store %arg13[%swap3A, %swap3A_186], %swap3A_189 {strides = array<i32>} : memref<64x128xf32, #tpu.memory_space<vmem>>, vector<1x16xf32>,
          %get3A_190 = arith.index_cast %scan3A_176 : i32 to index
          %get3A_191 = arith.constant 16 : index
          %get3A_192 = tpu.vector_load %arg13[%get3A_190, %get3A_191] {strides = array<i32>} : memref<64x128xf32, #tpu.memory_space<vmem>>, vector<1x16xf32>,
          %get3A_193 = vector.shape_cast %get3A_192 : vector<1x16xf32> to vector<16xf32>
          %get3A_194 = arith.index_cast %scan3A_176 : i32 to index
          %get3A_195 = arith.constant 16 : index
          %get3A_196 = tpu.vector_load %arg11[%get3A_194, %get3A_195] {strides = array<i32>} : memref<64x128xf32, #tpu.memory_space<vmem>>, vector<1x16xf32>,
          %get3A_197 = vector.shape_cast %get3A_196 : vector<1x16xf32> to vector<16xf32>
          %mul3A_198 = arith.mulf %get3A_193, %get3A_197 : vector<16xf32>
          %swap3A_199 = arith.index_cast %scan3A_176 : i32 to index
          %swap3A_200 = arith.constant 16 : index
          %swap3A_201 = tpu.vector_load %arg13[%swap3A_199, %swap3A_200] {strides = array<i32>} : memref<64x128xf32, #tpu.memory_space<vmem>>, vector<1x16xf32>,
          %swap3A_202 = vector.shape_cast %swap3A_201 : vector<1x16xf32> to vector<16xf32>
          %swap3A_203 = vector.shape_cast %mul3A_198 : vector<16xf32> to vector<1x16xf32>
          tpu.vector_store %arg13[%swap3A_199, %swap3A_200], %swap3A_203 {strides = array<i32>} : memref<64x128xf32, #tpu.memory_space<vmem>>, vector<1x16xf32>,
          %get3A_204 = arith.index_cast %scan3A_176 : i32 to index
          %get3A_205 = arith.constant 32 : index
          %get3A_206 = tpu.vector_load %arg13[%get3A_204, %get3A_205] {strides = array<i32>} : memref<64x128xf32, #tpu.memory_space<vmem>>, vector<1x16xf32>,
          %get3A_207 = vector.shape_cast %get3A_206 : vector<1x16xf32> to vector<16xf32>
          %get3A_208 = arith.index_cast %scan3A_176 : i32 to index
          %get3A_209 = arith.constant 32 : index
          %get3A_210 = tpu.vector_load %arg11[%get3A_208, %get3A_209] {strides = array<i32>} : memref<64x128xf32, #tpu.memory_space<vmem>>, vector<1x16xf32>,
          %get3A_211 = vector.shape_cast %get3A_210 : vector<1x16xf32> to vector<16xf32>
          %mul3A_212 = arith.mulf %get3A_207, %get3A_211 : vector<16xf32>
          %swap3A_213 = arith.index_cast %scan3A_176 : i32 to index
          %swap3A_214 = arith.constant 32 : index
          %swap3A_215 = tpu.vector_load %arg13[%swap3A_213, %swap3A_214] {strides = array<i32>} : memref<64x128xf32, #tpu.memory_space<vmem>>, vector<1x16xf32>,
          %swap3A_216 = vector.shape_cast %swap3A_215 : vector<1x16xf32> to vector<16xf32>
          %swap3A_217 = vector.shape_cast %mul3A_212 : vector<16xf32> to vector<1x16xf32>
          tpu.vector_store %arg13[%swap3A_213, %swap3A_214], %swap3A_217 {strides = array<i32>} : memref<64x128xf32, #tpu.memory_space<vmem>>, vector<1x16xf32>,
          %get3A_218 = arith.index_cast %scan3A_176 : i32 to index
          %get3A_219 = arith.constant 48 : index
          %get3A_220 = tpu.vector_load %arg13[%get3A_218, %get3A_219] {strides = array<i32>} : memref<64x128xf32, #tpu.memory_space<vmem>>, vector<1x16xf32>,
          %get3A_221 = vector.shape_cast %get3A_220 : vector<1x16xf32> to vector<16xf32>
          %get3A_222 = arith.index_cast %scan3A_176 : i32 to index
          %get3A_223 = arith.constant 48 : index
          %get3A_224 = tpu.vector_load %arg11[%get3A_222, %get3A_223] {strides = array<i32>} : memref<64x128xf32, #tpu.memory_space<vmem>>, vector<1x16xf32>,
          %get3A_225 = vector.shape_cast %get3A_224 : vector<1x16xf32> to vector<16xf32>
          %mul3A_226 = arith.mulf %get3A_221, %get3A_225 : vector<16xf32>
          %swap3A_227 = arith.index_cast %scan3A_176 : i32 to index
          %swap3A_228 = arith.constant 48 : index
          %swap3A_229 = tpu.vector_load %arg13[%swap3A_227, %swap3A_228] {strides = array<i32>} : memref<64x128xf32, #tpu.memory_space<vmem>>, vector<1x16xf32>,
          %swap3A_230 = vector.shape_cast %swap3A_229 : vector<1x16xf32> to vector<16xf32>
          %swap3A_231 = vector.shape_cast %mul3A_226 : vector<16xf32> to vector<1x16xf32>
          tpu.vector_store %arg13[%swap3A_227, %swap3A_228], %swap3A_231 {strides = array<i32>} : memref<64x128xf32, #tpu.memory_space<vmem>>, vector<1x16xf32>,
          %get3A_232 = arith.index_cast %scan3A_176 : i32 to index
          %get3A_233 = arith.constant 64 : index
          %get3A_234 = tpu.vector_load %arg13[%get3A_232, %get3A_233] {strides = array<i32>} : memref<64x128xf32, #tpu.memory_space<vmem>>, vector<1x16xf32>,
          %get3A_235 = vector.shape_cast %get3A_234 : vector<1x16xf32> to vector<16xf32>
          %get3A_236 = arith.index_cast %scan3A_176 : i32 to index
          %get3A_237 = arith.constant 64 : index
          %get3A_238 = tpu.vector_load %arg11[%get3A_236, %get3A_237] {strides = array<i32>} : memref<64x128xf32, #tpu.memory_space<vmem>>, vector<1x16xf32>,
          %get3A_239 = vector.shape_cast %get3A_238 : vector<1x16xf32> to vector<16xf32>
          %mul3A_240 = arith.mulf %get3A_235, %get3A_239 : vector<16xf32>
          %swap3A_241 = arith.index_cast %scan3A_176 : i32 to index
          %swap3A_242 = arith.constant 64 : index
          %swap3A_243 = tpu.vector_load %arg13[%swap3A_241, %swap3A_242] {strides = array<i32>} : memref<64x128xf32, #tpu.memory_space<vmem>>, vector<1x16xf32>,
          %swap3A_244 = vector.shape_cast %swap3A_243 : vector<1x16xf32> to vector<16xf32>
          %swap3A_245 = vector.shape_cast %mul3A_240 : vector<16xf32> to vector<1x16xf32>
          tpu.vector_store %arg13[%swap3A_241, %swap3A_242], %swap3A_245 {strides = array<i32>} : memref<64x128xf32, #tpu.memory_space<vmem>>, vector<1x16xf32>,
          %get3A_246 = arith.index_cast %scan3A_176 : i32 to index
          %get3A_247 = arith.constant 80 : index
          %get3A_248 = tpu.vector_load %arg13[%get3A_246, %get3A_247] {strides = array<i32>} : memref<64x128xf32, #tpu.memory_space<vmem>>, vector<1x16xf32>,
          %get3A_249 = vector.shape_cast %get3A_248 : vector<1x16xf32> to vector<16xf32>
          %get3A_250 = arith.index_cast %scan3A_176 : i32 to index
          %get3A_251 = arith.constant 80 : index
          %get3A_252 = tpu.vector_load %arg11[%get3A_250, %get3A_251] {strides = array<i32>} : memref<64x128xf32, #tpu.memory_space<vmem>>, vector<1x16xf32>,
          %get3A_253 = vector.shape_cast %get3A_252 : vector<1x16xf32> to vector<16xf32>
          %mul3A_254 = arith.mulf %get3A_249, %get3A_253 : vector<16xf32>
          %swap3A_255 = arith.index_cast %scan3A_176 : i32 to index
          %swap3A_256 = arith.constant 80 : index
          %swap3A_257 = tpu.vector_load %arg13[%swap3A_255, %swap3A_256] {strides = array<i32>} : memref<64x128xf32, #tpu.memory_space<vmem>>, vector<1x16xf32>,
          %swap3A_258 = vector.shape_cast %swap3A_257 : vector<1x16xf32> to vector<16xf32>
          %swap3A_259 = vector.shape_cast %mul3A_254 : vector<16xf32> to vector<1x16xf32>
          tpu.vector_store %arg13[%swap3A_255, %swap3A_256], %swap3A_259 {strides = array<i32>} : memref<64x128xf32, #tpu.memory_space<vmem>>, vector<1x16xf32>,
          %get3A_260 = arith.index_cast %scan3A_176 : i32 to index
          %get3A_261 = arith.constant 96 : index
          %get3A_262 = tpu.vector_load %arg13[%get3A_260, %get3A_261] {strides = array<i32>} : memref<64x128xf32, #tpu.memory_space<vmem>>, vector<1x16xf32>,
          %get3A_263 = vector.shape_cast %get3A_262 : vector<1x16xf32> to vector<16xf32>
          %get3A_264 = arith.index_cast %scan3A_176 : i32 to index
          %get3A_265 = arith.constant 96 : index
          %get3A_266 = tpu.vector_load %arg11[%get3A_264, %get3A_265] {strides = array<i32>} : memref<64x128xf32, #tpu.memory_space<vmem>>, vector<1x16xf32>,
          %get3A_267 = vector.shape_cast %get3A_266 : vector<1x16xf32> to vector<16xf32>
          %mul3A_268 = arith.mulf %get3A_263, %get3A_267 : vector<16xf32>
          %swap3A_269 = arith.index_cast %scan3A_176 : i32 to index
          %swap3A_270 = arith.constant 96 : index
          %swap3A_271 = tpu.vector_load %arg13[%swap3A_269, %swap3A_270] {strides = array<i32>} : memref<64x128xf32, #tpu.memory_space<vmem>>, vector<1x16xf32>,
          %swap3A_272 = vector.shape_cast %swap3A_271 : vector<1x16xf32> to vector<16xf32>
          %swap3A_273 = vector.shape_cast %mul3A_268 : vector<16xf32> to vector<1x16xf32>
          tpu.vector_store %arg13[%swap3A_269, %swap3A_270], %swap3A_273 {strides = array<i32>} : memref<64x128xf32, #tpu.memory_space<vmem>>, vector<1x16xf32>,
          %get3A_274 = arith.index_cast %scan3A_176 : i32 to index
          %get3A_275 = arith.constant 112 : index
          %get3A_276 = tpu.vector_load %arg13[%get3A_274, %get3A_275] {strides = array<i32>} : memref<64x128xf32, #tpu.memory_space<vmem>>, vector<1x16xf32>,
          %get3A_277 = vector.shape_cast %get3A_276 : vector<1x16xf32> to vector<16xf32>
          %get3A_278 = arith.index_cast %scan3A_176 : i32 to index
          %get3A_279 = arith.constant 112 : index
          %get3A_280 = tpu.vector_load %arg11[%get3A_278, %get3A_279] {strides = array<i32>} : memref<64x128xf32, #tpu.memory_space<vmem>>, vector<1x16xf32>,
          %get3A_281 = vector.shape_cast %get3A_280 : vector<1x16xf32> to vector<16xf32>
          %mul3A_282 = arith.mulf %get3A_277, %get3A_281 : vector<16xf32>
          %swap3A_283 = arith.index_cast %scan3A_176 : i32 to index
          %swap3A_284 = arith.constant 112 : index
          %swap3A_285 = tpu.vector_load %arg13[%swap3A_283, %swap3A_284] {strides = array<i32>} : memref<64x128xf32, #tpu.memory_space<vmem>>, vector<1x16xf32>,
          %swap3A_286 = vector.shape_cast %swap3A_285 : vector<1x16xf32> to vector<16xf32>
          %swap3A_287 = vector.shape_cast %mul3A_282 : vector<16xf32> to vector<1x16xf32>
          tpu.vector_store %arg13[%swap3A_283, %swap3A_284], %swap3A_287 {strides = array<i32>} : memref<64x128xf32, #tpu.memory_space<vmem>>, vector<1x16xf32>,
          %scan3A_288 = arith.constant 0 : i32
          scf.yield %scan3A_288 : i32
        }
        %scan3A_166 = arith.constant 64 : i32
        %dma_start3A_167 = arith.constant 0 : i32
        %dma_start3A_168 = arith.constant 0 : i32
        %dma_start3A_169 = tpu.memref_slice %arg15[%dma_start3A_167, %dma_start3A_168] : memref<10240x128xf32, #tpu.memory_space<vmem_shared>> -> memref<10240x128xf32, #tpu.memory_space<vmem_shared>>
        tpu.enqueue_indirect_dma source(%arg13 : memref<64x128xf32, #tpu.memory_space<vmem>>) target(%dma_start3A_169 : memref<10240x128xf32, #tpu.memory_space<vmem_shared>>) offsets(%arg9 : memref<64xi32, #tpu.memory_space<vmem>>) semaphore(%arg24 : memref<!tpu.dma_semaphore, #tpu.memory_space<semaphore_mem>>) {add = true}
        %add3A_170 = arith.constant 2 : i32
        %add3A_171 = arith.addi %add3A_124, %add3A_170 : i32
        %lt3A_172 = arith.cmpi slt, %add3A_171, %add3A_3 : i32
        %convert_element_type3A_173 = arith.extui %lt3A_172 : i1 to i32
        %cond3A_174 = arith.constant 0 : i32
        %cond3A_175 = arith.cmpi ne, %convert_element_type3A_173, %cond3A_174 : i32
        scf.if %cond3A_175 {
          %add3A_176 = arith.addi %add3A_7, %add3A_124 : i32
          %add3A_177 = arith.constant 2 : i32
          %add3A_178 = arith.addi %add3A_176, %add3A_177 : i32
          %dma_start3A_179 = arith.constant 0 : i32
          %dma_start3A_180 = tpu.memref_slice %arg4[%add3A_178, %dma_start3A_179] : memref<5000x64xi32, #tpu.memory_space<hbm>> -> memref<1x64xi32, #tpu.memory_space<hbm>>
          %dma_start3A_181 = tpu.memref_squeeze %dma_start3A_180 : memref<1x64xi32, #tpu.memory_space<hbm>> -> memref<64xi32, #tpu.memory_space<hbm>>
          %dma_start3A_182 = arith.constant 0 : i32
          %dma_start3A_183 = tpu.memref_slice %arg4[%add3A_178, %dma_start3A_182] : memref<5000x64xi32, #tpu.memory_space<hbm>> -> memref<1x64xi32, #tpu.memory_space<hbm>>
          %dma_start3A_184 = tpu.memref_squeeze %dma_start3A_183 : memref<1x64xi32, #tpu.memory_space<hbm>> -> memref<64xi32, #tpu.memory_space<hbm>>
          tpu.enqueue_dma source(%dma_start3A_184 : memref<64xi32, #tpu.memory_space<hbm>>) target(%arg7 : memref<64xi32, #tpu.memory_space<vmem>>) target_semaphore(%arg16 : memref<!tpu.dma_semaphore, #tpu.memory_space<semaphore_mem>>)
          %dma_start3A_185 = arith.constant 0 : i32
          %dma_start3A_186 = tpu.memref_slice %arg5[%add3A_178, %dma_start3A_185] : memref<5000x64xi32, #tpu.memory_space<hbm>> -> memref<1x64xi32, #tpu.memory_space<hbm>>
          %dma_start3A_187 = tpu.memref_squeeze %dma_start3A_186 : memref<1x64xi32, #tpu.memory_space<hbm>> -> memref<64xi32, #tpu.memory_space<hbm>>
          %dma_start3A_188 = arith.constant 0 : i32
          %dma_start3A_189 = tpu.memref_slice %arg5[%add3A_178, %dma_start3A_188] : memref<5000x64xi32, #tpu.memory_space<hbm>> -> memref<1x64xi32, #tpu.memory_space<hbm>>
          %dma_start3A_190 = tpu.memref_squeeze %dma_start3A_189 : memref<1x64xi32, #tpu.memory_space<hbm>> -> memref<64xi32, #tpu.memory_space<hbm>>
          tpu.enqueue_dma source(%dma_start3A_190 : memref<64xi32, #tpu.memory_space<hbm>>) target(%arg9 : memref<64xi32, #tpu.memory_space<vmem>>) target_semaphore(%arg18 : memref<!tpu.dma_semaphore, #tpu.memory_space<semaphore_mem>>)
          %mul3A_191 = arith.constant 64 : i32
          %mul3A_192 = arith.muli %add3A_178, %mul3A_191 : i32
          %dma_start3A_193 = arith.constant 0 : i32
          %dma_start3A_194 = tpu.memref_slice %arg3[%mul3A_192, %dma_start3A_193] : memref<320000x128xf32, #tpu.memory_space<hbm>> -> memref<64x128xf32, #tpu.memory_space<hbm>>
          %dma_start3A_195 = arith.constant 0 : i32
          %dma_start3A_196 = tpu.memref_slice %arg3[%mul3A_192, %dma_start3A_195] : memref<320000x128xf32, #tpu.memory_space<hbm>> -> memref<64x128xf32, #tpu.memory_space<hbm>>
          tpu.enqueue_dma source(%dma_start3A_196 : memref<64x128xf32, #tpu.memory_space<hbm>>) target(%arg11 : memref<64x128xf32, #tpu.memory_space<vmem>>) target_semaphore(%arg20 : memref<!tpu.dma_semaphore, #tpu.memory_space<semaphore_mem>>)
        } else {
        }
      } else {
      }
      %mul3A_129 = arith.constant 2 : i32
      %mul3A_130 = arith.muli %scan3A_119, %mul3A_129 : i32
      %add3A_131 = arith.constant 1 : i32
      %add3A_132 = arith.addi %mul3A_130, %add3A_131 : i32
      %lt3A_133 = arith.cmpi slt, %add3A_132, %add3A_3 : i32
      %convert_element_type3A_134 = arith.extui %lt3A_133 : i1 to i32
      %cond3A_135 = arith.constant 0 : i32
      %cond3A_136 = arith.cmpi ne, %convert_element_type3A_134, %cond3A_135 : i32
      scf.if %cond3A_136 {
        %add3A_138 = arith.constant 1 : i32
        %add3A_139 = arith.addi %add3A_132, %add3A_138 : i32
        %lt3A_140 = arith.cmpi slt, %add3A_139, %add3A_3 : i32
        %convert_element_type3A_141 = arith.extui %lt3A_140 : i1 to i32
        %cond3A_142 = arith.constant 0 : i32
        %cond3A_143 = arith.cmpi ne, %convert_element_type3A_141, %cond3A_142 : i32
        scf.if %cond3A_143 {
          %dma_wait3A_176 = arith.constant 0 : i32
          %dma_wait3A_177 = arith.constant 0 : i32
          %dma_wait3A_178 = tpu.memref_slice %arg4[%dma_wait3A_176, %dma_wait3A_177] : memref<5000x64xi32, #tpu.memory_space<hbm>> -> memref<1x64xi32, #tpu.memory_space<hbm>>
          %dma_wait3A_179 = tpu.memref_squeeze %dma_wait3A_178 : memref<1x64xi32, #tpu.memory_space<hbm>> -> memref<64xi32, #tpu.memory_space<hbm>>
          %dma_wait3A_180 = arith.constant 0 : i32
          %dma_wait3A_181 = tpu.memref_slice %arg4[%dma_wait3A_176, %dma_wait3A_180] : memref<5000x64xi32, #tpu.memory_space<hbm>> -> memref<1x64xi32, #tpu.memory_space<hbm>>
          %dma_wait3A_182 = tpu.memref_squeeze %dma_wait3A_181 : memref<1x64xi32, #tpu.memory_space<hbm>> -> memref<64xi32, #tpu.memory_space<hbm>>
          tpu.wait_dma2 semaphore(%arg16 : memref<!tpu.dma_semaphore, #tpu.memory_space<semaphore_mem>>) src(%dma_wait3A_182 : memref<64xi32, #tpu.memory_space<hbm>>) dst(%arg7 : memref<64xi32, #tpu.memory_space<vmem>>)
          %ge3A = arith.constant 1 : i32
          %ge3A_183 = arith.cmpi sge, %add3A_132, %ge3A : i32
          %convert_element_type3A_184 = arith.extui %ge3A_183 : i1 to i32
          %cond3A_185 = arith.constant 0 : i32
          %cond3A_186 = arith.cmpi ne, %convert_element_type3A_184, %cond3A_185 : i32
          scf.if %cond3A_186 {
            %dma_wait3A_190 = arith.constant 0 : i32
            %dma_wait3A_191 = arith.constant 0 : i32
            %dma_wait3A_192 = tpu.memref_slice %arg15[%dma_wait3A_190, %dma_wait3A_191] : memref<10240x128xf32, #tpu.memory_space<vmem_shared>> -> memref<10240x128xf32, #tpu.memory_space<vmem_shared>>
            tpu.wait_indirect_dma semaphore(%arg24 : memref<!tpu.dma_semaphore, #tpu.memory_space<semaphore_mem>>) src(%arg13 : memref<64x128xf32, #tpu.memory_space<vmem>>) dst(%dma_wait3A_192 : memref<10240x128xf32, #tpu.memory_space<vmem_shared>>)
          } else {
          }
          %dma_start3A_187 = arith.constant 0 : i32
          %dma_start3A_188 = arith.constant 0 : i32
          %dma_start3A_189 = tpu.memref_slice %arg2[%dma_start3A_187, %dma_start3A_188] : memref<10000x128xf32, #tpu.memory_space<hbm>> -> memref<10000x128xf32, #tpu.memory_space<hbm>>
          tpu.enqueue_indirect_dma source(%dma_start3A_189 : memref<10000x128xf32, #tpu.memory_space<hbm>>) target(%arg13 : memref<64x128xf32, #tpu.memory_space<vmem>>) offsets(%arg7 : memref<64xi32, #tpu.memory_space<vmem>>) semaphore(%arg22 : memref<!tpu.dma_semaphore, #tpu.memory_space<semaphore_mem>>)
        } else {
        }
        %dma_wait3A_144 = arith.constant 0 : i32
        %dma_wait3A_145 = arith.constant 0 : i32
        %dma_wait3A_146 = tpu.memref_slice %arg2[%dma_wait3A_144, %dma_wait3A_145] : memref<10000x128xf32, #tpu.memory_space<hbm>> -> memref<10000x128xf32, #tpu.memory_space<hbm>>
        tpu.wait_indirect_dma semaphore(%arg23 : memref<!tpu.dma_semaphore, #tpu.memory_space<semaphore_mem>>) src(%dma_wait3A_146 : memref<10000x128xf32, #tpu.memory_space<hbm>>) dst(%arg14 : memref<64x128xf32, #tpu.memory_space<vmem>>)
        %dma_wait3A_147 = arith.constant 0 : i32
        %dma_wait3A_148 = arith.constant 0 : i32
        %dma_wait3A_149 = tpu.memref_slice %arg3[%dma_wait3A_147, %dma_wait3A_148] : memref<320000x128xf32, #tpu.memory_space<hbm>> -> memref<64x128xf32, #tpu.memory_space<hbm>>
        %dma_wait3A_150 = arith.constant 0 : i32
        %dma_wait3A_151 = arith.constant 0 : i32
        %dma_wait3A_152 = tpu.memref_slice %arg3[%dma_wait3A_150, %dma_wait3A_151] : memref<320000x128xf32, #tpu.memory_space<hbm>> -> memref<64x128xf32, #tpu.memory_space<hbm>>
        tpu.wait_dma2 semaphore(%arg21 : memref<!tpu.dma_semaphore, #tpu.memory_space<semaphore_mem>>) src(%dma_wait3A_152 : memref<64x128xf32, #tpu.memory_space<hbm>>) dst(%arg12 : memref<64x128xf32, #tpu.memory_space<vmem>>)
        %dma_wait3A_153 = arith.constant 0 : i32
        %dma_wait3A_154 = arith.constant 0 : i32
        %dma_wait3A_155 = tpu.memref_slice %arg5[%dma_wait3A_153, %dma_wait3A_154] : memref<5000x64xi32, #tpu.memory_space<hbm>> -> memref<1x64xi32, #tpu.memory_space<hbm>>
        %dma_wait3A_156 = tpu.memref_squeeze %dma_wait3A_155 : memref<1x64xi32, #tpu.memory_space<hbm>> -> memref<64xi32, #tpu.memory_space<hbm>>
        %dma_wait3A_157 = arith.constant 0 : i32
        %dma_wait3A_158 = tpu.memref_slice %arg5[%dma_wait3A_153, %dma_wait3A_157] : memref<5000x64xi32, #tpu.memory_space<hbm>> -> memref<1x64xi32, #tpu.memory_space<hbm>>
        %dma_wait3A_159 = tpu.memref_squeeze %dma_wait3A_158 : memref<1x64xi32, #tpu.memory_space<hbm>> -> memref<64xi32, #tpu.memory_space<hbm>>
        tpu.wait_dma2 semaphore(%arg19 : memref<!tpu.dma_semaphore, #tpu.memory_space<semaphore_mem>>) src(%dma_wait3A_159 : memref<64xi32, #tpu.memory_space<hbm>>) dst(%arg10 : memref<64xi32, #tpu.memory_space<vmem>>)
        %scan3A_160 = arith.constant 0 : i32
        %scan3A_161 = arith.constant 0 : i32
        %scan3A_162 = arith.constant 64 : i32
        %scan3A_163 = arith.addi %scan3A_161, %scan3A_162 : i32
        %scan3A_164 = arith.constant 1 : i32
        %scan3A_165 = scf.for %scan3A_176 = %scan3A_161 to %scan3A_163 step %scan3A_164 iter_args(%scan3A_177 = %scan3A_160) -> (i32)  : i32 {
          %get3A = arith.index_cast %scan3A_176 : i32 to index
          %get3A_178 = arith.constant 0 : index
          %get3A_179 = tpu.vector_load %arg14[%get3A, %get3A_178] {strides = array<i32>} : memref<64x128xf32, #tpu.memory_space<vmem>>, vector<1x16xf32>,
          %get3A_180 = vector.shape_cast %get3A_179 : vector<1x16xf32> to vector<16xf32>
          %get3A_181 = arith.index_cast %scan3A_176 : i32 to index
          %get3A_182 = arith.constant 0 : index
          %get3A_183 = tpu.vector_load %arg12[%get3A_181, %get3A_182] {strides = array<i32>} : memref<64x128xf32, #tpu.memory_space<vmem>>, vector<1x16xf32>,
          %get3A_184 = vector.shape_cast %get3A_183 : vector<1x16xf32> to vector<16xf32>
          %mul3A_185 = arith.mulf %get3A_180, %get3A_184 : vector<16xf32>
          %swap3A = arith.index_cast %scan3A_176 : i32 to index
          %swap3A_186 = arith.constant 0 : index
          %swap3A_187 = tpu.vector_load %arg14[%swap3A, %swap3A_186] {strides = array<i32>} : memref<64x128xf32, #tpu.memory_space<vmem>>, vector<1x16xf32>,
          %swap3A_188 = vector.shape_cast %swap3A_187 : vector<1x16xf32> to vector<16xf32>
          %swap3A_189 = vector.shape_cast %mul3A_185 : vector<16xf32> to vector<1x16xf32>
          tpu.vector_store %arg14[%swap3A, %swap3A_186], %swap3A_189 {strides = array<i32>} : memref<64x128xf32, #tpu.memory_space<vmem>>, vector<1x16xf32>,
          %get3A_190 = arith.index_cast %scan3A_176 : i32 to index
          %get3A_191 = arith.constant 16 : index
          %get3A_192 = tpu.vector_load %arg14[%get3A_190, %get3A_191] {strides = array<i32>} : memref<64x128xf32, #tpu.memory_space<vmem>>, vector<1x16xf32>,
          %get3A_193 = vector.shape_cast %get3A_192 : vector<1x16xf32> to vector<16xf32>
          %get3A_194 = arith.index_cast %scan3A_176 : i32 to index
          %get3A_195 = arith.constant 16 : index
          %get3A_196 = tpu.vector_load %arg12[%get3A_194, %get3A_195] {strides = array<i32>} : memref<64x128xf32, #tpu.memory_space<vmem>>, vector<1x16xf32>,
          %get3A_197 = vector.shape_cast %get3A_196 : vector<1x16xf32> to vector<16xf32>
          %mul3A_198 = arith.mulf %get3A_193, %get3A_197 : vector<16xf32>
          %swap3A_199 = arith.index_cast %scan3A_176 : i32 to index
          %swap3A_200 = arith.constant 16 : index
          %swap3A_201 = tpu.vector_load %arg14[%swap3A_199, %swap3A_200] {strides = array<i32>} : memref<64x128xf32, #tpu.memory_space<vmem>>, vector<1x16xf32>,
          %swap3A_202 = vector.shape_cast %swap3A_201 : vector<1x16xf32> to vector<16xf32>
          %swap3A_203 = vector.shape_cast %mul3A_198 : vector<16xf32> to vector<1x16xf32>
          tpu.vector_store %arg14[%swap3A_199, %swap3A_200], %swap3A_203 {strides = array<i32>} : memref<64x128xf32, #tpu.memory_space<vmem>>, vector<1x16xf32>,
          %get3A_204 = arith.index_cast %scan3A_176 : i32 to index
          %get3A_205 = arith.constant 32 : index
          %get3A_206 = tpu.vector_load %arg14[%get3A_204, %get3A_205] {strides = array<i32>} : memref<64x128xf32, #tpu.memory_space<vmem>>, vector<1x16xf32>,
          %get3A_207 = vector.shape_cast %get3A_206 : vector<1x16xf32> to vector<16xf32>
          %get3A_208 = arith.index_cast %scan3A_176 : i32 to index
          %get3A_209 = arith.constant 32 : index
          %get3A_210 = tpu.vector_load %arg12[%get3A_208, %get3A_209] {strides = array<i32>} : memref<64x128xf32, #tpu.memory_space<vmem>>, vector<1x16xf32>,
          %get3A_211 = vector.shape_cast %get3A_210 : vector<1x16xf32> to vector<16xf32>
          %mul3A_212 = arith.mulf %get3A_207, %get3A_211 : vector<16xf32>
          %swap3A_213 = arith.index_cast %scan3A_176 : i32 to index
          %swap3A_214 = arith.constant 32 : index
          %swap3A_215 = tpu.vector_load %arg14[%swap3A_213, %swap3A_214] {strides = array<i32>} : memref<64x128xf32, #tpu.memory_space<vmem>>, vector<1x16xf32>,
          %swap3A_216 = vector.shape_cast %swap3A_215 : vector<1x16xf32> to vector<16xf32>
          %swap3A_217 = vector.shape_cast %mul3A_212 : vector<16xf32> to vector<1x16xf32>
          tpu.vector_store %arg14[%swap3A_213, %swap3A_214], %swap3A_217 {strides = array<i32>} : memref<64x128xf32, #tpu.memory_space<vmem>>, vector<1x16xf32>,
          %get3A_218 = arith.index_cast %scan3A_176 : i32 to index
          %get3A_219 = arith.constant 48 : index
          %get3A_220 = tpu.vector_load %arg14[%get3A_218, %get3A_219] {strides = array<i32>} : memref<64x128xf32, #tpu.memory_space<vmem>>, vector<1x16xf32>,
          %get3A_221 = vector.shape_cast %get3A_220 : vector<1x16xf32> to vector<16xf32>
          %get3A_222 = arith.index_cast %scan3A_176 : i32 to index
          %get3A_223 = arith.constant 48 : index
          %get3A_224 = tpu.vector_load %arg12[%get3A_222, %get3A_223] {strides = array<i32>} : memref<64x128xf32, #tpu.memory_space<vmem>>, vector<1x16xf32>,
          %get3A_225 = vector.shape_cast %get3A_224 : vector<1x16xf32> to vector<16xf32>
          %mul3A_226 = arith.mulf %get3A_221, %get3A_225 : vector<16xf32>
          %swap3A_227 = arith.index_cast %scan3A_176 : i32 to index
          %swap3A_228 = arith.constant 48 : index
          %swap3A_229 = tpu.vector_load %arg14[%swap3A_227, %swap3A_228] {strides = array<i32>} : memref<64x128xf32, #tpu.memory_space<vmem>>, vector<1x16xf32>,
          %swap3A_230 = vector.shape_cast %swap3A_229 : vector<1x16xf32> to vector<16xf32>
          %swap3A_231 = vector.shape_cast %mul3A_226 : vector<16xf32> to vector<1x16xf32>
          tpu.vector_store %arg14[%swap3A_227, %swap3A_228], %swap3A_231 {strides = array<i32>} : memref<64x128xf32, #tpu.memory_space<vmem>>, vector<1x16xf32>,
          %get3A_232 = arith.index_cast %scan3A_176 : i32 to index
          %get3A_233 = arith.constant 64 : index
          %get3A_234 = tpu.vector_load %arg14[%get3A_232, %get3A_233] {strides = array<i32>} : memref<64x128xf32, #tpu.memory_space<vmem>>, vector<1x16xf32>,
          %get3A_235 = vector.shape_cast %get3A_234 : vector<1x16xf32> to vector<16xf32>
          %get3A_236 = arith.index_cast %scan3A_176 : i32 to index
          %get3A_237 = arith.constant 64 : index
          %get3A_238 = tpu.vector_load %arg12[%get3A_236, %get3A_237] {strides = array<i32>} : memref<64x128xf32, #tpu.memory_space<vmem>>, vector<1x16xf32>,
          %get3A_239 = vector.shape_cast %get3A_238 : vector<1x16xf32> to vector<16xf32>
          %mul3A_240 = arith.mulf %get3A_235, %get3A_239 : vector<16xf32>
          %swap3A_241 = arith.index_cast %scan3A_176 : i32 to index
          %swap3A_242 = arith.constant 64 : index
          %swap3A_243 = tpu.vector_load %arg14[%swap3A_241, %swap3A_242] {strides = array<i32>} : memref<64x128xf32, #tpu.memory_space<vmem>>, vector<1x16xf32>,
          %swap3A_244 = vector.shape_cast %swap3A_243 : vector<1x16xf32> to vector<16xf32>
          %swap3A_245 = vector.shape_cast %mul3A_240 : vector<16xf32> to vector<1x16xf32>
          tpu.vector_store %arg14[%swap3A_241, %swap3A_242], %swap3A_245 {strides = array<i32>} : memref<64x128xf32, #tpu.memory_space<vmem>>, vector<1x16xf32>,
          %get3A_246 = arith.index_cast %scan3A_176 : i32 to index
          %get3A_247 = arith.constant 80 : index
          %get3A_248 = tpu.vector_load %arg14[%get3A_246, %get3A_247] {strides = array<i32>} : memref<64x128xf32, #tpu.memory_space<vmem>>, vector<1x16xf32>,
          %get3A_249 = vector.shape_cast %get3A_248 : vector<1x16xf32> to vector<16xf32>
          %get3A_250 = arith.index_cast %scan3A_176 : i32 to index
          %get3A_251 = arith.constant 80 : index
          %get3A_252 = tpu.vector_load %arg12[%get3A_250, %get3A_251] {strides = array<i32>} : memref<64x128xf32, #tpu.memory_space<vmem>>, vector<1x16xf32>,
          %get3A_253 = vector.shape_cast %get3A_252 : vector<1x16xf32> to vector<16xf32>
          %mul3A_254 = arith.mulf %get3A_249, %get3A_253 : vector<16xf32>
          %swap3A_255 = arith.index_cast %scan3A_176 : i32 to index
          %swap3A_256 = arith.constant 80 : index
          %swap3A_257 = tpu.vector_load %arg14[%swap3A_255, %swap3A_256] {strides = array<i32>} : memref<64x128xf32, #tpu.memory_space<vmem>>, vector<1x16xf32>,
          %swap3A_258 = vector.shape_cast %swap3A_257 : vector<1x16xf32> to vector<16xf32>
          %swap3A_259 = vector.shape_cast %mul3A_254 : vector<16xf32> to vector<1x16xf32>
          tpu.vector_store %arg14[%swap3A_255, %swap3A_256], %swap3A_259 {strides = array<i32>} : memref<64x128xf32, #tpu.memory_space<vmem>>, vector<1x16xf32>,
          %get3A_260 = arith.index_cast %scan3A_176 : i32 to index
          %get3A_261 = arith.constant 96 : index
          %get3A_262 = tpu.vector_load %arg14[%get3A_260, %get3A_261] {strides = array<i32>} : memref<64x128xf32, #tpu.memory_space<vmem>>, vector<1x16xf32>,
          %get3A_263 = vector.shape_cast %get3A_262 : vector<1x16xf32> to vector<16xf32>
          %get3A_264 = arith.index_cast %scan3A_176 : i32 to index
          %get3A_265 = arith.constant 96 : index
          %get3A_266 = tpu.vector_load %arg12[%get3A_264, %get3A_265] {strides = array<i32>} : memref<64x128xf32, #tpu.memory_space<vmem>>, vector<1x16xf32>,
          %get3A_267 = vector.shape_cast %get3A_266 : vector<1x16xf32> to vector<16xf32>
          %mul3A_268 = arith.mulf %get3A_263, %get3A_267 : vector<16xf32>
          %swap3A_269 = arith.index_cast %scan3A_176 : i32 to index
          %swap3A_270 = arith.constant 96 : index
          %swap3A_271 = tpu.vector_load %arg14[%swap3A_269, %swap3A_270] {strides = array<i32>} : memref<64x128xf32, #tpu.memory_space<vmem>>, vector<1x16xf32>,
          %swap3A_272 = vector.shape_cast %swap3A_271 : vector<1x16xf32> to vector<16xf32>
          %swap3A_273 = vector.shape_cast %mul3A_268 : vector<16xf32> to vector<1x16xf32>
          tpu.vector_store %arg14[%swap3A_269, %swap3A_270], %swap3A_273 {strides = array<i32>} : memref<64x128xf32, #tpu.memory_space<vmem>>, vector<1x16xf32>,
          %get3A_274 = arith.index_cast %scan3A_176 : i32 to index
          %get3A_275 = arith.constant 112 : index
          %get3A_276 = tpu.vector_load %arg14[%get3A_274, %get3A_275] {strides = array<i32>} : memref<64x128xf32, #tpu.memory_space<vmem>>, vector<1x16xf32>,
          %get3A_277 = vector.shape_cast %get3A_276 : vector<1x16xf32> to vector<16xf32>
          %get3A_278 = arith.index_cast %scan3A_176 : i32 to index
          %get3A_279 = arith.constant 112 : index
          %get3A_280 = tpu.vector_load %arg12[%get3A_278, %get3A_279] {strides = array<i32>} : memref<64x128xf32, #tpu.memory_space<vmem>>, vector<1x16xf32>,
          %get3A_281 = vector.shape_cast %get3A_280 : vector<1x16xf32> to vector<16xf32>
          %mul3A_282 = arith.mulf %get3A_277, %get3A_281 : vector<16xf32>
          %swap3A_283 = arith.index_cast %scan3A_176 : i32 to index
          %swap3A_284 = arith.constant 112 : index
          %swap3A_285 = tpu.vector_load %arg14[%swap3A_283, %swap3A_284] {strides = array<i32>} : memref<64x128xf32, #tpu.memory_space<vmem>>, vector<1x16xf32>,
          %swap3A_286 = vector.shape_cast %swap3A_285 : vector<1x16xf32> to vector<16xf32>
          %swap3A_287 = vector.shape_cast %mul3A_282 : vector<16xf32> to vector<1x16xf32>
          tpu.vector_store %arg14[%swap3A_283, %swap3A_284], %swap3A_287 {strides = array<i32>} : memref<64x128xf32, #tpu.memory_space<vmem>>, vector<1x16xf32>,
          %scan3A_288 = arith.constant 0 : i32
          scf.yield %scan3A_288 : i32
        }
        %scan3A_166 = arith.constant 64 : i32
        %dma_start3A_167 = arith.constant 0 : i32
        %dma_start3A_168 = arith.constant 0 : i32
        %dma_start3A_169 = tpu.memref_slice %arg15[%dma_start3A_167, %dma_start3A_168] : memref<10240x128xf32, #tpu.memory_space<vmem_shared>> -> memref<10240x128xf32, #tpu.memory_space<vmem_shared>>
        tpu.enqueue_indirect_dma source(%arg14 : memref<64x128xf32, #tpu.memory_space<vmem>>) target(%dma_start3A_169 : memref<10240x128xf32, #tpu.memory_space<vmem_shared>>) offsets(%arg10 : memref<64xi32, #tpu.memory_space<vmem>>) semaphore(%arg25 : memref<!tpu.dma_semaphore, #tpu.memory_space<semaphore_mem>>) {add = true}
        %add3A_170 = arith.constant 2 : i32
        %add3A_171 = arith.addi %add3A_132, %add3A_170 : i32
        %lt3A_172 = arith.cmpi slt, %add3A_171, %add3A_3 : i32
        %convert_element_type3A_173 = arith.extui %lt3A_172 : i1 to i32
        %cond3A_174 = arith.constant 0 : i32
        %cond3A_175 = arith.cmpi ne, %convert_element_type3A_173, %cond3A_174 : i32
        scf.if %cond3A_175 {
          %add3A_176 = arith.addi %add3A_7, %add3A_132 : i32
          %add3A_177 = arith.constant 2 : i32
          %add3A_178 = arith.addi %add3A_176, %add3A_177 : i32
          %dma_start3A_179 = arith.constant 0 : i32
          %dma_start3A_180 = tpu.memref_slice %arg4[%add3A_178, %dma_start3A_179] : memref<5000x64xi32, #tpu.memory_space<hbm>> -> memref<1x64xi32, #tpu.memory_space<hbm>>
          %dma_start3A_181 = tpu.memref_squeeze %dma_start3A_180 : memref<1x64xi32, #tpu.memory_space<hbm>> -> memref<64xi32, #tpu.memory_space<hbm>>
          %dma_start3A_182 = arith.constant 0 : i32
          %dma_start3A_183 = tpu.memref_slice %arg4[%add3A_178, %dma_start3A_182] : memref<5000x64xi32, #tpu.memory_space<hbm>> -> memref<1x64xi32, #tpu.memory_space<hbm>>
          %dma_start3A_184 = tpu.memref_squeeze %dma_start3A_183 : memref<1x64xi32, #tpu.memory_space<hbm>> -> memref<64xi32, #tpu.memory_space<hbm>>
          tpu.enqueue_dma source(%dma_start3A_184 : memref<64xi32, #tpu.memory_space<hbm>>) target(%arg8 : memref<64xi32, #tpu.memory_space<vmem>>) target_semaphore(%arg17 : memref<!tpu.dma_semaphore, #tpu.memory_space<semaphore_mem>>)
          %dma_start3A_185 = arith.constant 0 : i32
          %dma_start3A_186 = tpu.memref_slice %arg5[%add3A_178, %dma_start3A_185] : memref<5000x64xi32, #tpu.memory_space<hbm>> -> memref<1x64xi32, #tpu.memory_space<hbm>>
          %dma_start3A_187 = tpu.memref_squeeze %dma_start3A_186 : memref<1x64xi32, #tpu.memory_space<hbm>> -> memref<64xi32, #tpu.memory_space<hbm>>
          %dma_start3A_188 = arith.constant 0 : i32
          %dma_start3A_189 = tpu.memref_slice %arg5[%add3A_178, %dma_start3A_188] : memref<5000x64xi32, #tpu.memory_space<hbm>> -> memref<1x64xi32, #tpu.memory_space<hbm>>
          %dma_start3A_190 = tpu.memref_squeeze %dma_start3A_189 : memref<1x64xi32, #tpu.memory_space<hbm>> -> memref<64xi32, #tpu.memory_space<hbm>>
          tpu.enqueue_dma source(%dma_start3A_190 : memref<64xi32, #tpu.memory_space<hbm>>) target(%arg10 : memref<64xi32, #tpu.memory_space<vmem>>) target_semaphore(%arg19 : memref<!tpu.dma_semaphore, #tpu.memory_space<semaphore_mem>>)
          %mul3A_191 = arith.constant 64 : i32
          %mul3A_192 = arith.muli %add3A_178, %mul3A_191 : i32
          %dma_start3A_193 = arith.constant 0 : i32
          %dma_start3A_194 = tpu.memref_slice %arg3[%mul3A_192, %dma_start3A_193] : memref<320000x128xf32, #tpu.memory_space<hbm>> -> memref<64x128xf32, #tpu.memory_space<hbm>>
          %dma_start3A_195 = arith.constant 0 : i32
          %dma_start3A_196 = tpu.memref_slice %arg3[%mul3A_192, %dma_start3A_195] : memref<320000x128xf32, #tpu.memory_space<hbm>> -> memref<64x128xf32, #tpu.memory_space<hbm>>
          tpu.enqueue_dma source(%dma_start3A_196 : memref<64x128xf32, #tpu.memory_space<hbm>>) target(%arg12 : memref<64x128xf32, #tpu.memory_space<vmem>>) target_semaphore(%arg21 : memref<!tpu.dma_semaphore, #tpu.memory_space<semaphore_mem>>)
        } else {
        }
      } else {
      }
      %scan3A_137 = arith.constant 0 : i32
      scf.yield %scan3A_137 : i32
    }
    %scan3A_106 = arith.constant 79 : i32
    %dma_wait3A_107 = arith.constant 0 : i32
    %dma_wait3A_108 = arith.constant 0 : i32
    %dma_wait3A_109 = tpu.memref_slice %arg15[%dma_wait3A_107, %dma_wait3A_108] : memref<10240x128xf32, #tpu.memory_space<vmem_shared>> -> memref<10240x128xf32, #tpu.memory_space<vmem_shared>>
    tpu.wait_indirect_dma semaphore(%arg24 : memref<!tpu.dma_semaphore, #tpu.memory_space<semaphore_mem>>) src(%arg13 : memref<64x128xf32, #tpu.memory_space<vmem>>) dst(%dma_wait3A_109 : memref<10240x128xf32, #tpu.memory_space<vmem_shared>>)
    %dma_wait3A_110 = arith.constant 0 : i32
    %dma_wait3A_111 = arith.constant 0 : i32
    %dma_wait3A_112 = tpu.memref_slice %arg15[%dma_wait3A_110, %dma_wait3A_111] : memref<10240x128xf32, #tpu.memory_space<vmem_shared>> -> memref<10240x128xf32, #tpu.memory_space<vmem_shared>>
    tpu.wait_indirect_dma semaphore(%arg25 : memref<!tpu.dma_semaphore, #tpu.memory_space<semaphore_mem>>) src(%arg14 : memref<64x128xf32, #tpu.memory_space<vmem>>) dst(%dma_wait3A_112 : memref<10240x128xf32, #tpu.memory_space<vmem_shared>>)
    %barrier3A_113 = arith.constant 0 : index
    tpu.barrier barrier_id(%barrier3A_113)
    %mul3A_114 = arith.constant 624 : i32
    %mul3A_115 = arith.muli %arg1, %mul3A_114 : i32
    "tpu.region"() ({
      %run_scoped3A = tpu.sem_alloc : memref<!tpu.dma_semaphore, #tpu.memory_space<semaphore_mem>>
      %dma_start3A_119 = arith.constant 0 : i32
      %dma_start3A_120 = tpu.memref_slice %arg6[%arg0, %mul3A_115, %dma_start3A_119] : memref<2x10000x128xf32, #tpu.memory_space<hbm>> -> memref<1x624x128xf32, #tpu.memory_space<hbm>>
      %dma_start3A_121 = tpu.memref_squeeze %dma_start3A_120 : memref<1x624x128xf32, #tpu.memory_space<hbm>> -> memref<624x128xf32, #tpu.memory_space<hbm>>
      %dma_start3A_122 = arith.constant 0 : i32
      %dma_start3A_123 = tpu.memref_slice %arg15[%mul3A_115, %dma_start3A_122] : memref<10240x128xf32, #tpu.memory_space<vmem_shared>> -> memref<624x128xf32, #tpu.memory_space<vmem_shared>>
      tpu.enqueue_dma source(%dma_start3A_123 : memref<624x128xf32, #tpu.memory_space<vmem_shared>>) target(%dma_start3A_121 : memref<624x128xf32, #tpu.memory_space<hbm>>) target_semaphore(%run_scoped3A : memref<!tpu.dma_semaphore, #tpu.memory_space<semaphore_mem>>)
      %dma_wait3A_124 = arith.constant 0 : i32
      %dma_wait3A_125 = tpu.memref_slice %arg6[%arg0, %mul3A_115, %dma_wait3A_124] : memref<2x10000x128xf32, #tpu.memory_space<hbm>> -> memref<1x624x128xf32, #tpu.memory_space<hbm>>
      %dma_wait3A_126 = tpu.memref_squeeze %dma_wait3A_125 : memref<1x624x128xf32, #tpu.memory_space<hbm>> -> memref<624x128xf32, #tpu.memory_space<hbm>>
      %dma_wait3A_127 = arith.constant 0 : i32
      %dma_wait3A_128 = tpu.memref_slice %arg15[%mul3A_115, %dma_wait3A_127] : memref<10240x128xf32, #tpu.memory_space<vmem_shared>> -> memref<624x128xf32, #tpu.memory_space<vmem_shared>>
      tpu.wait_dma2 semaphore(%run_scoped3A : memref<!tpu.dma_semaphore, #tpu.memory_space<semaphore_mem>>) src(%dma_wait3A_128 : memref<624x128xf32, #tpu.memory_space<vmem_shared>>) dst(%dma_wait3A_126 : memref<624x128xf32, #tpu.memory_space<hbm>>)
      tpu.yield
    }) : () -> ()
    %eq3A = arith.constant 15 : i32
    %eq3A_116 = arith.cmpi eq, %arg1, %eq3A : i32
    %convert_element_type3A_117 = arith.extui %eq3A_116 : i1 to i32
    %cond3A = arith.constant 0 : i32
    %cond3A_118 = arith.cmpi ne, %convert_element_type3A_117, %cond3A : i32
    scf.if %cond3A_118 {
      "tpu.region"() ({
        %run_scoped3A = tpu.sem_alloc : memref<!tpu.dma_semaphore, #tpu.memory_space<semaphore_mem>>
        %dma_start3A_119 = arith.constant 9984 : i32
        %dma_start3A_120 = arith.constant 0 : i32
        %dma_start3A_121 = tpu.memref_slice %arg6[%arg0, %dma_start3A_119, %dma_start3A_120] : memref<2x10000x128xf32, #tpu.memory_space<hbm>> -> memref<1x16x128xf32, #tpu.memory_space<hbm>>
        %dma_start3A_122 = tpu.memref_squeeze %dma_start3A_121 : memref<1x16x128xf32, #tpu.memory_space<hbm>> -> memref<16x128xf32, #tpu.memory_space<hbm>>
        %dma_start3A_123 = arith.constant 9984 : i32
        %dma_start3A_124 = arith.constant 0 : i32
        %dma_start3A_125 = tpu.memref_slice %arg15[%dma_start3A_123, %dma_start3A_124] : memref<10240x128xf32, #tpu.memory_space<vmem_shared>> -> memref<16x128xf32, #tpu.memory_space<vmem_shared>>
        tpu.enqueue_dma source(%dma_start3A_125 : memref<16x128xf32, #tpu.memory_space<vmem_shared>>) target(%dma_start3A_122 : memref<16x128xf32, #tpu.memory_space<hbm>>) target_semaphore(%run_scoped3A : memref<!tpu.dma_semaphore, #tpu.memory_space<semaphore_mem>>)
        %dma_wait3A_126 = arith.constant 9984 : i32
        %dma_wait3A_127 = arith.constant 0 : i32
        %dma_wait3A_128 = tpu.memref_slice %arg6[%arg0, %dma_wait3A_126, %dma_wait3A_127] : memref<2x10000x128xf32, #tpu.memory_space<hbm>> -> memref<1x16x128xf32, #tpu.memory_space<hbm>>
        %dma_wait3A_129 = tpu.memref_squeeze %dma_wait3A_128 : memref<1x16x128xf32, #tpu.memory_space<hbm>> -> memref<16x128xf32, #tpu.memory_space<hbm>>
        %dma_wait3A_130 = arith.constant 9984 : i32
        %dma_wait3A_131 = arith.constant 0 : i32
        %dma_wait3A_132 = tpu.memref_slice %arg15[%dma_wait3A_130, %dma_wait3A_131] : memref<10240x128xf32, #tpu.memory_space<vmem_shared>> -> memref<16x128xf32, #tpu.memory_space<vmem_shared>>
        tpu.wait_dma2 semaphore(%run_scoped3A : memref<!tpu.dma_semaphore, #tpu.memory_space<semaphore_mem>>) src(%dma_wait3A_132 : memref<16x128xf32, #tpu.memory_space<vmem_shared>>) dst(%dma_wait3A_129 : memref<16x128xf32, #tpu.memory_space<hbm>>)
        tpu.yield
      }) : () -> ()
    } else {
    }
    return
  }
}

#map = affine_map<(d0, d1) -> (0, 0)>
#map1 = affine_map<(d0, d1) -> (0, 0, 0)>
module attributes {stable_mosaic.version = 14 : i64} {
  func.func @_sc_body(%arg0: i32, %arg1: i32, %arg2: memref<10000x128xf32, #tpu.memory_space<hbm>>, %arg3: memref<320000x128xf32, #tpu.memory_space<hbm>>, %arg4: memref<5000x64xi32, #tpu.memory_space<hbm>>, %arg5: memref<5000x64xi32, #tpu.memory_space<hbm>>, %arg6: memref<2x10000x128xf32, #tpu.memory_space<hbm>>, %arg7: memref<64xi32, #tpu.memory_space<vmem>>, %arg8: memref<64xi32, #tpu.memory_space<vmem>>, %arg9: memref<64xi32, #tpu.memory_space<vmem>>, %arg10: memref<64xi32, #tpu.memory_space<vmem>>, %arg11: memref<64x128xf32, #tpu.memory_space<vmem>>, %arg12: memref<64x128xf32, #tpu.memory_space<vmem>>, %arg13: memref<64x128xf32, #tpu.memory_space<vmem>>, %arg14: memref<64x128xf32, #tpu.memory_space<vmem>>, %arg15: memref<10240x128xf32, #tpu.memory_space<vmem_shared>>, %arg16: memref<!tpu.dma_semaphore, #tpu.memory_space<semaphore_mem>>, %arg17: memref<!tpu.dma_semaphore, #tpu.memory_space<semaphore_mem>>, %arg18: memref<!tpu.dma_semaphore, #tpu.memory_space<semaphore_mem>>, %arg19: memref<!tpu.dma_semaphore, #tpu.memory_space<semaphore_mem>>, %arg20: memref<!tpu.dma_semaphore, #tpu.memory_space<semaphore_mem>>, %arg21: memref<!tpu.dma_semaphore, #tpu.memory_space<semaphore_mem>>, %arg22: memref<!tpu.dma_semaphore, #tpu.memory_space<semaphore_mem>>, %arg23: memref<!tpu.dma_semaphore, #tpu.memory_space<semaphore_mem>>, %arg24: memref<!tpu.dma_semaphore, #tpu.memory_space<semaphore_mem>>, %arg25: memref<!tpu.dma_semaphore, #tpu.memory_space<semaphore_mem>>) attributes {dimension_semantics = [#tpu.dimension_semantics<core_parallel>, #tpu.dimension_semantics<subcore_parallel>], iteration_bounds = array<i64: 2, 16>, scalar_prefetch = 0 : i64, scratch_operands = 19 : i64, tpu.core_type = #tpu.core_type<sc_vector_subcore>, window_params = [{transform_indices = #map}, {transform_indices = #map}, {transform_indices = #map}, {transform_indices = #map}, {transform_indices = #map1}]} {
    %mul3A = arith.constant 16 : i32
    %mul3A_0 = arith.muli %arg0, %mul3A : i32
    %add3A = arith.addi %mul3A_0, %arg1 : i32
    %lt3A = arith.constant 8 : i32
    %lt3A_1 = arith.cmpi slt, %add3A, %lt3A : i32
    %convert_element_type3A = arith.extui %lt3A_1 : i1 to i32
    %add3A_2 = arith.constant 156 : i32
    %add3A_3 = arith.addi %add3A_2, %convert_element_type3A : i32
    %mul3A_4 = arith.constant 156 : i32
    %mul3A_5 = arith.muli %add3A, %mul3A_4 : i32
    %min3A = arith.constant 8 : i32
    %min3A_6 = arith.minsi %add3A, %min3A : i32
    %add3A_7 = arith.addi %mul3A_5, %min3A_6 : i32
    %scan3A = arith.constant 0 : i32
    %scan3A_8 = arith.constant 0 : i32
    %scan3A_9 = arith.constant 64 : i32
    %scan3A_10 = arith.addi %scan3A_8, %scan3A_9 : i32
    %scan3A_11 = arith.constant 1 : i32
    %scan3A_12 = scf.for %scan3A_119 = %scan3A_8 to %scan3A_10 step %scan3A_11 iter_args(%scan3A_120 = %scan3A) -> (i32)  : i32 {
      %broadcast_in_dim3A = arith.constant 0.000000e+00 : f32
      %broadcast_in_dim3A_121 = vector.broadcast %broadcast_in_dim3A : f32 to vector<16xf32>
      %swap3A = arith.index_cast %scan3A_119 : i32 to index
      %swap3A_122 = arith.constant 0 : index
      %swap3A_123 = tpu.vector_load %arg13[%swap3A, %swap3A_122] {strides = array<i32>} : memref<64x128xf32, #tpu.memory_space<vmem>>, vector<1x16xf32>,
      %swap3A_124 = vector.shape_cast %swap3A_123 : vector<1x16xf32> to vector<16xf32>
      %swap3A_125 = vector.shape_cast %broadcast_in_dim3A_121 : vector<16xf32> to vector<1x16xf32>
      tpu.vector_store %arg13[%swap3A, %swap3A_122], %swap3A_125 {strides = array<i32>} : memref<64x128xf32, #tpu.memory_space<vmem>>, vector<1x16xf32>,
      %broadcast_in_dim3A_126 = arith.constant 0.000000e+00 : f32
      %broadcast_in_dim3A_127 = vector.broadcast %broadcast_in_dim3A_126 : f32 to vector<16xf32>
      %swap3A_128 = arith.index_cast %scan3A_119 : i32 to index
      %swap3A_129 = arith.constant 16 : index
      %swap3A_130 = tpu.vector_load %arg13[%swap3A_128, %swap3A_129] {strides = array<i32>} : memref<64x128xf32, #tpu.memory_space<vmem>>, vector<1x16xf32>,
      %swap3A_131 = vector.shape_cast %swap3A_130 : vector<1x16xf32> to vector<16xf32>
      %swap3A_132 = vector.shape_cast %broadcast_in_dim3A_127 : vector<16xf32> to vector<1x16xf32>
      tpu.vector_store %arg13[%swap3A_128, %swap3A_129], %swap3A_132 {strides = array<i32>} : memref<64x128xf32, #tpu.memory_space<vmem>>, vector<1x16xf32>,
      %broadcast_in_dim3A_133 = arith.constant 0.000000e+00 : f32
      %broadcast_in_dim3A_134 = vector.broadcast %broadcast_in_dim3A_133 : f32 to vector<16xf32>
      %swap3A_135 = arith.index_cast %scan3A_119 : i32 to index
      %swap3A_136 = arith.constant 32 : index
      %swap3A_137 = tpu.vector_load %arg13[%swap3A_135, %swap3A_136] {strides = array<i32>} : memref<64x128xf32, #tpu.memory_space<vmem>>, vector<1x16xf32>,
      %swap3A_138 = vector.shape_cast %swap3A_137 : vector<1x16xf32> to vector<16xf32>
      %swap3A_139 = vector.shape_cast %broadcast_in_dim3A_134 : vector<16xf32> to vector<1x16xf32>
      tpu.vector_store %arg13[%swap3A_135, %swap3A_136], %swap3A_139 {strides = array<i32>} : memref<64x128xf32, #tpu.memory_space<vmem>>, vector<1x16xf32>,
      %broadcast_in_dim3A_140 = arith.constant 0.000000e+00 : f32
      %broadcast_in_dim3A_141 = vector.broadcast %broadcast_in_dim3A_140 : f32 to vector<16xf32>
      %swap3A_142 = arith.index_cast %scan3A_119 : i32 to index
      %swap3A_143 = arith.constant 48 : index
      %swap3A_144 = tpu.vector_load %arg13[%swap3A_142, %swap3A_143] {strides = array<i32>} : memref<64x128xf32, #tpu.memory_space<vmem>>, vector<1x16xf32>,
      %swap3A_145 = vector.shape_cast %swap3A_144 : vector<1x16xf32> to vector<16xf32>
      %swap3A_146 = vector.shape_cast %broadcast_in_dim3A_141 : vector<16xf32> to vector<1x16xf32>
      tpu.vector_store %arg13[%swap3A_142, %swap3A_143], %swap3A_146 {strides = array<i32>} : memref<64x128xf32, #tpu.memory_space<vmem>>, vector<1x16xf32>,
      %broadcast_in_dim3A_147 = arith.constant 0.000000e+00 : f32
      %broadcast_in_dim3A_148 = vector.broadcast %broadcast_in_dim3A_147 : f32 to vector<16xf32>
      %swap3A_149 = arith.index_cast %scan3A_119 : i32 to index
      %swap3A_150 = arith.constant 64 : index
      %swap3A_151 = tpu.vector_load %arg13[%swap3A_149, %swap3A_150] {strides = array<i32>} : memref<64x128xf32, #tpu.memory_space<vmem>>, vector<1x16xf32>,
      %swap3A_152 = vector.shape_cast %swap3A_151 : vector<1x16xf32> to vector<16xf32>
      %swap3A_153 = vector.shape_cast %broadcast_in_dim3A_148 : vector<16xf32> to vector<1x16xf32>
      tpu.vector_store %arg13[%swap3A_149, %swap3A_150], %swap3A_153 {strides = array<i32>} : memref<64x128xf32, #tpu.memory_space<vmem>>, vector<1x16xf32>,
      %broadcast_in_dim3A_154 = arith.constant 0.000000e+00 : f32
      %broadcast_in_dim3A_155 = vector.broadcast %broadcast_in_dim3A_154 : f32 to vector<16xf32>
      %swap3A_156 = arith.index_cast %scan3A_119 : i32 to index
      %swap3A_157 = arith.constant 80 : index
      %swap3A_158 = tpu.vector_load %arg13[%swap3A_156, %swap3A_157] {strides = array<i32>} : memref<64x128xf32, #tpu.memory_space<vmem>>, vector<1x16xf32>,
      %swap3A_159 = vector.shape_cast %swap3A_158 : vector<1x16xf32> to vector<16xf32>
      %swap3A_160 = vector.shape_cast %broadcast_in_dim3A_155 : vector<16xf32> to vector<1x16xf32>
      tpu.vector_store %arg13[%swap3A_156, %swap3A_157], %swap3A_160 {strides = array<i32>} : memref<64x128xf32, #tpu.memory_space<vmem>>, vector<1x16xf32>,
      %broadcast_in_dim3A_161 = arith.constant 0.000000e+00 : f32
      %broadcast_in_dim3A_162 = vector.broadcast %broadcast_in_dim3A_161 : f32 to vector<16xf32>
      %swap3A_163 = arith.index_cast %scan3A_119 : i32 to index
      %swap3A_164 = arith.constant 96 : index
      %swap3A_165 = tpu.vector_load %arg13[%swap3A_163, %swap3A_164] {strides = array<i32>} : memref<64x128xf32, #tpu.memory_space<vmem>>, vector<1x16xf32>,
      %swap3A_166 = vector.shape_cast %swap3A_165 : vector<1x16xf32> to vector<16xf32>
      %swap3A_167 = vector.shape_cast %broadcast_in_dim3A_162 : vector<16xf32> to vector<1x16xf32>
      tpu.vector_store %arg13[%swap3A_163, %swap3A_164], %swap3A_167 {strides = array<i32>} : memref<64x128xf32, #tpu.memory_space<vmem>>, vector<1x16xf32>,
      %broadcast_in_dim3A_168 = arith.constant 0.000000e+00 : f32
      %broadcast_in_dim3A_169 = vector.broadcast %broadcast_in_dim3A_168 : f32 to vector<16xf32>
      %swap3A_170 = arith.index_cast %scan3A_119 : i32 to index
      %swap3A_171 = arith.constant 112 : index
      %swap3A_172 = tpu.vector_load %arg13[%swap3A_170, %swap3A_171] {strides = array<i32>} : memref<64x128xf32, #tpu.memory_space<vmem>>, vector<1x16xf32>,
      %swap3A_173 = vector.shape_cast %swap3A_172 : vector<1x16xf32> to vector<16xf32>
      %swap3A_174 = vector.shape_cast %broadcast_in_dim3A_169 : vector<16xf32> to vector<1x16xf32>
      tpu.vector_store %arg13[%swap3A_170, %swap3A_171], %swap3A_174 {strides = array<i32>} : memref<64x128xf32, #tpu.memory_space<vmem>>, vector<1x16xf32>,
      %scan3A_175 = arith.constant 0 : i32
      scf.yield %scan3A_175 : i32
    }
    %scan3A_13 = arith.constant 64 : i32
    %mul3A_14 = arith.constant 640 : i32
    %mul3A_15 = arith.muli %arg1, %mul3A_14 : i32
    %add3A_16 = arith.constant 0 : i32
    %add3A_17 = arith.addi %mul3A_15, %add3A_16 : i32
    "tpu.region"() ({
      %run_scoped3A = tpu.sem_alloc : memref<!tpu.dma_semaphore, #tpu.memory_space<semaphore_mem>>
      %dma_start3A_119 = arith.constant 0 : i32
      %dma_start3A_120 = tpu.memref_slice %arg15[%add3A_17, %dma_start3A_119] : memref<10240x128xf32, #tpu.memory_space<vmem_shared>> -> memref<64x128xf32, #tpu.memory_space<vmem_shared>>
      %dma_start3A_121 = arith.constant 0 : i32
      %dma_start3A_122 = tpu.memref_slice %arg15[%add3A_17, %dma_start3A_121] : memref<10240x128xf32, #tpu.memory_space<vmem_shared>> -> memref<64x128xf32, #tpu.memory_space<vmem_shared>>
      tpu.enqueue_dma source(%arg13 : memref<64x128xf32, #tpu.memory_space<vmem>>) target(%dma_start3A_122 : memref<64x128xf32, #tpu.memory_space<vmem_shared>>) target_semaphore(%run_scoped3A : memref<!tpu.dma_semaphore, #tpu.memory_space<semaphore_mem>>)
      %dma_wait3A_123 = arith.constant 0 : i32
      %dma_wait3A_124 = tpu.memref_slice %arg15[%add3A_17, %dma_wait3A_123] : memref<10240x128xf32, #tpu.memory_space<vmem_shared>> -> memref<64x128xf32, #tpu.memory_space<vmem_shared>>
      %dma_wait3A_125 = arith.constant 0 : i32
      %dma_wait3A_126 = tpu.memref_slice %arg15[%add3A_17, %dma_wait3A_125] : memref<10240x128xf32, #tpu.memory_space<vmem_shared>> -> memref<64x128xf32, #tpu.memory_space<vmem_shared>>
      tpu.wait_dma2 semaphore(%run_scoped3A : memref<!tpu.dma_semaphore, #tpu.memory_space<semaphore_mem>>) src(%arg13 : memref<64x128xf32, #tpu.memory_space<vmem>>) dst(%dma_wait3A_126 : memref<64x128xf32, #tpu.memory_space<vmem_shared>>)
      tpu.yield
    }) : () -> ()
    %mul3A_18 = arith.constant 640 : i32
    %mul3A_19 = arith.muli %arg1, %mul3A_18 : i32
    %add3A_20 = arith.constant 64 : i32
    %add3A_21 = arith.addi %mul3A_19, %add3A_20 : i32
    "tpu.region"() ({
      %run_scoped3A = tpu.sem_alloc : memref<!tpu.dma_semaphore, #tpu.memory_space<semaphore_mem>>
      %dma_start3A_119 = arith.constant 0 : i32
      %dma_start3A_120 = tpu.memref_slice %arg15[%add3A_21, %dma_start3A_119] : memref<10240x128xf32, #tpu.memory_space<vmem_shared>> -> memref<64x128xf32, #tpu.memory_space<vmem_shared>>
      %dma_start3A_121 = arith.constant 0 : i32
      %dma_start3A_122 = tpu.memref_slice %arg15[%add3A_21, %dma_start3A_121] : memref<10240x128xf32, #tpu.memory_space<vmem_shared>> -> memref<64x128xf32, #tpu.memory_space<vmem_shared>>
      tpu.enqueue_dma source(%arg13 : memref<64x128xf32, #tpu.memory_space<vmem>>) target(%dma_start3A_122 : memref<64x128xf32, #tpu.memory_space<vmem_shared>>) target_semaphore(%run_scoped3A : memref<!tpu.dma_semaphore, #tpu.memory_space<semaphore_mem>>)
      %dma_wait3A_123 = arith.constant 0 : i32
      %dma_wait3A_124 = tpu.memref_slice %arg15[%add3A_21, %dma_wait3A_123] : memref<10240x128xf32, #tpu.memory_space<vmem_shared>> -> memref<64x128xf32, #tpu.memory_space<vmem_shared>>
      %dma_wait3A_125 = arith.constant 0 : i32
      %dma_wait3A_126 = tpu.memref_slice %arg15[%add3A_21, %dma_wait3A_125] : memref<10240x128xf32, #tpu.memory_space<vmem_shared>> -> memref<64x128xf32, #tpu.memory_space<vmem_shared>>
      tpu.wait_dma2 semaphore(%run_scoped3A : memref<!tpu.dma_semaphore, #tpu.memory_space<semaphore_mem>>) src(%arg13 : memref<64x128xf32, #tpu.memory_space<vmem>>) dst(%dma_wait3A_126 : memref<64x128xf32, #tpu.memory_space<vmem_shared>>)
      tpu.yield
    }) : () -> ()
    %mul3A_22 = arith.constant 640 : i32
    %mul3A_23 = arith.muli %arg1, %mul3A_22 : i32
    %add3A_24 = arith.constant 128 : i32
    %add3A_25 = arith.addi %mul3A_23, %add3A_24 : i32
    "tpu.region"() ({
      %run_scoped3A = tpu.sem_alloc : memref<!tpu.dma_semaphore, #tpu.memory_space<semaphore_mem>>
      %dma_start3A_119 = arith.constant 0 : i32
      %dma_start3A_120 = tpu.memref_slice %arg15[%add3A_25, %dma_start3A_119] : memref<10240x128xf32, #tpu.memory_space<vmem_shared>> -> memref<64x128xf32, #tpu.memory_space<vmem_shared>>
      %dma_start3A_121 = arith.constant 0 : i32
      %dma_start3A_122 = tpu.memref_slice %arg15[%add3A_25, %dma_start3A_121] : memref<10240x128xf32, #tpu.memory_space<vmem_shared>> -> memref<64x128xf32, #tpu.memory_space<vmem_shared>>
      tpu.enqueue_dma source(%arg13 : memref<64x128xf32, #tpu.memory_space<vmem>>) target(%dma_start3A_122 : memref<64x128xf32, #tpu.memory_space<vmem_shared>>) target_semaphore(%run_scoped3A : memref<!tpu.dma_semaphore, #tpu.memory_space<semaphore_mem>>)
      %dma_wait3A_123 = arith.constant 0 : i32
      %dma_wait3A_124 = tpu.memref_slice %arg15[%add3A_25, %dma_wait3A_123] : memref<10240x128xf32, #tpu.memory_space<vmem_shared>> -> memref<64x128xf32, #tpu.memory_space<vmem_shared>>
      %dma_wait3A_125 = arith.constant 0 : i32
      %dma_wait3A_126 = tpu.memref_slice %arg15[%add3A_25, %dma_wait3A_125] : memref<10240x128xf32, #tpu.memory_space<vmem_shared>> -> memref<64x128xf32, #tpu.memory_space<vmem_shared>>
      tpu.wait_dma2 semaphore(%run_scoped3A : memref<!tpu.dma_semaphore, #tpu.memory_space<semaphore_mem>>) src(%arg13 : memref<64x128xf32, #tpu.memory_space<vmem>>) dst(%dma_wait3A_126 : memref<64x128xf32, #tpu.memory_space<vmem_shared>>)
      tpu.yield
    }) : () -> ()
    %mul3A_26 = arith.constant 640 : i32
    %mul3A_27 = arith.muli %arg1, %mul3A_26 : i32
    %add3A_28 = arith.constant 192 : i32
    %add3A_29 = arith.addi %mul3A_27, %add3A_28 : i32
    "tpu.region"() ({
      %run_scoped3A = tpu.sem_alloc : memref<!tpu.dma_semaphore, #tpu.memory_space<semaphore_mem>>
      %dma_start3A_119 = arith.constant 0 : i32
      %dma_start3A_120 = tpu.memref_slice %arg15[%add3A_29, %dma_start3A_119] : memref<10240x128xf32, #tpu.memory_space<vmem_shared>> -> memref<64x128xf32, #tpu.memory_space<vmem_shared>>
      %dma_start3A_121 = arith.constant 0 : i32
      %dma_start3A_122 = tpu.memref_slice %arg15[%add3A_29, %dma_start3A_121] : memref<10240x128xf32, #tpu.memory_space<vmem_shared>> -> memref<64x128xf32, #tpu.memory_space<vmem_shared>>
      tpu.enqueue_dma source(%arg13 : memref<64x128xf32, #tpu.memory_space<vmem>>) target(%dma_start3A_122 : memref<64x128xf32, #tpu.memory_space<vmem_shared>>) target_semaphore(%run_scoped3A : memref<!tpu.dma_semaphore, #tpu.memory_space<semaphore_mem>>)
      %dma_wait3A_123 = arith.constant 0 : i32
      %dma_wait3A_124 = tpu.memref_slice %arg15[%add3A_29, %dma_wait3A_123] : memref<10240x128xf32, #tpu.memory_space<vmem_shared>> -> memref<64x128xf32, #tpu.memory_space<vmem_shared>>
      %dma_wait3A_125 = arith.constant 0 : i32
      %dma_wait3A_126 = tpu.memref_slice %arg15[%add3A_29, %dma_wait3A_125] : memref<10240x128xf32, #tpu.memory_space<vmem_shared>> -> memref<64x128xf32, #tpu.memory_space<vmem_shared>>
      tpu.wait_dma2 semaphore(%run_scoped3A : memref<!tpu.dma_semaphore, #tpu.memory_space<semaphore_mem>>) src(%arg13 : memref<64x128xf32, #tpu.memory_space<vmem>>) dst(%dma_wait3A_126 : memref<64x128xf32, #tpu.memory_space<vmem_shared>>)
      tpu.yield
    }) : () -> ()
    %mul3A_30 = arith.constant 640 : i32
    %mul3A_31 = arith.muli %arg1, %mul3A_30 : i32
    %add3A_32 = arith.constant 256 : i32
    %add3A_33 = arith.addi %mul3A_31, %add3A_32 : i32
    "tpu.region"() ({
      %run_scoped3A = tpu.sem_alloc : memref<!tpu.dma_semaphore, #tpu.memory_space<semaphore_mem>>
      %dma_start3A_119 = arith.constant 0 : i32
      %dma_start3A_120 = tpu.memref_slice %arg15[%add3A_33, %dma_start3A_119] : memref<10240x128xf32, #tpu.memory_space<vmem_shared>> -> memref<64x128xf32, #tpu.memory_space<vmem_shared>>
      %dma_start3A_121 = arith.constant 0 : i32
      %dma_start3A_122 = tpu.memref_slice %arg15[%add3A_33, %dma_start3A_121] : memref<10240x128xf32, #tpu.memory_space<vmem_shared>> -> memref<64x128xf32, #tpu.memory_space<vmem_shared>>
      tpu.enqueue_dma source(%arg13 : memref<64x128xf32, #tpu.memory_space<vmem>>) target(%dma_start3A_122 : memref<64x128xf32, #tpu.memory_space<vmem_shared>>) target_semaphore(%run_scoped3A : memref<!tpu.dma_semaphore, #tpu.memory_space<semaphore_mem>>)
      %dma_wait3A_123 = arith.constant 0 : i32
      %dma_wait3A_124 = tpu.memref_slice %arg15[%add3A_33, %dma_wait3A_123] : memref<10240x128xf32, #tpu.memory_space<vmem_shared>> -> memref<64x128xf32, #tpu.memory_space<vmem_shared>>
      %dma_wait3A_125 = arith.constant 0 : i32
      %dma_wait3A_126 = tpu.memref_slice %arg15[%add3A_33, %dma_wait3A_125] : memref<10240x128xf32, #tpu.memory_space<vmem_shared>> -> memref<64x128xf32, #tpu.memory_space<vmem_shared>>
      tpu.wait_dma2 semaphore(%run_scoped3A : memref<!tpu.dma_semaphore, #tpu.memory_space<semaphore_mem>>) src(%arg13 : memref<64x128xf32, #tpu.memory_space<vmem>>) dst(%dma_wait3A_126 : memref<64x128xf32, #tpu.memory_space<vmem_shared>>)
      tpu.yield
    }) : () -> ()
    %mul3A_34 = arith.constant 640 : i32
    %mul3A_35 = arith.muli %arg1, %mul3A_34 : i32
    %add3A_36 = arith.constant 320 : i32
    %add3A_37 = arith.addi %mul3A_35, %add3A_36 : i32
    "tpu.region"() ({
      %run_scoped3A = tpu.sem_alloc : memref<!tpu.dma_semaphore, #tpu.memory_space<semaphore_mem>>
      %dma_start3A_119 = arith.constant 0 : i32
      %dma_start3A_120 = tpu.memref_slice %arg15[%add3A_37, %dma_start3A_119] : memref<10240x128xf32, #tpu.memory_space<vmem_shared>> -> memref<64x128xf32, #tpu.memory_space<vmem_shared>>
      %dma_start3A_121 = arith.constant 0 : i32
      %dma_start3A_122 = tpu.memref_slice %arg15[%add3A_37, %dma_start3A_121] : memref<10240x128xf32, #tpu.memory_space<vmem_shared>> -> memref<64x128xf32, #tpu.memory_space<vmem_shared>>
      tpu.enqueue_dma source(%arg13 : memref<64x128xf32, #tpu.memory_space<vmem>>) target(%dma_start3A_122 : memref<64x128xf32, #tpu.memory_space<vmem_shared>>) target_semaphore(%run_scoped3A : memref<!tpu.dma_semaphore, #tpu.memory_space<semaphore_mem>>)
      %dma_wait3A_123 = arith.constant 0 : i32
      %dma_wait3A_124 = tpu.memref_slice %arg15[%add3A_37, %dma_wait3A_123] : memref<10240x128xf32, #tpu.memory_space<vmem_shared>> -> memref<64x128xf32, #tpu.memory_space<vmem_shared>>
      %dma_wait3A_125 = arith.constant 0 : i32
      %dma_wait3A_126 = tpu.memref_slice %arg15[%add3A_37, %dma_wait3A_125] : memref<10240x128xf32, #tpu.memory_space<vmem_shared>> -> memref<64x128xf32, #tpu.memory_space<vmem_shared>>
      tpu.wait_dma2 semaphore(%run_scoped3A : memref<!tpu.dma_semaphore, #tpu.memory_space<semaphore_mem>>) src(%arg13 : memref<64x128xf32, #tpu.memory_space<vmem>>) dst(%dma_wait3A_126 : memref<64x128xf32, #tpu.memory_space<vmem_shared>>)
      tpu.yield
    }) : () -> ()
    %mul3A_38 = arith.constant 640 : i32
    %mul3A_39 = arith.muli %arg1, %mul3A_38 : i32
    %add3A_40 = arith.constant 384 : i32
    %add3A_41 = arith.addi %mul3A_39, %add3A_40 : i32
    "tpu.region"() ({
      %run_scoped3A = tpu.sem_alloc : memref<!tpu.dma_semaphore, #tpu.memory_space<semaphore_mem>>
      %dma_start3A_119 = arith.constant 0 : i32
      %dma_start3A_120 = tpu.memref_slice %arg15[%add3A_41, %dma_start3A_119] : memref<10240x128xf32, #tpu.memory_space<vmem_shared>> -> memref<64x128xf32, #tpu.memory_space<vmem_shared>>
      %dma_start3A_121 = arith.constant 0 : i32
      %dma_start3A_122 = tpu.memref_slice %arg15[%add3A_41, %dma_start3A_121] : memref<10240x128xf32, #tpu.memory_space<vmem_shared>> -> memref<64x128xf32, #tpu.memory_space<vmem_shared>>
      tpu.enqueue_dma source(%arg13 : memref<64x128xf32, #tpu.memory_space<vmem>>) target(%dma_start3A_122 : memref<64x128xf32, #tpu.memory_space<vmem_shared>>) target_semaphore(%run_scoped3A : memref<!tpu.dma_semaphore, #tpu.memory_space<semaphore_mem>>)
      %dma_wait3A_123 = arith.constant 0 : i32
      %dma_wait3A_124 = tpu.memref_slice %arg15[%add3A_41, %dma_wait3A_123] : memref<10240x128xf32, #tpu.memory_space<vmem_shared>> -> memref<64x128xf32, #tpu.memory_space<vmem_shared>>
      %dma_wait3A_125 = arith.constant 0 : i32
      %dma_wait3A_126 = tpu.memref_slice %arg15[%add3A_41, %dma_wait3A_125] : memref<10240x128xf32, #tpu.memory_space<vmem_shared>> -> memref<64x128xf32, #tpu.memory_space<vmem_shared>>
      tpu.wait_dma2 semaphore(%run_scoped3A : memref<!tpu.dma_semaphore, #tpu.memory_space<semaphore_mem>>) src(%arg13 : memref<64x128xf32, #tpu.memory_space<vmem>>) dst(%dma_wait3A_126 : memref<64x128xf32, #tpu.memory_space<vmem_shared>>)
      tpu.yield
    }) : () -> ()
    %mul3A_42 = arith.constant 640 : i32
    %mul3A_43 = arith.muli %arg1, %mul3A_42 : i32
    %add3A_44 = arith.constant 448 : i32
    %add3A_45 = arith.addi %mul3A_43, %add3A_44 : i32
    "tpu.region"() ({
      %run_scoped3A = tpu.sem_alloc : memref<!tpu.dma_semaphore, #tpu.memory_space<semaphore_mem>>
      %dma_start3A_119 = arith.constant 0 : i32
      %dma_start3A_120 = tpu.memref_slice %arg15[%add3A_45, %dma_start3A_119] : memref<10240x128xf32, #tpu.memory_space<vmem_shared>> -> memref<64x128xf32, #tpu.memory_space<vmem_shared>>
      %dma_start3A_121 = arith.constant 0 : i32
      %dma_start3A_122 = tpu.memref_slice %arg15[%add3A_45, %dma_start3A_121] : memref<10240x128xf32, #tpu.memory_space<vmem_shared>> -> memref<64x128xf32, #tpu.memory_space<vmem_shared>>
      tpu.enqueue_dma source(%arg13 : memref<64x128xf32, #tpu.memory_space<vmem>>) target(%dma_start3A_122 : memref<64x128xf32, #tpu.memory_space<vmem_shared>>) target_semaphore(%run_scoped3A : memref<!tpu.dma_semaphore, #tpu.memory_space<semaphore_mem>>)
      %dma_wait3A_123 = arith.constant 0 : i32
      %dma_wait3A_124 = tpu.memref_slice %arg15[%add3A_45, %dma_wait3A_123] : memref<10240x128xf32, #tpu.memory_space<vmem_shared>> -> memref<64x128xf32, #tpu.memory_space<vmem_shared>>
      %dma_wait3A_125 = arith.constant 0 : i32
      %dma_wait3A_126 = tpu.memref_slice %arg15[%add3A_45, %dma_wait3A_125] : memref<10240x128xf32, #tpu.memory_space<vmem_shared>> -> memref<64x128xf32, #tpu.memory_space<vmem_shared>>
      tpu.wait_dma2 semaphore(%run_scoped3A : memref<!tpu.dma_semaphore, #tpu.memory_space<semaphore_mem>>) src(%arg13 : memref<64x128xf32, #tpu.memory_space<vmem>>) dst(%dma_wait3A_126 : memref<64x128xf32, #tpu.memory_space<vmem_shared>>)
      tpu.yield
    }) : () -> ()
    %mul3A_46 = arith.constant 640 : i32
    %mul3A_47 = arith.muli %arg1, %mul3A_46 : i32
    %add3A_48 = arith.constant 512 : i32
    %add3A_49 = arith.addi %mul3A_47, %add3A_48 : i32
    "tpu.region"() ({
      %run_scoped3A = tpu.sem_alloc : memref<!tpu.dma_semaphore, #tpu.memory_space<semaphore_mem>>
      %dma_start3A_119 = arith.constant 0 : i32
      %dma_start3A_120 = tpu.memref_slice %arg15[%add3A_49, %dma_start3A_119] : memref<10240x128xf32, #tpu.memory_space<vmem_shared>> -> memref<64x128xf32, #tpu.memory_space<vmem_shared>>
      %dma_start3A_121 = arith.constant 0 : i32
      %dma_start3A_122 = tpu.memref_slice %arg15[%add3A_49, %dma_start3A_121] : memref<10240x128xf32, #tpu.memory_space<vmem_shared>> -> memref<64x128xf32, #tpu.memory_space<vmem_shared>>
      tpu.enqueue_dma source(%arg13 : memref<64x128xf32, #tpu.memory_space<vmem>>) target(%dma_start3A_122 : memref<64x128xf32, #tpu.memory_space<vmem_shared>>) target_semaphore(%run_scoped3A : memref<!tpu.dma_semaphore, #tpu.memory_space<semaphore_mem>>)
      %dma_wait3A_123 = arith.constant 0 : i32
      %dma_wait3A_124 = tpu.memref_slice %arg15[%add3A_49, %dma_wait3A_123] : memref<10240x128xf32, #tpu.memory_space<vmem_shared>> -> memref<64x128xf32, #tpu.memory_space<vmem_shared>>
      %dma_wait3A_125 = arith.constant 0 : i32
      %dma_wait3A_126 = tpu.memref_slice %arg15[%add3A_49, %dma_wait3A_125] : memref<10240x128xf32, #tpu.memory_space<vmem_shared>> -> memref<64x128xf32, #tpu.memory_space<vmem_shared>>
      tpu.wait_dma2 semaphore(%run_scoped3A : memref<!tpu.dma_semaphore, #tpu.memory_space<semaphore_mem>>) src(%arg13 : memref<64x128xf32, #tpu.memory_space<vmem>>) dst(%dma_wait3A_126 : memref<64x128xf32, #tpu.memory_space<vmem_shared>>)
      tpu.yield
    }) : () -> ()
    %mul3A_50 = arith.constant 640 : i32
    %mul3A_51 = arith.muli %arg1, %mul3A_50 : i32
    %add3A_52 = arith.constant 576 : i32
    %add3A_53 = arith.addi %mul3A_51, %add3A_52 : i32
    "tpu.region"() ({
      %run_scoped3A = tpu.sem_alloc : memref<!tpu.dma_semaphore, #tpu.memory_space<semaphore_mem>>
      %dma_start3A_119 = arith.constant 0 : i32
      %dma_start3A_120 = tpu.memref_slice %arg15[%add3A_53, %dma_start3A_119] : memref<10240x128xf32, #tpu.memory_space<vmem_shared>> -> memref<64x128xf32, #tpu.memory_space<vmem_shared>>
      %dma_start3A_121 = arith.constant 0 : i32
      %dma_start3A_122 = tpu.memref_slice %arg15[%add3A_53, %dma_start3A_121] : memref<10240x128xf32, #tpu.memory_space<vmem_shared>> -> memref<64x128xf32, #tpu.memory_space<vmem_shared>>
      tpu.enqueue_dma source(%arg13 : memref<64x128xf32, #tpu.memory_space<vmem>>) target(%dma_start3A_122 : memref<64x128xf32, #tpu.memory_space<vmem_shared>>) target_semaphore(%run_scoped3A : memref<!tpu.dma_semaphore, #tpu.memory_space<semaphore_mem>>)
      %dma_wait3A_123 = arith.constant 0 : i32
      %dma_wait3A_124 = tpu.memref_slice %arg15[%add3A_53, %dma_wait3A_123] : memref<10240x128xf32, #tpu.memory_space<vmem_shared>> -> memref<64x128xf32, #tpu.memory_space<vmem_shared>>
      %dma_wait3A_125 = arith.constant 0 : i32
      %dma_wait3A_126 = tpu.memref_slice %arg15[%add3A_53, %dma_wait3A_125] : memref<10240x128xf32, #tpu.memory_space<vmem_shared>> -> memref<64x128xf32, #tpu.memory_space<vmem_shared>>
      tpu.wait_dma2 semaphore(%run_scoped3A : memref<!tpu.dma_semaphore, #tpu.memory_space<semaphore_mem>>) src(%arg13 : memref<64x128xf32, #tpu.memory_space<vmem>>) dst(%dma_wait3A_126 : memref<64x128xf32, #tpu.memory_space<vmem_shared>>)
      tpu.yield
    }) : () -> ()
    %barrier3A = arith.constant 0 : index
    tpu.barrier barrier_id(%barrier3A)
    %dma_start3A = arith.constant 0 : i32
    %dma_start3A_54 = tpu.memref_slice %arg4[%add3A_7, %dma_start3A] : memref<5000x64xi32, #tpu.memory_space<hbm>> -> memref<1x64xi32, #tpu.memory_space<hbm>>
    %dma_start3A_55 = tpu.memref_squeeze %dma_start3A_54 : memref<1x64xi32, #tpu.memory_space<hbm>> -> memref<64xi32, #tpu.memory_space<hbm>>
    %dma_start3A_56 = arith.constant 0 : i32
    %dma_start3A_57 = tpu.memref_slice %arg4[%add3A_7, %dma_start3A_56] : memref<5000x64xi32, #tpu.memory_space<hbm>> -> memref<1x64xi32, #tpu.memory_space<hbm>>
    %dma_start3A_58 = tpu.memref_squeeze %dma_start3A_57 : memref<1x64xi32, #tpu.memory_space<hbm>> -> memref<64xi32, #tpu.memory_space<hbm>>
    tpu.enqueue_dma source(%dma_start3A_58 : memref<64xi32, #tpu.memory_space<hbm>>) target(%arg7 : memref<64xi32, #tpu.memory_space<vmem>>) target_semaphore(%arg16 : memref<!tpu.dma_semaphore, #tpu.memory_space<semaphore_mem>>)
    %dma_start3A_59 = arith.constant 0 : i32
    %dma_start3A_60 = tpu.memref_slice %arg5[%add3A_7, %dma_start3A_59] : memref<5000x64xi32, #tpu.memory_space<hbm>> -> memref<1x64xi32, #tpu.memory_space<hbm>>
    %dma_start3A_61 = tpu.memref_squeeze %dma_start3A_60 : memref<1x64xi32, #tpu.memory_space<hbm>> -> memref<64xi32, #tpu.memory_space<hbm>>
    %dma_start3A_62 = arith.constant 0 : i32
    %dma_start3A_63 = tpu.memref_slice %arg5[%add3A_7, %dma_start3A_62] : memref<5000x64xi32, #tpu.memory_space<hbm>> -> memref<1x64xi32, #tpu.memory_space<hbm>>
    %dma_start3A_64 = tpu.memref_squeeze %dma_start3A_63 : memref<1x64xi32, #tpu.memory_space<hbm>> -> memref<64xi32, #tpu.memory_space<hbm>>
    tpu.enqueue_dma source(%dma_start3A_64 : memref<64xi32, #tpu.memory_space<hbm>>) target(%arg9 : memref<64xi32, #tpu.memory_space<vmem>>) target_semaphore(%arg18 : memref<!tpu.dma_semaphore, #tpu.memory_space<semaphore_mem>>)
    %mul3A_65 = arith.constant 64 : i32
    %mul3A_66 = arith.muli %add3A_7, %mul3A_65 : i32
    %dma_start3A_67 = arith.constant 0 : i32
    %dma_start3A_68 = tpu.memref_slice %arg3[%mul3A_66, %dma_start3A_67] : memref<320000x128xf32, #tpu.memory_space<hbm>> -> memref<64x128xf32, #tpu.memory_space<hbm>>
    %dma_start3A_69 = arith.constant 0 : i32
    %dma_start3A_70 = tpu.memref_slice %arg3[%mul3A_66, %dma_start3A_69] : memref<320000x128xf32, #tpu.memory_space<hbm>> -> memref<64x128xf32, #tpu.memory_space<hbm>>
    tpu.enqueue_dma source(%dma_start3A_70 : memref<64x128xf32, #tpu.memory_space<hbm>>) target(%arg11 : memref<64x128xf32, #tpu.memory_space<vmem>>) target_semaphore(%arg20 : memref<!tpu.dma_semaphore, #tpu.memory_space<semaphore_mem>>)
    %add3A_71 = arith.constant 1 : i32
    %add3A_72 = arith.addi %add3A_7, %add3A_71 : i32
    %dma_start3A_73 = arith.constant 0 : i32
    %dma_start3A_74 = tpu.memref_slice %arg4[%add3A_72, %dma_start3A_73] : memref<5000x64xi32, #tpu.memory_space<hbm>> -> memref<1x64xi32, #tpu.memory_space<hbm>>
    %dma_start3A_75 = tpu.memref_squeeze %dma_start3A_74 : memref<1x64xi32, #tpu.memory_space<hbm>> -> memref<64xi32, #tpu.memory_space<hbm>>
    %dma_start3A_76 = arith.constant 0 : i32
    %dma_start3A_77 = tpu.memref_slice %arg4[%add3A_72, %dma_start3A_76] : memref<5000x64xi32, #tpu.memory_space<hbm>> -> memref<1x64xi32, #tpu.memory_space<hbm>>
    %dma_start3A_78 = tpu.memref_squeeze %dma_start3A_77 : memref<1x64xi32, #tpu.memory_space<hbm>> -> memref<64xi32, #tpu.memory_space<hbm>>
    tpu.enqueue_dma source(%dma_start3A_78 : memref<64xi32, #tpu.memory_space<hbm>>) target(%arg8 : memref<64xi32, #tpu.memory_space<vmem>>) target_semaphore(%arg17 : memref<!tpu.dma_semaphore, #tpu.memory_space<semaphore_mem>>)
    %dma_start3A_79 = arith.constant 0 : i32
    %dma_start3A_80 = tpu.memref_slice %arg5[%add3A_72, %dma_start3A_79] : memref<5000x64xi32, #tpu.memory_space<hbm>> -> memref<1x64xi32, #tpu.memory_space<hbm>>
    %dma_start3A_81 = tpu.memref_squeeze %dma_start3A_80 : memref<1x64xi32, #tpu.memory_space<hbm>> -> memref<64xi32, #tpu.memory_space<hbm>>
    %dma_start3A_82 = arith.constant 0 : i32
    %dma_start3A_83 = tpu.memref_slice %arg5[%add3A_72, %dma_start3A_82] : memref<5000x64xi32, #tpu.memory_space<hbm>> -> memref<1x64xi32, #tpu.memory_space<hbm>>
    %dma_start3A_84 = tpu.memref_squeeze %dma_start3A_83 : memref<1x64xi32, #tpu.memory_space<hbm>> -> memref<64xi32, #tpu.memory_space<hbm>>
    tpu.enqueue_dma source(%dma_start3A_84 : memref<64xi32, #tpu.memory_space<hbm>>) target(%arg10 : memref<64xi32, #tpu.memory_space<vmem>>) target_semaphore(%arg19 : memref<!tpu.dma_semaphore, #tpu.memory_space<semaphore_mem>>)
    %mul3A_85 = arith.constant 64 : i32
    %mul3A_86 = arith.muli %add3A_72, %mul3A_85 : i32
    %dma_start3A_87 = arith.constant 0 : i32
    %dma_start3A_88 = tpu.memref_slice %arg3[%mul3A_86, %dma_start3A_87] : memref<320000x128xf32, #tpu.memory_space<hbm>> -> memref<64x128xf32, #tpu.memory_space<hbm>>
    %dma_start3A_89 = arith.constant 0 : i32
    %dma_start3A_90 = tpu.memref_slice %arg3[%mul3A_86, %dma_start3A_89] : memref<320000x128xf32, #tpu.memory_space<hbm>> -> memref<64x128xf32, #tpu.memory_space<hbm>>
    tpu.enqueue_dma source(%dma_start3A_90 : memref<64x128xf32, #tpu.memory_space<hbm>>) target(%arg12 : memref<64x128xf32, #tpu.memory_space<vmem>>) target_semaphore(%arg21 : memref<!tpu.dma_semaphore, #tpu.memory_space<semaphore_mem>>)
    %dma_wait3A = arith.constant 0 : i32
    %dma_wait3A_91 = arith.constant 0 : i32
    %dma_wait3A_92 = tpu.memref_slice %arg4[%dma_wait3A, %dma_wait3A_91] : memref<5000x64xi32, #tpu.memory_space<hbm>> -> memref<1x64xi32, #tpu.memory_space<hbm>>
    %dma_wait3A_93 = tpu.memref_squeeze %dma_wait3A_92 : memref<1x64xi32, #tpu.memory_space<hbm>> -> memref<64xi32, #tpu.memory_space<hbm>>
    %dma_wait3A_94 = arith.constant 0 : i32
    %dma_wait3A_95 = tpu.memref_slice %arg4[%dma_wait3A, %dma_wait3A_94] : memref<5000x64xi32, #tpu.memory_space<hbm>> -> memref<1x64xi32, #tpu.memory_space<hbm>>
    %dma_wait3A_96 = tpu.memref_squeeze %dma_wait3A_95 : memref<1x64xi32, #tpu.memory_space<hbm>> -> memref<64xi32, #tpu.memory_space<hbm>>
    tpu.wait_dma2 semaphore(%arg16 : memref<!tpu.dma_semaphore, #tpu.memory_space<semaphore_mem>>) src(%dma_wait3A_96 : memref<64xi32, #tpu.memory_space<hbm>>) dst(%arg7 : memref<64xi32, #tpu.memory_space<vmem>>)
    %dma_start3A_97 = arith.constant 0 : i32
    %dma_start3A_98 = arith.constant 0 : i32
    %dma_start3A_99 = tpu.memref_slice %arg2[%dma_start3A_97, %dma_start3A_98] : memref<10000x128xf32, #tpu.memory_space<hbm>> -> memref<10000x128xf32, #tpu.memory_space<hbm>>
    tpu.enqueue_indirect_dma source(%dma_start3A_99 : memref<10000x128xf32, #tpu.memory_space<hbm>>) target(%arg13 : memref<64x128xf32, #tpu.memory_space<vmem>>) offsets(%arg7 : memref<64xi32, #tpu.memory_space<vmem>>) semaphore(%arg22 : memref<!tpu.dma_semaphore, #tpu.memory_space<semaphore_mem>>)
    %scan3A_100 = arith.constant 0 : i32
    %scan3A_101 = arith.constant 0 : i32
    %scan3A_102 = arith.constant 79 : i32
    %scan3A_103 = arith.addi %scan3A_101, %scan3A_102 : i32
    %scan3A_104 = arith.constant 1 : i32
    %scan3A_105 = scf.for %scan3A_119 = %scan3A_101 to %scan3A_103 step %scan3A_104 iter_args(%scan3A_120 = %scan3A_100) -> (i32)  : i32 {
      %mul3A_121 = arith.constant 2 : i32
      %mul3A_122 = arith.muli %scan3A_119, %mul3A_121 : i32
      %add3A_123 = arith.constant 0 : i32
      %add3A_124 = arith.addi %mul3A_122, %add3A_123 : i32
      %lt3A_125 = arith.cmpi slt, %add3A_124, %add3A_3 : i32
      %convert_element_type3A_126 = arith.extui %lt3A_125 : i1 to i32
      %cond3A_127 = arith.constant 0 : i32
      %cond3A_128 = arith.cmpi ne, %convert_element_type3A_126, %cond3A_127 : i32
      scf.if %cond3A_128 {
        %add3A_138 = arith.constant 1 : i32
        %add3A_139 = arith.addi %add3A_124, %add3A_138 : i32
        %lt3A_140 = arith.cmpi slt, %add3A_139, %add3A_3 : i32
        %convert_element_type3A_141 = arith.extui %lt3A_140 : i1 to i32
        %cond3A_142 = arith.constant 0 : i32
        %cond3A_143 = arith.cmpi ne, %convert_element_type3A_141, %cond3A_142 : i32
        scf.if %cond3A_143 {
          %dma_wait3A_176 = arith.constant 0 : i32
          %dma_wait3A_177 = arith.constant 0 : i32
          %dma_wait3A_178 = tpu.memref_slice %arg4[%dma_wait3A_176, %dma_wait3A_177] : memref<5000x64xi32, #tpu.memory_space<hbm>> -> memref<1x64xi32, #tpu.memory_space<hbm>>
          %dma_wait3A_179 = tpu.memref_squeeze %dma_wait3A_178 : memref<1x64xi32, #tpu.memory_space<hbm>> -> memref<64xi32, #tpu.memory_space<hbm>>
          %dma_wait3A_180 = arith.constant 0 : i32
          %dma_wait3A_181 = tpu.memref_slice %arg4[%dma_wait3A_176, %dma_wait3A_180] : memref<5000x64xi32, #tpu.memory_space<hbm>> -> memref<1x64xi32, #tpu.memory_space<hbm>>
          %dma_wait3A_182 = tpu.memref_squeeze %dma_wait3A_181 : memref<1x64xi32, #tpu.memory_space<hbm>> -> memref<64xi32, #tpu.memory_space<hbm>>
          tpu.wait_dma2 semaphore(%arg17 : memref<!tpu.dma_semaphore, #tpu.memory_space<semaphore_mem>>) src(%dma_wait3A_182 : memref<64xi32, #tpu.memory_space<hbm>>) dst(%arg8 : memref<64xi32, #tpu.memory_space<vmem>>)
          %ge3A = arith.constant 1 : i32
          %ge3A_183 = arith.cmpi sge, %add3A_124, %ge3A : i32
          %convert_element_type3A_184 = arith.extui %ge3A_183 : i1 to i32
          %cond3A_185 = arith.constant 0 : i32
          %cond3A_186 = arith.cmpi ne, %convert_element_type3A_184, %cond3A_185 : i32
          scf.if %cond3A_186 {
            %dma_wait3A_190 = arith.constant 0 : i32
            %dma_wait3A_191 = arith.constant 0 : i32
            %dma_wait3A_192 = tpu.memref_slice %arg15[%dma_wait3A_190, %dma_wait3A_191] : memref<10240x128xf32, #tpu.memory_space<vmem_shared>> -> memref<10240x128xf32, #tpu.memory_space<vmem_shared>>
            tpu.wait_indirect_dma semaphore(%arg25 : memref<!tpu.dma_semaphore, #tpu.memory_space<semaphore_mem>>) src(%arg14 : memref<64x128xf32, #tpu.memory_space<vmem>>) dst(%dma_wait3A_192 : memref<10240x128xf32, #tpu.memory_space<vmem_shared>>)
          } else {
          }
          %dma_start3A_187 = arith.constant 0 : i32
          %dma_start3A_188 = arith.constant 0 : i32
          %dma_start3A_189 = tpu.memref_slice %arg2[%dma_start3A_187, %dma_start3A_188] : memref<10000x128xf32, #tpu.memory_space<hbm>> -> memref<10000x128xf32, #tpu.memory_space<hbm>>
          tpu.enqueue_indirect_dma source(%dma_start3A_189 : memref<10000x128xf32, #tpu.memory_space<hbm>>) target(%arg14 : memref<64x128xf32, #tpu.memory_space<vmem>>) offsets(%arg8 : memref<64xi32, #tpu.memory_space<vmem>>) semaphore(%arg23 : memref<!tpu.dma_semaphore, #tpu.memory_space<semaphore_mem>>)
        } else {
        }
        %dma_wait3A_144 = arith.constant 0 : i32
        %dma_wait3A_145 = arith.constant 0 : i32
        %dma_wait3A_146 = tpu.memref_slice %arg2[%dma_wait3A_144, %dma_wait3A_145] : memref<10000x128xf32, #tpu.memory_space<hbm>> -> memref<10000x128xf32, #tpu.memory_space<hbm>>
        tpu.wait_indirect_dma semaphore(%arg22 : memref<!tpu.dma_semaphore, #tpu.memory_space<semaphore_mem>>) src(%dma_wait3A_146 : memref<10000x128xf32, #tpu.memory_space<hbm>>) dst(%arg13 : memref<64x128xf32, #tpu.memory_space<vmem>>)
        %dma_wait3A_147 = arith.constant 0 : i32
        %dma_wait3A_148 = arith.constant 0 : i32
        %dma_wait3A_149 = tpu.memref_slice %arg3[%dma_wait3A_147, %dma_wait3A_148] : memref<320000x128xf32, #tpu.memory_space<hbm>> -> memref<64x128xf32, #tpu.memory_space<hbm>>
        %dma_wait3A_150 = arith.constant 0 : i32
        %dma_wait3A_151 = arith.constant 0 : i32
        %dma_wait3A_152 = tpu.memref_slice %arg3[%dma_wait3A_150, %dma_wait3A_151] : memref<320000x128xf32, #tpu.memory_space<hbm>> -> memref<64x128xf32, #tpu.memory_space<hbm>>
        tpu.wait_dma2 semaphore(%arg20 : memref<!tpu.dma_semaphore, #tpu.memory_space<semaphore_mem>>) src(%dma_wait3A_152 : memref<64x128xf32, #tpu.memory_space<hbm>>) dst(%arg11 : memref<64x128xf32, #tpu.memory_space<vmem>>)
        %dma_wait3A_153 = arith.constant 0 : i32
        %dma_wait3A_154 = arith.constant 0 : i32
        %dma_wait3A_155 = tpu.memref_slice %arg5[%dma_wait3A_153, %dma_wait3A_154] : memref<5000x64xi32, #tpu.memory_space<hbm>> -> memref<1x64xi32, #tpu.memory_space<hbm>>
        %dma_wait3A_156 = tpu.memref_squeeze %dma_wait3A_155 : memref<1x64xi32, #tpu.memory_space<hbm>> -> memref<64xi32, #tpu.memory_space<hbm>>
        %dma_wait3A_157 = arith.constant 0 : i32
        %dma_wait3A_158 = tpu.memref_slice %arg5[%dma_wait3A_153, %dma_wait3A_157] : memref<5000x64xi32, #tpu.memory_space<hbm>> -> memref<1x64xi32, #tpu.memory_space<hbm>>
        %dma_wait3A_159 = tpu.memref_squeeze %dma_wait3A_158 : memref<1x64xi32, #tpu.memory_space<hbm>> -> memref<64xi32, #tpu.memory_space<hbm>>
        tpu.wait_dma2 semaphore(%arg18 : memref<!tpu.dma_semaphore, #tpu.memory_space<semaphore_mem>>) src(%dma_wait3A_159 : memref<64xi32, #tpu.memory_space<hbm>>) dst(%arg9 : memref<64xi32, #tpu.memory_space<vmem>>)
        %scan3A_160 = arith.constant 0 : i32
        %scan3A_161 = arith.constant 0 : i32
        %scan3A_162 = arith.constant 64 : i32
        %scan3A_163 = arith.addi %scan3A_161, %scan3A_162 : i32
        %scan3A_164 = arith.constant 1 : i32
        %scan3A_165 = scf.for %scan3A_176 = %scan3A_161 to %scan3A_163 step %scan3A_164 iter_args(%scan3A_177 = %scan3A_160) -> (i32)  : i32 {
          %get3A = arith.index_cast %scan3A_176 : i32 to index
          %get3A_178 = arith.constant 0 : index
          %get3A_179 = tpu.vector_load %arg13[%get3A, %get3A_178] {strides = array<i32>} : memref<64x128xf32, #tpu.memory_space<vmem>>, vector<1x16xf32>,
          %get3A_180 = vector.shape_cast %get3A_179 : vector<1x16xf32> to vector<16xf32>
          %get3A_181 = arith.index_cast %scan3A_176 : i32 to index
          %get3A_182 = arith.constant 0 : index
          %get3A_183 = tpu.vector_load %arg11[%get3A_181, %get3A_182] {strides = array<i32>} : memref<64x128xf32, #tpu.memory_space<vmem>>, vector<1x16xf32>,
          %get3A_184 = vector.shape_cast %get3A_183 : vector<1x16xf32> to vector<16xf32>
          %mul3A_185 = arith.mulf %get3A_180, %get3A_184 : vector<16xf32>
          %swap3A = arith.index_cast %scan3A_176 : i32 to index
          %swap3A_186 = arith.constant 0 : index
          %swap3A_187 = tpu.vector_load %arg13[%swap3A, %swap3A_186] {strides = array<i32>} : memref<64x128xf32, #tpu.memory_space<vmem>>, vector<1x16xf32>,
          %swap3A_188 = vector.shape_cast %swap3A_187 : vector<1x16xf32> to vector<16xf32>
          %swap3A_189 = vector.shape_cast %mul3A_185 : vector<16xf32> to vector<1x16xf32>
          tpu.vector_store %arg13[%swap3A, %swap3A_186], %swap3A_189 {strides = array<i32>} : memref<64x128xf32, #tpu.memory_space<vmem>>, vector<1x16xf32>,
          %get3A_190 = arith.index_cast %scan3A_176 : i32 to index
          %get3A_191 = arith.constant 16 : index
          %get3A_192 = tpu.vector_load %arg13[%get3A_190, %get3A_191] {strides = array<i32>} : memref<64x128xf32, #tpu.memory_space<vmem>>, vector<1x16xf32>,
          %get3A_193 = vector.shape_cast %get3A_192 : vector<1x16xf32> to vector<16xf32>
          %get3A_194 = arith.index_cast %scan3A_176 : i32 to index
          %get3A_195 = arith.constant 16 : index
          %get3A_196 = tpu.vector_load %arg11[%get3A_194, %get3A_195] {strides = array<i32>} : memref<64x128xf32, #tpu.memory_space<vmem>>, vector<1x16xf32>,
          %get3A_197 = vector.shape_cast %get3A_196 : vector<1x16xf32> to vector<16xf32>
          %mul3A_198 = arith.mulf %get3A_193, %get3A_197 : vector<16xf32>
          %swap3A_199 = arith.index_cast %scan3A_176 : i32 to index
          %swap3A_200 = arith.constant 16 : index
          %swap3A_201 = tpu.vector_load %arg13[%swap3A_199, %swap3A_200] {strides = array<i32>} : memref<64x128xf32, #tpu.memory_space<vmem>>, vector<1x16xf32>,
          %swap3A_202 = vector.shape_cast %swap3A_201 : vector<1x16xf32> to vector<16xf32>
          %swap3A_203 = vector.shape_cast %mul3A_198 : vector<16xf32> to vector<1x16xf32>
          tpu.vector_store %arg13[%swap3A_199, %swap3A_200], %swap3A_203 {strides = array<i32>} : memref<64x128xf32, #tpu.memory_space<vmem>>, vector<1x16xf32>,
          %get3A_204 = arith.index_cast %scan3A_176 : i32 to index
          %get3A_205 = arith.constant 32 : index
          %get3A_206 = tpu.vector_load %arg13[%get3A_204, %get3A_205] {strides = array<i32>} : memref<64x128xf32, #tpu.memory_space<vmem>>, vector<1x16xf32>,
          %get3A_207 = vector.shape_cast %get3A_206 : vector<1x16xf32> to vector<16xf32>
          %get3A_208 = arith.index_cast %scan3A_176 : i32 to index
          %get3A_209 = arith.constant 32 : index
          %get3A_210 = tpu.vector_load %arg11[%get3A_208, %get3A_209] {strides = array<i32>} : memref<64x128xf32, #tpu.memory_space<vmem>>, vector<1x16xf32>,
          %get3A_211 = vector.shape_cast %get3A_210 : vector<1x16xf32> to vector<16xf32>
          %mul3A_212 = arith.mulf %get3A_207, %get3A_211 : vector<16xf32>
          %swap3A_213 = arith.index_cast %scan3A_176 : i32 to index
          %swap3A_214 = arith.constant 32 : index
          %swap3A_215 = tpu.vector_load %arg13[%swap3A_213, %swap3A_214] {strides = array<i32>} : memref<64x128xf32, #tpu.memory_space<vmem>>, vector<1x16xf32>,
          %swap3A_216 = vector.shape_cast %swap3A_215 : vector<1x16xf32> to vector<16xf32>
          %swap3A_217 = vector.shape_cast %mul3A_212 : vector<16xf32> to vector<1x16xf32>
          tpu.vector_store %arg13[%swap3A_213, %swap3A_214], %swap3A_217 {strides = array<i32>} : memref<64x128xf32, #tpu.memory_space<vmem>>, vector<1x16xf32>,
          %get3A_218 = arith.index_cast %scan3A_176 : i32 to index
          %get3A_219 = arith.constant 48 : index
          %get3A_220 = tpu.vector_load %arg13[%get3A_218, %get3A_219] {strides = array<i32>} : memref<64x128xf32, #tpu.memory_space<vmem>>, vector<1x16xf32>,
          %get3A_221 = vector.shape_cast %get3A_220 : vector<1x16xf32> to vector<16xf32>
          %get3A_222 = arith.index_cast %scan3A_176 : i32 to index
          %get3A_223 = arith.constant 48 : index
          %get3A_224 = tpu.vector_load %arg11[%get3A_222, %get3A_223] {strides = array<i32>} : memref<64x128xf32, #tpu.memory_space<vmem>>, vector<1x16xf32>,
          %get3A_225 = vector.shape_cast %get3A_224 : vector<1x16xf32> to vector<16xf32>
          %mul3A_226 = arith.mulf %get3A_221, %get3A_225 : vector<16xf32>
          %swap3A_227 = arith.index_cast %scan3A_176 : i32 to index
          %swap3A_228 = arith.constant 48 : index
          %swap3A_229 = tpu.vector_load %arg13[%swap3A_227, %swap3A_228] {strides = array<i32>} : memref<64x128xf32, #tpu.memory_space<vmem>>, vector<1x16xf32>,
          %swap3A_230 = vector.shape_cast %swap3A_229 : vector<1x16xf32> to vector<16xf32>
          %swap3A_231 = vector.shape_cast %mul3A_226 : vector<16xf32> to vector<1x16xf32>
          tpu.vector_store %arg13[%swap3A_227, %swap3A_228], %swap3A_231 {strides = array<i32>} : memref<64x128xf32, #tpu.memory_space<vmem>>, vector<1x16xf32>,
          %get3A_232 = arith.index_cast %scan3A_176 : i32 to index
          %get3A_233 = arith.constant 64 : index
          %get3A_234 = tpu.vector_load %arg13[%get3A_232, %get3A_233] {strides = array<i32>} : memref<64x128xf32, #tpu.memory_space<vmem>>, vector<1x16xf32>,
          %get3A_235 = vector.shape_cast %get3A_234 : vector<1x16xf32> to vector<16xf32>
          %get3A_236 = arith.index_cast %scan3A_176 : i32 to index
          %get3A_237 = arith.constant 64 : index
          %get3A_238 = tpu.vector_load %arg11[%get3A_236, %get3A_237] {strides = array<i32>} : memref<64x128xf32, #tpu.memory_space<vmem>>, vector<1x16xf32>,
          %get3A_239 = vector.shape_cast %get3A_238 : vector<1x16xf32> to vector<16xf32>
          %mul3A_240 = arith.mulf %get3A_235, %get3A_239 : vector<16xf32>
          %swap3A_241 = arith.index_cast %scan3A_176 : i32 to index
          %swap3A_242 = arith.constant 64 : index
          %swap3A_243 = tpu.vector_load %arg13[%swap3A_241, %swap3A_242] {strides = array<i32>} : memref<64x128xf32, #tpu.memory_space<vmem>>, vector<1x16xf32>,
          %swap3A_244 = vector.shape_cast %swap3A_243 : vector<1x16xf32> to vector<16xf32>
          %swap3A_245 = vector.shape_cast %mul3A_240 : vector<16xf32> to vector<1x16xf32>
          tpu.vector_store %arg13[%swap3A_241, %swap3A_242], %swap3A_245 {strides = array<i32>} : memref<64x128xf32, #tpu.memory_space<vmem>>, vector<1x16xf32>,
          %get3A_246 = arith.index_cast %scan3A_176 : i32 to index
          %get3A_247 = arith.constant 80 : index
          %get3A_248 = tpu.vector_load %arg13[%get3A_246, %get3A_247] {strides = array<i32>} : memref<64x128xf32, #tpu.memory_space<vmem>>, vector<1x16xf32>,
          %get3A_249 = vector.shape_cast %get3A_248 : vector<1x16xf32> to vector<16xf32>
          %get3A_250 = arith.index_cast %scan3A_176 : i32 to index
          %get3A_251 = arith.constant 80 : index
          %get3A_252 = tpu.vector_load %arg11[%get3A_250, %get3A_251] {strides = array<i32>} : memref<64x128xf32, #tpu.memory_space<vmem>>, vector<1x16xf32>,
          %get3A_253 = vector.shape_cast %get3A_252 : vector<1x16xf32> to vector<16xf32>
          %mul3A_254 = arith.mulf %get3A_249, %get3A_253 : vector<16xf32>
          %swap3A_255 = arith.index_cast %scan3A_176 : i32 to index
          %swap3A_256 = arith.constant 80 : index
          %swap3A_257 = tpu.vector_load %arg13[%swap3A_255, %swap3A_256] {strides = array<i32>} : memref<64x128xf32, #tpu.memory_space<vmem>>, vector<1x16xf32>,
          %swap3A_258 = vector.shape_cast %swap3A_257 : vector<1x16xf32> to vector<16xf32>
          %swap3A_259 = vector.shape_cast %mul3A_254 : vector<16xf32> to vector<1x16xf32>
          tpu.vector_store %arg13[%swap3A_255, %swap3A_256], %swap3A_259 {strides = array<i32>} : memref<64x128xf32, #tpu.memory_space<vmem>>, vector<1x16xf32>,
          %get3A_260 = arith.index_cast %scan3A_176 : i32 to index
          %get3A_261 = arith.constant 96 : index
          %get3A_262 = tpu.vector_load %arg13[%get3A_260, %get3A_261] {strides = array<i32>} : memref<64x128xf32, #tpu.memory_space<vmem>>, vector<1x16xf32>,
          %get3A_263 = vector.shape_cast %get3A_262 : vector<1x16xf32> to vector<16xf32>
          %get3A_264 = arith.index_cast %scan3A_176 : i32 to index
          %get3A_265 = arith.constant 96 : index
          %get3A_266 = tpu.vector_load %arg11[%get3A_264, %get3A_265] {strides = array<i32>} : memref<64x128xf32, #tpu.memory_space<vmem>>, vector<1x16xf32>,
          %get3A_267 = vector.shape_cast %get3A_266 : vector<1x16xf32> to vector<16xf32>
          %mul3A_268 = arith.mulf %get3A_263, %get3A_267 : vector<16xf32>
          %swap3A_269 = arith.index_cast %scan3A_176 : i32 to index
          %swap3A_270 = arith.constant 96 : index
          %swap3A_271 = tpu.vector_load %arg13[%swap3A_269, %swap3A_270] {strides = array<i32>} : memref<64x128xf32, #tpu.memory_space<vmem>>, vector<1x16xf32>,
          %swap3A_272 = vector.shape_cast %swap3A_271 : vector<1x16xf32> to vector<16xf32>
          %swap3A_273 = vector.shape_cast %mul3A_268 : vector<16xf32> to vector<1x16xf32>
          tpu.vector_store %arg13[%swap3A_269, %swap3A_270], %swap3A_273 {strides = array<i32>} : memref<64x128xf32, #tpu.memory_space<vmem>>, vector<1x16xf32>,
          %get3A_274 = arith.index_cast %scan3A_176 : i32 to index
          %get3A_275 = arith.constant 112 : index
          %get3A_276 = tpu.vector_load %arg13[%get3A_274, %get3A_275] {strides = array<i32>} : memref<64x128xf32, #tpu.memory_space<vmem>>, vector<1x16xf32>,
          %get3A_277 = vector.shape_cast %get3A_276 : vector<1x16xf32> to vector<16xf32>
          %get3A_278 = arith.index_cast %scan3A_176 : i32 to index
          %get3A_279 = arith.constant 112 : index
          %get3A_280 = tpu.vector_load %arg11[%get3A_278, %get3A_279] {strides = array<i32>} : memref<64x128xf32, #tpu.memory_space<vmem>>, vector<1x16xf32>,
          %get3A_281 = vector.shape_cast %get3A_280 : vector<1x16xf32> to vector<16xf32>
          %mul3A_282 = arith.mulf %get3A_277, %get3A_281 : vector<16xf32>
          %swap3A_283 = arith.index_cast %scan3A_176 : i32 to index
          %swap3A_284 = arith.constant 112 : index
          %swap3A_285 = tpu.vector_load %arg13[%swap3A_283, %swap3A_284] {strides = array<i32>} : memref<64x128xf32, #tpu.memory_space<vmem>>, vector<1x16xf32>,
          %swap3A_286 = vector.shape_cast %swap3A_285 : vector<1x16xf32> to vector<16xf32>
          %swap3A_287 = vector.shape_cast %mul3A_282 : vector<16xf32> to vector<1x16xf32>
          tpu.vector_store %arg13[%swap3A_283, %swap3A_284], %swap3A_287 {strides = array<i32>} : memref<64x128xf32, #tpu.memory_space<vmem>>, vector<1x16xf32>,
          %scan3A_288 = arith.constant 0 : i32
          scf.yield %scan3A_288 : i32
        }
        %scan3A_166 = arith.constant 64 : i32
        %dma_start3A_167 = arith.constant 0 : i32
        %dma_start3A_168 = arith.constant 0 : i32
        %dma_start3A_169 = tpu.memref_slice %arg15[%dma_start3A_167, %dma_start3A_168] : memref<10240x128xf32, #tpu.memory_space<vmem_shared>> -> memref<10240x128xf32, #tpu.memory_space<vmem_shared>>
        tpu.enqueue_indirect_dma source(%arg13 : memref<64x128xf32, #tpu.memory_space<vmem>>) target(%dma_start3A_169 : memref<10240x128xf32, #tpu.memory_space<vmem_shared>>) offsets(%arg9 : memref<64xi32, #tpu.memory_space<vmem>>) semaphore(%arg24 : memref<!tpu.dma_semaphore, #tpu.memory_space<semaphore_mem>>) {add = true}
        %add3A_170 = arith.constant 2 : i32
        %add3A_171 = arith.addi %add3A_124, %add3A_170 : i32
        %lt3A_172 = arith.cmpi slt, %add3A_171, %add3A_3 : i32
        %convert_element_type3A_173 = arith.extui %lt3A_172 : i1 to i32
        %cond3A_174 = arith.constant 0 : i32
        %cond3A_175 = arith.cmpi ne, %convert_element_type3A_173, %cond3A_174 : i32
        scf.if %cond3A_175 {
          %add3A_176 = arith.addi %add3A_7, %add3A_124 : i32
          %add3A_177 = arith.constant 2 : i32
          %add3A_178 = arith.addi %add3A_176, %add3A_177 : i32
          %dma_start3A_179 = arith.constant 0 : i32
          %dma_start3A_180 = tpu.memref_slice %arg4[%add3A_178, %dma_start3A_179] : memref<5000x64xi32, #tpu.memory_space<hbm>> -> memref<1x64xi32, #tpu.memory_space<hbm>>
          %dma_start3A_181 = tpu.memref_squeeze %dma_start3A_180 : memref<1x64xi32, #tpu.memory_space<hbm>> -> memref<64xi32, #tpu.memory_space<hbm>>
          %dma_start3A_182 = arith.constant 0 : i32
          %dma_start3A_183 = tpu.memref_slice %arg4[%add3A_178, %dma_start3A_182] : memref<5000x64xi32, #tpu.memory_space<hbm>> -> memref<1x64xi32, #tpu.memory_space<hbm>>
          %dma_start3A_184 = tpu.memref_squeeze %dma_start3A_183 : memref<1x64xi32, #tpu.memory_space<hbm>> -> memref<64xi32, #tpu.memory_space<hbm>>
          tpu.enqueue_dma source(%dma_start3A_184 : memref<64xi32, #tpu.memory_space<hbm>>) target(%arg7 : memref<64xi32, #tpu.memory_space<vmem>>) target_semaphore(%arg16 : memref<!tpu.dma_semaphore, #tpu.memory_space<semaphore_mem>>)
          %dma_start3A_185 = arith.constant 0 : i32
          %dma_start3A_186 = tpu.memref_slice %arg5[%add3A_178, %dma_start3A_185] : memref<5000x64xi32, #tpu.memory_space<hbm>> -> memref<1x64xi32, #tpu.memory_space<hbm>>
          %dma_start3A_187 = tpu.memref_squeeze %dma_start3A_186 : memref<1x64xi32, #tpu.memory_space<hbm>> -> memref<64xi32, #tpu.memory_space<hbm>>
          %dma_start3A_188 = arith.constant 0 : i32
          %dma_start3A_189 = tpu.memref_slice %arg5[%add3A_178, %dma_start3A_188] : memref<5000x64xi32, #tpu.memory_space<hbm>> -> memref<1x64xi32, #tpu.memory_space<hbm>>
          %dma_start3A_190 = tpu.memref_squeeze %dma_start3A_189 : memref<1x64xi32, #tpu.memory_space<hbm>> -> memref<64xi32, #tpu.memory_space<hbm>>
          tpu.enqueue_dma source(%dma_start3A_190 : memref<64xi32, #tpu.memory_space<hbm>>) target(%arg9 : memref<64xi32, #tpu.memory_space<vmem>>) target_semaphore(%arg18 : memref<!tpu.dma_semaphore, #tpu.memory_space<semaphore_mem>>)
          %mul3A_191 = arith.constant 64 : i32
          %mul3A_192 = arith.muli %add3A_178, %mul3A_191 : i32
          %dma_start3A_193 = arith.constant 0 : i32
          %dma_start3A_194 = tpu.memref_slice %arg3[%mul3A_192, %dma_start3A_193] : memref<320000x128xf32, #tpu.memory_space<hbm>> -> memref<64x128xf32, #tpu.memory_space<hbm>>
          %dma_start3A_195 = arith.constant 0 : i32
          %dma_start3A_196 = tpu.memref_slice %arg3[%mul3A_192, %dma_start3A_195] : memref<320000x128xf32, #tpu.memory_space<hbm>> -> memref<64x128xf32, #tpu.memory_space<hbm>>
          tpu.enqueue_dma source(%dma_start3A_196 : memref<64x128xf32, #tpu.memory_space<hbm>>) target(%arg11 : memref<64x128xf32, #tpu.memory_space<vmem>>) target_semaphore(%arg20 : memref<!tpu.dma_semaphore, #tpu.memory_space<semaphore_mem>>)
        } else {
        }
      } else {
      }
      %mul3A_129 = arith.constant 2 : i32
      %mul3A_130 = arith.muli %scan3A_119, %mul3A_129 : i32
      %add3A_131 = arith.constant 1 : i32
      %add3A_132 = arith.addi %mul3A_130, %add3A_131 : i32
      %lt3A_133 = arith.cmpi slt, %add3A_132, %add3A_3 : i32
      %convert_element_type3A_134 = arith.extui %lt3A_133 : i1 to i32
      %cond3A_135 = arith.constant 0 : i32
      %cond3A_136 = arith.cmpi ne, %convert_element_type3A_134, %cond3A_135 : i32
      scf.if %cond3A_136 {
        %add3A_138 = arith.constant 1 : i32
        %add3A_139 = arith.addi %add3A_132, %add3A_138 : i32
        %lt3A_140 = arith.cmpi slt, %add3A_139, %add3A_3 : i32
        %convert_element_type3A_141 = arith.extui %lt3A_140 : i1 to i32
        %cond3A_142 = arith.constant 0 : i32
        %cond3A_143 = arith.cmpi ne, %convert_element_type3A_141, %cond3A_142 : i32
        scf.if %cond3A_143 {
          %dma_wait3A_176 = arith.constant 0 : i32
          %dma_wait3A_177 = arith.constant 0 : i32
          %dma_wait3A_178 = tpu.memref_slice %arg4[%dma_wait3A_176, %dma_wait3A_177] : memref<5000x64xi32, #tpu.memory_space<hbm>> -> memref<1x64xi32, #tpu.memory_space<hbm>>
          %dma_wait3A_179 = tpu.memref_squeeze %dma_wait3A_178 : memref<1x64xi32, #tpu.memory_space<hbm>> -> memref<64xi32, #tpu.memory_space<hbm>>
          %dma_wait3A_180 = arith.constant 0 : i32
          %dma_wait3A_181 = tpu.memref_slice %arg4[%dma_wait3A_176, %dma_wait3A_180] : memref<5000x64xi32, #tpu.memory_space<hbm>> -> memref<1x64xi32, #tpu.memory_space<hbm>>
          %dma_wait3A_182 = tpu.memref_squeeze %dma_wait3A_181 : memref<1x64xi32, #tpu.memory_space<hbm>> -> memref<64xi32, #tpu.memory_space<hbm>>
          tpu.wait_dma2 semaphore(%arg16 : memref<!tpu.dma_semaphore, #tpu.memory_space<semaphore_mem>>) src(%dma_wait3A_182 : memref<64xi32, #tpu.memory_space<hbm>>) dst(%arg7 : memref<64xi32, #tpu.memory_space<vmem>>)
          %ge3A = arith.constant 1 : i32
          %ge3A_183 = arith.cmpi sge, %add3A_132, %ge3A : i32
          %convert_element_type3A_184 = arith.extui %ge3A_183 : i1 to i32
          %cond3A_185 = arith.constant 0 : i32
          %cond3A_186 = arith.cmpi ne, %convert_element_type3A_184, %cond3A_185 : i32
          scf.if %cond3A_186 {
            %dma_wait3A_190 = arith.constant 0 : i32
            %dma_wait3A_191 = arith.constant 0 : i32
            %dma_wait3A_192 = tpu.memref_slice %arg15[%dma_wait3A_190, %dma_wait3A_191] : memref<10240x128xf32, #tpu.memory_space<vmem_shared>> -> memref<10240x128xf32, #tpu.memory_space<vmem_shared>>
            tpu.wait_indirect_dma semaphore(%arg24 : memref<!tpu.dma_semaphore, #tpu.memory_space<semaphore_mem>>) src(%arg13 : memref<64x128xf32, #tpu.memory_space<vmem>>) dst(%dma_wait3A_192 : memref<10240x128xf32, #tpu.memory_space<vmem_shared>>)
          } else {
          }
          %dma_start3A_187 = arith.constant 0 : i32
          %dma_start3A_188 = arith.constant 0 : i32
          %dma_start3A_189 = tpu.memref_slice %arg2[%dma_start3A_187, %dma_start3A_188] : memref<10000x128xf32, #tpu.memory_space<hbm>> -> memref<10000x128xf32, #tpu.memory_space<hbm>>
          tpu.enqueue_indirect_dma source(%dma_start3A_189 : memref<10000x128xf32, #tpu.memory_space<hbm>>) target(%arg13 : memref<64x128xf32, #tpu.memory_space<vmem>>) offsets(%arg7 : memref<64xi32, #tpu.memory_space<vmem>>) semaphore(%arg22 : memref<!tpu.dma_semaphore, #tpu.memory_space<semaphore_mem>>)
        } else {
        }
        %dma_wait3A_144 = arith.constant 0 : i32
        %dma_wait3A_145 = arith.constant 0 : i32
        %dma_wait3A_146 = tpu.memref_slice %arg2[%dma_wait3A_144, %dma_wait3A_145] : memref<10000x128xf32, #tpu.memory_space<hbm>> -> memref<10000x128xf32, #tpu.memory_space<hbm>>
        tpu.wait_indirect_dma semaphore(%arg23 : memref<!tpu.dma_semaphore, #tpu.memory_space<semaphore_mem>>) src(%dma_wait3A_146 : memref<10000x128xf32, #tpu.memory_space<hbm>>) dst(%arg14 : memref<64x128xf32, #tpu.memory_space<vmem>>)
        %dma_wait3A_147 = arith.constant 0 : i32
        %dma_wait3A_148 = arith.constant 0 : i32
        %dma_wait3A_149 = tpu.memref_slice %arg3[%dma_wait3A_147, %dma_wait3A_148] : memref<320000x128xf32, #tpu.memory_space<hbm>> -> memref<64x128xf32, #tpu.memory_space<hbm>>
        %dma_wait3A_150 = arith.constant 0 : i32
        %dma_wait3A_151 = arith.constant 0 : i32
        %dma_wait3A_152 = tpu.memref_slice %arg3[%dma_wait3A_150, %dma_wait3A_151] : memref<320000x128xf32, #tpu.memory_space<hbm>> -> memref<64x128xf32, #tpu.memory_space<hbm>>
        tpu.wait_dma2 semaphore(%arg21 : memref<!tpu.dma_semaphore, #tpu.memory_space<semaphore_mem>>) src(%dma_wait3A_152 : memref<64x128xf32, #tpu.memory_space<hbm>>) dst(%arg12 : memref<64x128xf32, #tpu.memory_space<vmem>>)
        %dma_wait3A_153 = arith.constant 0 : i32
        %dma_wait3A_154 = arith.constant 0 : i32
        %dma_wait3A_155 = tpu.memref_slice %arg5[%dma_wait3A_153, %dma_wait3A_154] : memref<5000x64xi32, #tpu.memory_space<hbm>> -> memref<1x64xi32, #tpu.memory_space<hbm>>
        %dma_wait3A_156 = tpu.memref_squeeze %dma_wait3A_155 : memref<1x64xi32, #tpu.memory_space<hbm>> -> memref<64xi32, #tpu.memory_space<hbm>>
        %dma_wait3A_157 = arith.constant 0 : i32
        %dma_wait3A_158 = tpu.memref_slice %arg5[%dma_wait3A_153, %dma_wait3A_157] : memref<5000x64xi32, #tpu.memory_space<hbm>> -> memref<1x64xi32, #tpu.memory_space<hbm>>
        %dma_wait3A_159 = tpu.memref_squeeze %dma_wait3A_158 : memref<1x64xi32, #tpu.memory_space<hbm>> -> memref<64xi32, #tpu.memory_space<hbm>>
        tpu.wait_dma2 semaphore(%arg19 : memref<!tpu.dma_semaphore, #tpu.memory_space<semaphore_mem>>) src(%dma_wait3A_159 : memref<64xi32, #tpu.memory_space<hbm>>) dst(%arg10 : memref<64xi32, #tpu.memory_space<vmem>>)
        %scan3A_160 = arith.constant 0 : i32
        %scan3A_161 = arith.constant 0 : i32
        %scan3A_162 = arith.constant 64 : i32
        %scan3A_163 = arith.addi %scan3A_161, %scan3A_162 : i32
        %scan3A_164 = arith.constant 1 : i32
        %scan3A_165 = scf.for %scan3A_176 = %scan3A_161 to %scan3A_163 step %scan3A_164 iter_args(%scan3A_177 = %scan3A_160) -> (i32)  : i32 {
          %get3A = arith.index_cast %scan3A_176 : i32 to index
          %get3A_178 = arith.constant 0 : index
          %get3A_179 = tpu.vector_load %arg14[%get3A, %get3A_178] {strides = array<i32>} : memref<64x128xf32, #tpu.memory_space<vmem>>, vector<1x16xf32>,
          %get3A_180 = vector.shape_cast %get3A_179 : vector<1x16xf32> to vector<16xf32>
          %get3A_181 = arith.index_cast %scan3A_176 : i32 to index
          %get3A_182 = arith.constant 0 : index
          %get3A_183 = tpu.vector_load %arg12[%get3A_181, %get3A_182] {strides = array<i32>} : memref<64x128xf32, #tpu.memory_space<vmem>>, vector<1x16xf32>,
          %get3A_184 = vector.shape_cast %get3A_183 : vector<1x16xf32> to vector<16xf32>
          %mul3A_185 = arith.mulf %get3A_180, %get3A_184 : vector<16xf32>
          %swap3A = arith.index_cast %scan3A_176 : i32 to index
          %swap3A_186 = arith.constant 0 : index
          %swap3A_187 = tpu.vector_load %arg14[%swap3A, %swap3A_186] {strides = array<i32>} : memref<64x128xf32, #tpu.memory_space<vmem>>, vector<1x16xf32>,
          %swap3A_188 = vector.shape_cast %swap3A_187 : vector<1x16xf32> to vector<16xf32>
          %swap3A_189 = vector.shape_cast %mul3A_185 : vector<16xf32> to vector<1x16xf32>
          tpu.vector_store %arg14[%swap3A, %swap3A_186], %swap3A_189 {strides = array<i32>} : memref<64x128xf32, #tpu.memory_space<vmem>>, vector<1x16xf32>,
          %get3A_190 = arith.index_cast %scan3A_176 : i32 to index
          %get3A_191 = arith.constant 16 : index
          %get3A_192 = tpu.vector_load %arg14[%get3A_190, %get3A_191] {strides = array<i32>} : memref<64x128xf32, #tpu.memory_space<vmem>>, vector<1x16xf32>,
          %get3A_193 = vector.shape_cast %get3A_192 : vector<1x16xf32> to vector<16xf32>
          %get3A_194 = arith.index_cast %scan3A_176 : i32 to index
          %get3A_195 = arith.constant 16 : index
          %get3A_196 = tpu.vector_load %arg12[%get3A_194, %get3A_195] {strides = array<i32>} : memref<64x128xf32, #tpu.memory_space<vmem>>, vector<1x16xf32>,
          %get3A_197 = vector.shape_cast %get3A_196 : vector<1x16xf32> to vector<16xf32>
          %mul3A_198 = arith.mulf %get3A_193, %get3A_197 : vector<16xf32>
          %swap3A_199 = arith.index_cast %scan3A_176 : i32 to index
          %swap3A_200 = arith.constant 16 : index
          %swap3A_201 = tpu.vector_load %arg14[%swap3A_199, %swap3A_200] {strides = array<i32>} : memref<64x128xf32, #tpu.memory_space<vmem>>, vector<1x16xf32>,
          %swap3A_202 = vector.shape_cast %swap3A_201 : vector<1x16xf32> to vector<16xf32>
          %swap3A_203 = vector.shape_cast %mul3A_198 : vector<16xf32> to vector<1x16xf32>
          tpu.vector_store %arg14[%swap3A_199, %swap3A_200], %swap3A_203 {strides = array<i32>} : memref<64x128xf32, #tpu.memory_space<vmem>>, vector<1x16xf32>,
          %get3A_204 = arith.index_cast %scan3A_176 : i32 to index
          %get3A_205 = arith.constant 32 : index
          %get3A_206 = tpu.vector_load %arg14[%get3A_204, %get3A_205] {strides = array<i32>} : memref<64x128xf32, #tpu.memory_space<vmem>>, vector<1x16xf32>,
          %get3A_207 = vector.shape_cast %get3A_206 : vector<1x16xf32> to vector<16xf32>
          %get3A_208 = arith.index_cast %scan3A_176 : i32 to index
          %get3A_209 = arith.constant 32 : index
          %get3A_210 = tpu.vector_load %arg12[%get3A_208, %get3A_209] {strides = array<i32>} : memref<64x128xf32, #tpu.memory_space<vmem>>, vector<1x16xf32>,
          %get3A_211 = vector.shape_cast %get3A_210 : vector<1x16xf32> to vector<16xf32>
          %mul3A_212 = arith.mulf %get3A_207, %get3A_211 : vector<16xf32>
          %swap3A_213 = arith.index_cast %scan3A_176 : i32 to index
          %swap3A_214 = arith.constant 32 : index
          %swap3A_215 = tpu.vector_load %arg14[%swap3A_213, %swap3A_214] {strides = array<i32>} : memref<64x128xf32, #tpu.memory_space<vmem>>, vector<1x16xf32>,
          %swap3A_216 = vector.shape_cast %swap3A_215 : vector<1x16xf32> to vector<16xf32>
          %swap3A_217 = vector.shape_cast %mul3A_212 : vector<16xf32> to vector<1x16xf32>
          tpu.vector_store %arg14[%swap3A_213, %swap3A_214], %swap3A_217 {strides = array<i32>} : memref<64x128xf32, #tpu.memory_space<vmem>>, vector<1x16xf32>,
          %get3A_218 = arith.index_cast %scan3A_176 : i32 to index
          %get3A_219 = arith.constant 48 : index
          %get3A_220 = tpu.vector_load %arg14[%get3A_218, %get3A_219] {strides = array<i32>} : memref<64x128xf32, #tpu.memory_space<vmem>>, vector<1x16xf32>,
          %get3A_221 = vector.shape_cast %get3A_220 : vector<1x16xf32> to vector<16xf32>
          %get3A_222 = arith.index_cast %scan3A_176 : i32 to index
          %get3A_223 = arith.constant 48 : index
          %get3A_224 = tpu.vector_load %arg12[%get3A_222, %get3A_223] {strides = array<i32>} : memref<64x128xf32, #tpu.memory_space<vmem>>, vector<1x16xf32>,
          %get3A_225 = vector.shape_cast %get3A_224 : vector<1x16xf32> to vector<16xf32>
          %mul3A_226 = arith.mulf %get3A_221, %get3A_225 : vector<16xf32>
          %swap3A_227 = arith.index_cast %scan3A_176 : i32 to index
          %swap3A_228 = arith.constant 48 : index
          %swap3A_229 = tpu.vector_load %arg14[%swap3A_227, %swap3A_228] {strides = array<i32>} : memref<64x128xf32, #tpu.memory_space<vmem>>, vector<1x16xf32>,
          %swap3A_230 = vector.shape_cast %swap3A_229 : vector<1x16xf32> to vector<16xf32>
          %swap3A_231 = vector.shape_cast %mul3A_226 : vector<16xf32> to vector<1x16xf32>
          tpu.vector_store %arg14[%swap3A_227, %swap3A_228], %swap3A_231 {strides = array<i32>} : memref<64x128xf32, #tpu.memory_space<vmem>>, vector<1x16xf32>,
          %get3A_232 = arith.index_cast %scan3A_176 : i32 to index
          %get3A_233 = arith.constant 64 : index
          %get3A_234 = tpu.vector_load %arg14[%get3A_232, %get3A_233] {strides = array<i32>} : memref<64x128xf32, #tpu.memory_space<vmem>>, vector<1x16xf32>,
          %get3A_235 = vector.shape_cast %get3A_234 : vector<1x16xf32> to vector<16xf32>
          %get3A_236 = arith.index_cast %scan3A_176 : i32 to index
          %get3A_237 = arith.constant 64 : index
          %get3A_238 = tpu.vector_load %arg12[%get3A_236, %get3A_237] {strides = array<i32>} : memref<64x128xf32, #tpu.memory_space<vmem>>, vector<1x16xf32>,
          %get3A_239 = vector.shape_cast %get3A_238 : vector<1x16xf32> to vector<16xf32>
          %mul3A_240 = arith.mulf %get3A_235, %get3A_239 : vector<16xf32>
          %swap3A_241 = arith.index_cast %scan3A_176 : i32 to index
          %swap3A_242 = arith.constant 64 : index
          %swap3A_243 = tpu.vector_load %arg14[%swap3A_241, %swap3A_242] {strides = array<i32>} : memref<64x128xf32, #tpu.memory_space<vmem>>, vector<1x16xf32>,
          %swap3A_244 = vector.shape_cast %swap3A_243 : vector<1x16xf32> to vector<16xf32>
          %swap3A_245 = vector.shape_cast %mul3A_240 : vector<16xf32> to vector<1x16xf32>
          tpu.vector_store %arg14[%swap3A_241, %swap3A_242], %swap3A_245 {strides = array<i32>} : memref<64x128xf32, #tpu.memory_space<vmem>>, vector<1x16xf32>,
          %get3A_246 = arith.index_cast %scan3A_176 : i32 to index
          %get3A_247 = arith.constant 80 : index
          %get3A_248 = tpu.vector_load %arg14[%get3A_246, %get3A_247] {strides = array<i32>} : memref<64x128xf32, #tpu.memory_space<vmem>>, vector<1x16xf32>,
          %get3A_249 = vector.shape_cast %get3A_248 : vector<1x16xf32> to vector<16xf32>
          %get3A_250 = arith.index_cast %scan3A_176 : i32 to index
          %get3A_251 = arith.constant 80 : index
          %get3A_252 = tpu.vector_load %arg12[%get3A_250, %get3A_251] {strides = array<i32>} : memref<64x128xf32, #tpu.memory_space<vmem>>, vector<1x16xf32>,
          %get3A_253 = vector.shape_cast %get3A_252 : vector<1x16xf32> to vector<16xf32>
          %mul3A_254 = arith.mulf %get3A_249, %get3A_253 : vector<16xf32>
          %swap3A_255 = arith.index_cast %scan3A_176 : i32 to index
          %swap3A_256 = arith.constant 80 : index
          %swap3A_257 = tpu.vector_load %arg14[%swap3A_255, %swap3A_256] {strides = array<i32>} : memref<64x128xf32, #tpu.memory_space<vmem>>, vector<1x16xf32>,
          %swap3A_258 = vector.shape_cast %swap3A_257 : vector<1x16xf32> to vector<16xf32>
          %swap3A_259 = vector.shape_cast %mul3A_254 : vector<16xf32> to vector<1x16xf32>
          tpu.vector_store %arg14[%swap3A_255, %swap3A_256], %swap3A_259 {strides = array<i32>} : memref<64x128xf32, #tpu.memory_space<vmem>>, vector<1x16xf32>,
          %get3A_260 = arith.index_cast %scan3A_176 : i32 to index
          %get3A_261 = arith.constant 96 : index
          %get3A_262 = tpu.vector_load %arg14[%get3A_260, %get3A_261] {strides = array<i32>} : memref<64x128xf32, #tpu.memory_space<vmem>>, vector<1x16xf32>,
          %get3A_263 = vector.shape_cast %get3A_262 : vector<1x16xf32> to vector<16xf32>
          %get3A_264 = arith.index_cast %scan3A_176 : i32 to index
          %get3A_265 = arith.constant 96 : index
          %get3A_266 = tpu.vector_load %arg12[%get3A_264, %get3A_265] {strides = array<i32>} : memref<64x128xf32, #tpu.memory_space<vmem>>, vector<1x16xf32>,
          %get3A_267 = vector.shape_cast %get3A_266 : vector<1x16xf32> to vector<16xf32>
          %mul3A_268 = arith.mulf %get3A_263, %get3A_267 : vector<16xf32>
          %swap3A_269 = arith.index_cast %scan3A_176 : i32 to index
          %swap3A_270 = arith.constant 96 : index
          %swap3A_271 = tpu.vector_load %arg14[%swap3A_269, %swap3A_270] {strides = array<i32>} : memref<64x128xf32, #tpu.memory_space<vmem>>, vector<1x16xf32>,
          %swap3A_272 = vector.shape_cast %swap3A_271 : vector<1x16xf32> to vector<16xf32>
          %swap3A_273 = vector.shape_cast %mul3A_268 : vector<16xf32> to vector<1x16xf32>
          tpu.vector_store %arg14[%swap3A_269, %swap3A_270], %swap3A_273 {strides = array<i32>} : memref<64x128xf32, #tpu.memory_space<vmem>>, vector<1x16xf32>,
          %get3A_274 = arith.index_cast %scan3A_176 : i32 to index
          %get3A_275 = arith.constant 112 : index
          %get3A_276 = tpu.vector_load %arg14[%get3A_274, %get3A_275] {strides = array<i32>} : memref<64x128xf32, #tpu.memory_space<vmem>>, vector<1x16xf32>,
          %get3A_277 = vector.shape_cast %get3A_276 : vector<1x16xf32> to vector<16xf32>
          %get3A_278 = arith.index_cast %scan3A_176 : i32 to index
          %get3A_279 = arith.constant 112 : index
          %get3A_280 = tpu.vector_load %arg12[%get3A_278, %get3A_279] {strides = array<i32>} : memref<64x128xf32, #tpu.memory_space<vmem>>, vector<1x16xf32>,
          %get3A_281 = vector.shape_cast %get3A_280 : vector<1x16xf32> to vector<16xf32>
          %mul3A_282 = arith.mulf %get3A_277, %get3A_281 : vector<16xf32>
          %swap3A_283 = arith.index_cast %scan3A_176 : i32 to index
          %swap3A_284 = arith.constant 112 : index
          %swap3A_285 = tpu.vector_load %arg14[%swap3A_283, %swap3A_284] {strides = array<i32>} : memref<64x128xf32, #tpu.memory_space<vmem>>, vector<1x16xf32>,
          %swap3A_286 = vector.shape_cast %swap3A_285 : vector<1x16xf32> to vector<16xf32>
          %swap3A_287 = vector.shape_cast %mul3A_282 : vector<16xf32> to vector<1x16xf32>
          tpu.vector_store %arg14[%swap3A_283, %swap3A_284], %swap3A_287 {strides = array<i32>} : memref<64x128xf32, #tpu.memory_space<vmem>>, vector<1x16xf32>,
          %scan3A_288 = arith.constant 0 : i32
          scf.yield %scan3A_288 : i32
        }
        %scan3A_166 = arith.constant 64 : i32
        %dma_start3A_167 = arith.constant 0 : i32
        %dma_start3A_168 = arith.constant 0 : i32
        %dma_start3A_169 = tpu.memref_slice %arg15[%dma_start3A_167, %dma_start3A_168] : memref<10240x128xf32, #tpu.memory_space<vmem_shared>> -> memref<10240x128xf32, #tpu.memory_space<vmem_shared>>
        tpu.enqueue_indirect_dma source(%arg14 : memref<64x128xf32, #tpu.memory_space<vmem>>) target(%dma_start3A_169 : memref<10240x128xf32, #tpu.memory_space<vmem_shared>>) offsets(%arg10 : memref<64xi32, #tpu.memory_space<vmem>>) semaphore(%arg25 : memref<!tpu.dma_semaphore, #tpu.memory_space<semaphore_mem>>) {add = true}
        %add3A_170 = arith.constant 2 : i32
        %add3A_171 = arith.addi %add3A_132, %add3A_170 : i32
        %lt3A_172 = arith.cmpi slt, %add3A_171, %add3A_3 : i32
        %convert_element_type3A_173 = arith.extui %lt3A_172 : i1 to i32
        %cond3A_174 = arith.constant 0 : i32
        %cond3A_175 = arith.cmpi ne, %convert_element_type3A_173, %cond3A_174 : i32
        scf.if %cond3A_175 {
          %add3A_176 = arith.addi %add3A_7, %add3A_132 : i32
          %add3A_177 = arith.constant 2 : i32
          %add3A_178 = arith.addi %add3A_176, %add3A_177 : i32
          %dma_start3A_179 = arith.constant 0 : i32
          %dma_start3A_180 = tpu.memref_slice %arg4[%add3A_178, %dma_start3A_179] : memref<5000x64xi32, #tpu.memory_space<hbm>> -> memref<1x64xi32, #tpu.memory_space<hbm>>
          %dma_start3A_181 = tpu.memref_squeeze %dma_start3A_180 : memref<1x64xi32, #tpu.memory_space<hbm>> -> memref<64xi32, #tpu.memory_space<hbm>>
          %dma_start3A_182 = arith.constant 0 : i32
          %dma_start3A_183 = tpu.memref_slice %arg4[%add3A_178, %dma_start3A_182] : memref<5000x64xi32, #tpu.memory_space<hbm>> -> memref<1x64xi32, #tpu.memory_space<hbm>>
          %dma_start3A_184 = tpu.memref_squeeze %dma_start3A_183 : memref<1x64xi32, #tpu.memory_space<hbm>> -> memref<64xi32, #tpu.memory_space<hbm>>
          tpu.enqueue_dma source(%dma_start3A_184 : memref<64xi32, #tpu.memory_space<hbm>>) target(%arg8 : memref<64xi32, #tpu.memory_space<vmem>>) target_semaphore(%arg17 : memref<!tpu.dma_semaphore, #tpu.memory_space<semaphore_mem>>)
          %dma_start3A_185 = arith.constant 0 : i32
          %dma_start3A_186 = tpu.memref_slice %arg5[%add3A_178, %dma_start3A_185] : memref<5000x64xi32, #tpu.memory_space<hbm>> -> memref<1x64xi32, #tpu.memory_space<hbm>>
          %dma_start3A_187 = tpu.memref_squeeze %dma_start3A_186 : memref<1x64xi32, #tpu.memory_space<hbm>> -> memref<64xi32, #tpu.memory_space<hbm>>
          %dma_start3A_188 = arith.constant 0 : i32
          %dma_start3A_189 = tpu.memref_slice %arg5[%add3A_178, %dma_start3A_188] : memref<5000x64xi32, #tpu.memory_space<hbm>> -> memref<1x64xi32, #tpu.memory_space<hbm>>
          %dma_start3A_190 = tpu.memref_squeeze %dma_start3A_189 : memref<1x64xi32, #tpu.memory_space<hbm>> -> memref<64xi32, #tpu.memory_space<hbm>>
          tpu.enqueue_dma source(%dma_start3A_190 : memref<64xi32, #tpu.memory_space<hbm>>) target(%arg10 : memref<64xi32, #tpu.memory_space<vmem>>) target_semaphore(%arg19 : memref<!tpu.dma_semaphore, #tpu.memory_space<semaphore_mem>>)
          %mul3A_191 = arith.constant 64 : i32
          %mul3A_192 = arith.muli %add3A_178, %mul3A_191 : i32
          %dma_start3A_193 = arith.constant 0 : i32
          %dma_start3A_194 = tpu.memref_slice %arg3[%mul3A_192, %dma_start3A_193] : memref<320000x128xf32, #tpu.memory_space<hbm>> -> memref<64x128xf32, #tpu.memory_space<hbm>>
          %dma_start3A_195 = arith.constant 0 : i32
          %dma_start3A_196 = tpu.memref_slice %arg3[%mul3A_192, %dma_start3A_195] : memref<320000x128xf32, #tpu.memory_space<hbm>> -> memref<64x128xf32, #tpu.memory_space<hbm>>
          tpu.enqueue_dma source(%dma_start3A_196 : memref<64x128xf32, #tpu.memory_space<hbm>>) target(%arg12 : memref<64x128xf32, #tpu.memory_space<vmem>>) target_semaphore(%arg21 : memref<!tpu.dma_semaphore, #tpu.memory_space<semaphore_mem>>)
        } else {
        }
      } else {
      }
      %scan3A_137 = arith.constant 0 : i32
      scf.yield %scan3A_137 : i32
    }
    %scan3A_106 = arith.constant 79 : i32
    %dma_wait3A_107 = arith.constant 0 : i32
    %dma_wait3A_108 = arith.constant 0 : i32
    %dma_wait3A_109 = tpu.memref_slice %arg15[%dma_wait3A_107, %dma_wait3A_108] : memref<10240x128xf32, #tpu.memory_space<vmem_shared>> -> memref<10240x128xf32, #tpu.memory_space<vmem_shared>>
    tpu.wait_indirect_dma semaphore(%arg24 : memref<!tpu.dma_semaphore, #tpu.memory_space<semaphore_mem>>) src(%arg13 : memref<64x128xf32, #tpu.memory_space<vmem>>) dst(%dma_wait3A_109 : memref<10240x128xf32, #tpu.memory_space<vmem_shared>>)
    %dma_wait3A_110 = arith.constant 0 : i32
    %dma_wait3A_111 = arith.constant 0 : i32
    %dma_wait3A_112 = tpu.memref_slice %arg15[%dma_wait3A_110, %dma_wait3A_111] : memref<10240x128xf32, #tpu.memory_space<vmem_shared>> -> memref<10240x128xf32, #tpu.memory_space<vmem_shared>>
    tpu.wait_indirect_dma semaphore(%arg25 : memref<!tpu.dma_semaphore, #tpu.memory_space<semaphore_mem>>) src(%arg14 : memref<64x128xf32, #tpu.memory_space<vmem>>) dst(%dma_wait3A_112 : memref<10240x128xf32, #tpu.memory_space<vmem_shared>>)
    %barrier3A_113 = arith.constant 0 : index
    tpu.barrier barrier_id(%barrier3A_113)
    %mul3A_114 = arith.constant 624 : i32
    %mul3A_115 = arith.muli %arg1, %mul3A_114 : i32
    "tpu.region"() ({
      %run_scoped3A = tpu.sem_alloc : memref<!tpu.dma_semaphore, #tpu.memory_space<semaphore_mem>>
      %dma_start3A_119 = arith.constant 0 : i32
      %dma_start3A_120 = tpu.memref_slice %arg6[%arg0, %mul3A_115, %dma_start3A_119] : memref<2x10000x128xf32, #tpu.memory_space<hbm>> -> memref<1x624x128xf32, #tpu.memory_space<hbm>>
      %dma_start3A_121 = tpu.memref_squeeze %dma_start3A_120 : memref<1x624x128xf32, #tpu.memory_space<hbm>> -> memref<624x128xf32, #tpu.memory_space<hbm>>
      %dma_start3A_122 = arith.constant 0 : i32
      %dma_start3A_123 = tpu.memref_slice %arg15[%mul3A_115, %dma_start3A_122] : memref<10240x128xf32, #tpu.memory_space<vmem_shared>> -> memref<624x128xf32, #tpu.memory_space<vmem_shared>>
      tpu.enqueue_dma source(%dma_start3A_123 : memref<624x128xf32, #tpu.memory_space<vmem_shared>>) target(%dma_start3A_121 : memref<624x128xf32, #tpu.memory_space<hbm>>) target_semaphore(%run_scoped3A : memref<!tpu.dma_semaphore, #tpu.memory_space<semaphore_mem>>)
      %dma_wait3A_124 = arith.constant 0 : i32
      %dma_wait3A_125 = tpu.memref_slice %arg6[%arg0, %mul3A_115, %dma_wait3A_124] : memref<2x10000x128xf32, #tpu.memory_space<hbm>> -> memref<1x624x128xf32, #tpu.memory_space<hbm>>
      %dma_wait3A_126 = tpu.memref_squeeze %dma_wait3A_125 : memref<1x624x128xf32, #tpu.memory_space<hbm>> -> memref<624x128xf32, #tpu.memory_space<hbm>>
      %dma_wait3A_127 = arith.constant 0 : i32
      %dma_wait3A_128 = tpu.memref_slice %arg15[%mul3A_115, %dma_wait3A_127] : memref<10240x128xf32, #tpu.memory_space<vmem_shared>> -> memref<624x128xf32, #tpu.memory_space<vmem_shared>>
      tpu.wait_dma2 semaphore(%run_scoped3A : memref<!tpu.dma_semaphore, #tpu.memory_space<semaphore_mem>>) src(%dma_wait3A_128 : memref<624x128xf32, #tpu.memory_space<vmem_shared>>) dst(%dma_wait3A_126 : memref<624x128xf32, #tpu.memory_space<hbm>>)
      tpu.yield
    }) : () -> ()
    %eq3A = arith.constant 15 : i32
    %eq3A_116 = arith.cmpi eq, %arg1, %eq3A : i32
    %convert_element_type3A_117 = arith.extui %eq3A_116 : i1 to i32
    %cond3A = arith.constant 0 : i32
    %cond3A_118 = arith.cmpi ne, %convert_element_type3A_117, %cond3A : i32
    scf.if %cond3A_118 {
      "tpu.region"() ({
        %run_scoped3A = tpu.sem_alloc : memref<!tpu.dma_semaphore, #tpu.memory_space<semaphore_mem>>
        %dma_start3A_119 = arith.constant 9984 : i32
        %dma_start3A_120 = arith.constant 0 : i32
        %dma_start3A_121 = tpu.memref_slice %arg6[%arg0, %dma_start3A_119, %dma_start3A_120] : memref<2x10000x128xf32, #tpu.memory_space<hbm>> -> memref<1x16x128xf32, #tpu.memory_space<hbm>>
        %dma_start3A_122 = tpu.memref_squeeze %dma_start3A_121 : memref<1x16x128xf32, #tpu.memory_space<hbm>> -> memref<16x128xf32, #tpu.memory_space<hbm>>
        %dma_start3A_123 = arith.constant 9984 : i32
        %dma_start3A_124 = arith.constant 0 : i32
        %dma_start3A_125 = tpu.memref_slice %arg15[%dma_start3A_123, %dma_start3A_124] : memref<10240x128xf32, #tpu.memory_space<vmem_shared>> -> memref<16x128xf32, #tpu.memory_space<vmem_shared>>
        tpu.enqueue_dma source(%dma_start3A_125 : memref<16x128xf32, #tpu.memory_space<vmem_shared>>) target(%dma_start3A_122 : memref<16x128xf32, #tpu.memory_space<hbm>>) target_semaphore(%run_scoped3A : memref<!tpu.dma_semaphore, #tpu.memory_space<semaphore_mem>>)
        %dma_wait3A_126 = arith.constant 9984 : i32
        %dma_wait3A_127 = arith.constant 0 : i32
        %dma_wait3A_128 = tpu.memref_slice %arg6[%arg0, %dma_wait3A_126, %dma_wait3A_127] : memref<2x10000x128xf32, #tpu.memory_space<hbm>> -> memref<1x16x128xf32, #tpu.memory_space<hbm>>
        %dma_wait3A_129 = tpu.memref_squeeze %dma_wait3A_128 : memref<1x16x128xf32, #tpu.memory_space<hbm>> -> memref<16x128xf32, #tpu.memory_space<hbm>>
        %dma_wait3A_130 = arith.constant 9984 : i32
        %dma_wait3A_131 = arith.constant 0 : i32
        %dma_wait3A_132 = tpu.memref_slice %arg15[%dma_wait3A_130, %dma_wait3A_131] : memref<10240x128xf32, #tpu.memory_space<vmem_shared>> -> memref<16x128xf32, #tpu.memory_space<vmem_shared>>
        tpu.wait_dma2 semaphore(%run_scoped3A : memref<!tpu.dma_semaphore, #tpu.memory_space<semaphore_mem>>) src(%dma_wait3A_132 : memref<16x128xf32, #tpu.memory_space<vmem_shared>>) dst(%dma_wait3A_129 : memref<16x128xf32, #tpu.memory_space<hbm>>)
        tpu.yield
      }) : () -> ()
    } else {
    }
    return
  }
}

module attributes {stable_mosaic.version = 14 : i64} {
  func.func @_edge_body(%arg0: i32, %arg1: memref<2048x16xf32, #tpu.memory_space<vmem>>, %arg2: memref<2048x9xf32, #tpu.memory_space<vmem>>, %arg3: memref<16x64xf32, #tpu.memory_space<vmem>>, %arg4: memref<1x64xf32, #tpu.memory_space<vmem>>, %arg5: memref<64x128xf32, #tpu.memory_space<vmem>>, %arg6: memref<1x9xf32, #tpu.memory_space<vmem>>, %arg7: memref<2048x128xf32, #tpu.memory_space<vmem>>) attributes {dimension_semantics = [#tpu.dimension_semantics<arbitrary>], iteration_bounds = array<i64: 157>, scalar_prefetch = 0 : i64, scratch_operands = 0 : i64, tpu.core_type = #tpu.core_type<tc>, window_params = [{transform_indices = @transform_0, window_bounds = array<i64: 2048, 16>}, {transform_indices = @transform_1, window_bounds = array<i64: 2048, 9>}, {pipeline_mode = #tpu.pipeline_mode<synchronous>, transform_indices = @transform_2, window_bounds = array<i64: 16, 64>}, {pipeline_mode = #tpu.pipeline_mode<synchronous>, transform_indices = @transform_3, window_bounds = array<i64: 1, 64>}, {pipeline_mode = #tpu.pipeline_mode<synchronous>, transform_indices = @transform_4, window_bounds = array<i64: 64, 128>}, {pipeline_mode = #tpu.pipeline_mode<synchronous>, transform_indices = @transform_5, window_bounds = array<i64: 1, 9>}, {transform_indices = @transform_6, window_bounds = array<i64: 2048, 128>}]} {
    %get3A = arith.constant 0 : index
    %get3A_0 = arith.constant 0 : index
    %get3A_1 = vector.load %arg1[%get3A, %get3A_0] : memref<2048x16xf32, #tpu.memory_space<vmem>>, vector<2048x16xf32>
    %get3A_2 = arith.constant 0 : index
    %get3A_3 = arith.constant 0 : index
    %get3A_4 = vector.load %arg2[%get3A_2, %get3A_3] : memref<2048x9xf32, #tpu.memory_space<vmem>>, vector<2048x9xf32>
    %iota3A = tpu.iota {dimensions = array<i32: 0>} : vector<2048x1xi32>
    %mul3A = arith.constant 2048 : i32
    %mul3A_5 = arith.muli %arg0, %mul3A : i32
    %add3A = vector.broadcast %mul3A_5 : i32 to vector<2048x1xi32>
    %add3A_6 = arith.addi %iota3A, %add3A : vector<2048x1xi32>
    %lt3A = arith.constant 320000 : i32
    %lt3A_7 = vector.broadcast %lt3A : i32 to vector<2048x1xi32>
    %lt3A_8 = arith.cmpi slt, %add3A_6, %lt3A_7 : vector<2048x1xi32>
    %get3A_9 = arith.constant 0 : index
    %get3A_10 = arith.constant 0 : index
    %get3A_11 = vector.load %arg3[%get3A_9, %get3A_10] : memref<16x64xf32, #tpu.memory_space<vmem>>, vector<16x64xf32>
    %dot_general3A = arith.constant dense<0.000000e+00> : vector<2048x64xf32>
    %dot_general3A_12 = tpu.matmul %get3A_1, %get3A_11, %dot_general3A {dimension_numbers = #tpu.dot_dimension_numbers<[1], [0], [0], [1], [0, 0, 1, 1], [], []>, transpose_lhs_hint = false} : vector<2048x16xf32>, vector<16x64xf32>, vector<2048x64xf32> -> vector<2048x64xf32>
    %get3A_13 = arith.constant 0 : index
    %get3A_14 = arith.constant 0 : index
    %get3A_15 = vector.load %arg4[%get3A_13, %get3A_14] : memref<1x64xf32, #tpu.memory_space<vmem>>, vector<1x64xf32>
    %add3A_16 = vector.broadcast %get3A_15 : vector<1x64xf32> to vector<2048x64xf32>
    %add3A_17 = arith.addf %dot_general3A_12, %add3A_16 : vector<2048x64xf32>
    %neg3A = arith.constant 0.000000e+00 : f32
    %neg3A_18 = vector.broadcast %neg3A : f32 to vector<2048x64xf32>
    %neg3A_19 = arith.subf %neg3A_18, %add3A_17 : vector<2048x64xf32>
    %exp3A = math.exp %neg3A_19 : vector<2048x64xf32>
    %add3A_20 = arith.constant 1.000000e+00 : f32
    %add3A_21 = vector.broadcast %add3A_20 : f32 to vector<2048x64xf32>
    %add3A_22 = arith.addf %add3A_21, %exp3A : vector<2048x64xf32>
    %div3A = arith.divf %add3A_17, %add3A_22 : vector<2048x64xf32>
    %convert_element_type3A = arith.truncf %div3A : vector<2048x64xf32> to vector<2048x64xbf16>
    %get3A_23 = arith.constant 0 : index
    %get3A_24 = arith.constant 0 : index
    %get3A_25 = vector.load %arg5[%get3A_23, %get3A_24] : memref<64x128xf32, #tpu.memory_space<vmem>>, vector<64x128xf32>
    %convert_element_type3A_26 = arith.truncf %get3A_25 : vector<64x128xf32> to vector<64x128xbf16>
    %dot_general3A_27 = arith.constant dense<0.000000e+00> : vector<2048x128xf32>
    %dot_general3A_28 = tpu.matmul %convert_element_type3A, %convert_element_type3A_26, %dot_general3A_27 {dimension_numbers = #tpu.dot_dimension_numbers<[1], [0], [0], [1], [0, 0, 1, 1], [], []>, transpose_lhs_hint = false} : vector<2048x64xbf16>, vector<64x128xbf16>, vector<2048x128xf32> -> vector<2048x128xf32>
    %get3A_29 = arith.constant 0 : index
    %get3A_30 = arith.constant 0 : index
    %get3A_31 = vector.load %arg6[%get3A_29, %get3A_30] : memref<1x9xf32, #tpu.memory_space<vmem>>, vector<1x9xf32>
    %mul3A_32 = vector.broadcast %get3A_31 : vector<1x9xf32> to vector<2048x9xf32>
    %mul3A_33 = arith.mulf %get3A_4, %mul3A_32 : vector<2048x9xf32>
    %reduce_sum3A = arith.constant dense<0.000000e+00> : vector<2048xf32>
    %reduce_sum3A_34 = vector.multi_reduction <add>, %mul3A_33, %reduce_sum3A [1] : vector<2048x9xf32> to vector<2048xf32>
    %broadcast_in_dim3A = vector.shape_cast %reduce_sum3A_34 : vector<2048xf32> to vector<2048x1xf32>
    %mul3A_35 = vector.broadcast %broadcast_in_dim3A : vector<2048x1xf32> to vector<2048x128xf32>
    %mul3A_36 = arith.mulf %dot_general3A_28, %mul3A_35 : vector<2048x128xf32>
    %jit3A = arith.constant 0.000000e+00 : f32
    %broadcast_in_dim3A_37 = vector.shape_cast %lt3A_8 : vector<2048x1xi1> to vector<2048x1xi1>
    %broadcast_in_dim3A_38 = vector.broadcast %broadcast_in_dim3A_37 : vector<2048x1xi1> to vector<2048x128xi1>
    %broadcast_in_dim3A_39 = vector.broadcast %jit3A : f32 to vector<2048x128xf32>
    %select_n3A = arith.select %broadcast_in_dim3A_38, %mul3A_36, %broadcast_in_dim3A_39 : vector<2048x128xi1>, vector<2048x128xf32>
    %swap3A = arith.constant 0 : index
    %swap3A_40 = arith.constant 0 : index
    %swap3A_41 = vector.load %arg7[%swap3A, %swap3A_40] : memref<2048x128xf32, #tpu.memory_space<vmem>>, vector<2048x128xf32>
    tpu.vector_store %arg7[%swap3A, %swap3A_40], %select_n3A {strides = array<i32>} : memref<2048x128xf32, #tpu.memory_space<vmem>>, vector<2048x128xf32>,
    return
  }
  func.func @transform_0(%arg0: i32) -> (i32, i32) {
    %c0_i32 = arith.constant 0 : i32
    %c0_i32_0 = arith.constant 0 : i32
    return %arg0, %c0_i32 : i32, i32
  }
  func.func @transform_1(%arg0: i32) -> (i32, i32) {
    %c0_i32 = arith.constant 0 : i32
    %c0_i32_0 = arith.constant 0 : i32
    return %arg0, %c0_i32 : i32, i32
  }
  func.func @transform_2(%arg0: i32) -> (i32, i32) {
    %c0_i32 = arith.constant 0 : i32
    %c0_i32_0 = arith.constant 0 : i32
    %c0_i32_1 = arith.constant 0 : i32
    return %c0_i32, %c0_i32_0 : i32, i32
  }
  func.func @transform_3(%arg0: i32) -> (i32, i32) {
    %c0_i32 = arith.constant 0 : i32
    %c0_i32_0 = arith.constant 0 : i32
    %c0_i32_1 = arith.constant 0 : i32
    return %c0_i32, %c0_i32_0 : i32, i32
  }
  func.func @transform_4(%arg0: i32) -> (i32, i32) {
    %c0_i32 = arith.constant 0 : i32
    %c0_i32_0 = arith.constant 0 : i32
    %c0_i32_1 = arith.constant 0 : i32
    return %c0_i32, %c0_i32_0 : i32, i32
  }
  func.func @transform_5(%arg0: i32) -> (i32, i32) {
    %c0_i32 = arith.constant 0 : i32
    %c0_i32_0 = arith.constant 0 : i32
    %c0_i32_1 = arith.constant 0 : i32
    return %c0_i32, %c0_i32_0 : i32, i32
  }
  func.func @transform_6(%arg0: i32) -> (i32, i32) {
    %c0_i32 = arith.constant 0 : i32
    %c0_i32_0 = arith.constant 0 : i32
    return %arg0, %c0_i32 : i32, i32
  }
}

module attributes {stable_mosaic.version = 14 : i64} {
  func.func @_node_body(%arg0: i32, %arg1: memref<2x2000x128xf32, #tpu.memory_space<vmem>>, %arg2: memref<128x128xf32, #tpu.memory_space<vmem>>, %arg3: memref<1x128xf32, #tpu.memory_space<vmem>>, %arg4: memref<2000x128xf32, #tpu.memory_space<vmem>>, %arg5: memref<2000x128xf32, #tpu.memory_space<vmem>>) attributes {dimension_semantics = [#tpu.dimension_semantics<arbitrary>], iteration_bounds = array<i64: 5>, scalar_prefetch = 0 : i64, scratch_operands = 0 : i64, tpu.core_type = #tpu.core_type<tc>, window_params = [{transform_indices = @transform_0, window_bounds = array<i64: 2, 2000, 128>}, {pipeline_mode = #tpu.pipeline_mode<synchronous>, transform_indices = @transform_1, window_bounds = array<i64: 128, 128>}, {pipeline_mode = #tpu.pipeline_mode<synchronous>, transform_indices = @transform_2, window_bounds = array<i64: 1, 128>}, {transform_indices = @transform_3, window_bounds = array<i64: 2000, 128>}, {transform_indices = @transform_4, window_bounds = array<i64: 2000, 128>}]} {
    %get3A = arith.constant 0 : index
    %get3A_0 = arith.constant 0 : index
    %get3A_1 = arith.constant 0 : index
    %get3A_2 = vector.load %arg1[%get3A, %get3A_0, %get3A_1] : memref<2x2000x128xf32, #tpu.memory_space<vmem>>, vector<1x2000x128xf32>
    %get3A_3 = vector.shape_cast %get3A_2 : vector<1x2000x128xf32> to vector<2000x128xf32>
    %get3A_4 = arith.constant 1 : index
    %get3A_5 = arith.constant 0 : index
    %get3A_6 = arith.constant 0 : index
    %get3A_7 = vector.load %arg1[%get3A_4, %get3A_5, %get3A_6] : memref<2x2000x128xf32, #tpu.memory_space<vmem>>, vector<1x2000x128xf32>
    %get3A_8 = vector.shape_cast %get3A_7 : vector<1x2000x128xf32> to vector<2000x128xf32>
    %add3A = arith.addf %get3A_3, %get3A_8 : vector<2000x128xf32>
    %mul3A = arith.constant 3.125000e-02 : f32
    %mul3A_9 = vector.broadcast %mul3A : f32 to vector<2000x128xf32>
    %mul3A_10 = arith.mulf %add3A, %mul3A_9 : vector<2000x128xf32>
    %get3A_11 = arith.constant 0 : index
    %get3A_12 = arith.constant 0 : index
    %get3A_13 = vector.load %arg2[%get3A_11, %get3A_12] : memref<128x128xf32, #tpu.memory_space<vmem>>, vector<128x128xf32>
    %dot_general3A = arith.constant dense<0.000000e+00> : vector<2000x128xf32>
    %dot_general3A_14 = tpu.matmul %mul3A_10, %get3A_13, %dot_general3A {dimension_numbers = #tpu.dot_dimension_numbers<[1], [0], [0], [1], [0, 0, 1, 1], [], []>, transpose_lhs_hint = false} : vector<2000x128xf32>, vector<128x128xf32>, vector<2000x128xf32> -> vector<2000x128xf32>
    %get3A_15 = arith.constant 0 : index
    %get3A_16 = arith.constant 0 : index
    %get3A_17 = vector.load %arg3[%get3A_15, %get3A_16] : memref<1x128xf32, #tpu.memory_space<vmem>>, vector<1x128xf32>
    %add3A_18 = vector.broadcast %get3A_17 : vector<1x128xf32> to vector<2000x128xf32>
    %add3A_19 = arith.addf %dot_general3A_14, %add3A_18 : vector<2000x128xf32>
    %neg3A = arith.constant 0.000000e+00 : f32
    %neg3A_20 = vector.broadcast %neg3A : f32 to vector<2000x128xf32>
    %neg3A_21 = arith.subf %neg3A_20, %add3A_19 : vector<2000x128xf32>
    %exp3A = math.exp %neg3A_21 : vector<2000x128xf32>
    %add3A_22 = arith.constant 1.000000e+00 : f32
    %add3A_23 = vector.broadcast %add3A_22 : f32 to vector<2000x128xf32>
    %add3A_24 = arith.addf %add3A_23, %exp3A : vector<2000x128xf32>
    %div3A = arith.divf %add3A_19, %add3A_24 : vector<2000x128xf32>
    %get3A_25 = arith.constant 0 : index
    %get3A_26 = arith.constant 0 : index
    %get3A_27 = vector.load %arg4[%get3A_25, %get3A_26] : memref<2000x128xf32, #tpu.memory_space<vmem>>, vector<2000x128xf32>
    %add3A_28 = arith.addf %div3A, %get3A_27 : vector<2000x128xf32>
    %swap3A = arith.constant 0 : index
    %swap3A_29 = arith.constant 0 : index
    %swap3A_30 = vector.load %arg5[%swap3A, %swap3A_29] : memref<2000x128xf32, #tpu.memory_space<vmem>>, vector<2000x128xf32>
    tpu.vector_store %arg5[%swap3A, %swap3A_29], %add3A_28 {strides = array<i32>} : memref<2000x128xf32, #tpu.memory_space<vmem>>, vector<2000x128xf32>,
    return
  }
  func.func @transform_0(%arg0: i32) -> (i32, i32, i32) {
    %c0_i32 = arith.constant 0 : i32
    %c0_i32_0 = arith.constant 0 : i32
    %c0_i32_1 = arith.constant 0 : i32
    return %c0_i32, %arg0, %c0_i32_0 : i32, i32, i32
  }
  func.func @transform_1(%arg0: i32) -> (i32, i32) {
    %c0_i32 = arith.constant 0 : i32
    %c0_i32_0 = arith.constant 0 : i32
    %c0_i32_1 = arith.constant 0 : i32
    return %c0_i32, %c0_i32_0 : i32, i32
  }
  func.func @transform_2(%arg0: i32) -> (i32, i32) {
    %c0_i32 = arith.constant 0 : i32
    %c0_i32_0 = arith.constant 0 : i32
    %c0_i32_1 = arith.constant 0 : i32
    return %c0_i32, %c0_i32_0 : i32, i32
  }
  func.func @transform_3(%arg0: i32) -> (i32, i32) {
    %c0_i32 = arith.constant 0 : i32
    %c0_i32_0 = arith.constant 0 : i32
    return %arg0, %c0_i32 : i32, i32
  }
  func.func @transform_4(%arg0: i32) -> (i32, i32) {
    %c0_i32 = arith.constant 0 : i32
    %c0_i32_0 = arith.constant 0 : i32
    return %arg0, %c0_i32 : i32, i32
  }
}

module attributes {stable_mosaic.version = 14 : i64} {
  func.func @_head_body(%arg0: i32, %arg1: memref<2x2000x128xf32, #tpu.memory_space<vmem>>, %arg2: memref<2000x128xf32, #tpu.memory_space<vmem>>, %arg3: memref<128x128xf32, #tpu.memory_space<vmem>>, %arg4: memref<1x128xf32, #tpu.memory_space<vmem>>, %arg5: memref<128x128xf32, #tpu.memory_space<vmem>>, %arg6: memref<1x128xf32, #tpu.memory_space<vmem>>, %arg7: memref<128x42xf32, #tpu.memory_space<vmem>>, %arg8: memref<2000x1xi32, #tpu.memory_space<vmem>>, %arg9: memref<42x36xf32, #tpu.memory_space<vmem>>, %arg10: memref<1x36xf32, #tpu.memory_space<vmem>>, %arg11: memref<1x1xf32, #tpu.memory_space<vmem>>, %arg12: memref<100x36xf32, #tpu.memory_space<vmem>>, %arg13: memref<100x42xf32, #tpu.memory_space<vmem>>, %arg14: memref<100x1xf32, #tpu.memory_space<vmem>>) attributes {dimension_semantics = [#tpu.dimension_semantics<arbitrary>], iteration_bounds = array<i64: 5>, scalar_prefetch = 0 : i64, scratch_operands = 2 : i64, tpu.core_type = #tpu.core_type<tc>, window_params = [{transform_indices = @transform_0, window_bounds = array<i64: 2, 2000, 128>}, {transform_indices = @transform_1, window_bounds = array<i64: 2000, 128>}, {pipeline_mode = #tpu.pipeline_mode<synchronous>, transform_indices = @transform_2, window_bounds = array<i64: 128, 128>}, {pipeline_mode = #tpu.pipeline_mode<synchronous>, transform_indices = @transform_3, window_bounds = array<i64: 1, 128>}, {pipeline_mode = #tpu.pipeline_mode<synchronous>, transform_indices = @transform_4, window_bounds = array<i64: 128, 128>}, {pipeline_mode = #tpu.pipeline_mode<synchronous>, transform_indices = @transform_5, window_bounds = array<i64: 1, 128>}, {pipeline_mode = #tpu.pipeline_mode<synchronous>, transform_indices = @transform_6, window_bounds = array<i64: 128, 42>}, {transform_indices = @transform_7, window_bounds = array<i64: 2000, 1>}, {pipeline_mode = #tpu.pipeline_mode<synchronous>, transform_indices = @transform_8, window_bounds = array<i64: 42, 36>}, {pipeline_mode = #tpu.pipeline_mode<synchronous>, transform_indices = @transform_9, window_bounds = array<i64: 1, 36>}, {pipeline_mode = #tpu.pipeline_mode<synchronous>, transform_indices = @transform_10, window_bounds = array<i64: 1, 1>}, {pipeline_mode = #tpu.pipeline_mode<synchronous>, transform_indices = @transform_11, window_bounds = array<i64: 100, 36>}]} {
    %get3A = arith.constant 0 : index
    %get3A_0 = arith.constant 0 : index
    %get3A_1 = arith.constant 0 : index
    %get3A_2 = vector.load %arg1[%get3A, %get3A_0, %get3A_1] : memref<2x2000x128xf32, #tpu.memory_space<vmem>>, vector<1x2000x128xf32>
    %get3A_3 = vector.shape_cast %get3A_2 : vector<1x2000x128xf32> to vector<2000x128xf32>
    %get3A_4 = arith.constant 1 : index
    %get3A_5 = arith.constant 0 : index
    %get3A_6 = arith.constant 0 : index
    %get3A_7 = vector.load %arg1[%get3A_4, %get3A_5, %get3A_6] : memref<2x2000x128xf32, #tpu.memory_space<vmem>>, vector<1x2000x128xf32>
    %get3A_8 = vector.shape_cast %get3A_7 : vector<1x2000x128xf32> to vector<2000x128xf32>
    %add3A = arith.addf %get3A_3, %get3A_8 : vector<2000x128xf32>
    %mul3A = arith.constant 3.125000e-02 : f32
    %mul3A_9 = vector.broadcast %mul3A : f32 to vector<2000x128xf32>
    %mul3A_10 = arith.mulf %add3A, %mul3A_9 : vector<2000x128xf32>
    %get3A_11 = arith.constant 0 : index
    %get3A_12 = arith.constant 0 : index
    %get3A_13 = vector.load %arg2[%get3A_11, %get3A_12] : memref<2000x128xf32, #tpu.memory_space<vmem>>, vector<2000x128xf32>
    %get3A_14 = arith.constant 0 : index
    %get3A_15 = arith.constant 0 : index
    %get3A_16 = vector.load %arg3[%get3A_14, %get3A_15] : memref<128x128xf32, #tpu.memory_space<vmem>>, vector<128x128xf32>
    %dot_general3A = arith.constant dense<0.000000e+00> : vector<2000x128xf32>
    %dot_general3A_17 = tpu.matmul %mul3A_10, %get3A_16, %dot_general3A {dimension_numbers = #tpu.dot_dimension_numbers<[1], [0], [0], [1], [0, 0, 1, 1], [], []>, transpose_lhs_hint = false} : vector<2000x128xf32>, vector<128x128xf32>, vector<2000x128xf32> -> vector<2000x128xf32>
    %get3A_18 = arith.constant 0 : index
    %get3A_19 = arith.constant 0 : index
    %get3A_20 = vector.load %arg4[%get3A_18, %get3A_19] : memref<1x128xf32, #tpu.memory_space<vmem>>, vector<1x128xf32>
    %add3A_21 = vector.broadcast %get3A_20 : vector<1x128xf32> to vector<2000x128xf32>
    %add3A_22 = arith.addf %dot_general3A_17, %add3A_21 : vector<2000x128xf32>
    %neg3A = arith.constant 0.000000e+00 : f32
    %neg3A_23 = vector.broadcast %neg3A : f32 to vector<2000x128xf32>
    %neg3A_24 = arith.subf %neg3A_23, %add3A_22 : vector<2000x128xf32>
    %exp3A = math.exp %neg3A_24 : vector<2000x128xf32>
    %add3A_25 = arith.constant 1.000000e+00 : f32
    %add3A_26 = vector.broadcast %add3A_25 : f32 to vector<2000x128xf32>
    %add3A_27 = arith.addf %add3A_26, %exp3A : vector<2000x128xf32>
    %div3A = arith.divf %add3A_22, %add3A_27 : vector<2000x128xf32>
    %add3A_28 = arith.addf %get3A_13, %div3A : vector<2000x128xf32>
    %get3A_29 = arith.constant 0 : index
    %get3A_30 = arith.constant 0 : index
    %get3A_31 = vector.load %arg5[%get3A_29, %get3A_30] : memref<128x128xf32, #tpu.memory_space<vmem>>, vector<128x128xf32>
    %dot_general3A_32 = arith.constant dense<0.000000e+00> : vector<2000x128xf32>
    %dot_general3A_33 = tpu.matmul %add3A_28, %get3A_31, %dot_general3A_32 {dimension_numbers = #tpu.dot_dimension_numbers<[1], [0], [0], [1], [0, 0, 1, 1], [], []>, transpose_lhs_hint = false} : vector<2000x128xf32>, vector<128x128xf32>, vector<2000x128xf32> -> vector<2000x128xf32>
    %get3A_34 = arith.constant 0 : index
    %get3A_35 = arith.constant 0 : index
    %get3A_36 = vector.load %arg6[%get3A_34, %get3A_35] : memref<1x128xf32, #tpu.memory_space<vmem>>, vector<1x128xf32>
    %add3A_37 = vector.broadcast %get3A_36 : vector<1x128xf32> to vector<2000x128xf32>
    %add3A_38 = arith.addf %dot_general3A_33, %add3A_37 : vector<2000x128xf32>
    %neg3A_39 = arith.constant 0.000000e+00 : f32
    %neg3A_40 = vector.broadcast %neg3A_39 : f32 to vector<2000x128xf32>
    %neg3A_41 = arith.subf %neg3A_40, %add3A_38 : vector<2000x128xf32>
    %exp3A_42 = math.exp %neg3A_41 : vector<2000x128xf32>
    %add3A_43 = arith.constant 1.000000e+00 : f32
    %add3A_44 = vector.broadcast %add3A_43 : f32 to vector<2000x128xf32>
    %add3A_45 = arith.addf %add3A_44, %exp3A_42 : vector<2000x128xf32>
    %div3A_46 = arith.divf %add3A_38, %add3A_45 : vector<2000x128xf32>
    %get3A_47 = arith.constant 0 : index
    %get3A_48 = arith.constant 0 : index
    %get3A_49 = vector.load %arg7[%get3A_47, %get3A_48] : memref<128x42xf32, #tpu.memory_space<vmem>>, vector<128x42xf32>
    %dot_general3A_50 = arith.constant dense<0.000000e+00> : vector<2000x42xf32>
    %dot_general3A_51 = tpu.matmul %div3A_46, %get3A_49, %dot_general3A_50 {dimension_numbers = #tpu.dot_dimension_numbers<[1], [0], [0], [1], [0, 0, 1, 1], [], []>, transpose_lhs_hint = false} : vector<2000x128xf32>, vector<128x42xf32>, vector<2000x42xf32> -> vector<2000x42xf32>
    %get3A_52 = arith.constant 0 : index
    %get3A_53 = arith.constant 0 : index
    %get3A_54 = vector.load %arg8[%get3A_52, %get3A_53] : memref<2000x1xi32, #tpu.memory_space<vmem>>, vector<2000x1xi32>
    %iota3A = tpu.iota {dimensions = array<i32: 1>} : vector<2000x100xi32>
    %eq3A = vector.broadcast %get3A_54 : vector<2000x1xi32> to vector<2000x100xi32>
    %eq3A_55 = arith.cmpi eq, %eq3A, %iota3A : vector<2000x100xi32>
    %convert_element_type3A = arith.extui %eq3A_55 : vector<2000x100xi1> to vector<2000x100xi32>
    %convert_element_type3A_56 = arith.sitofp %convert_element_type3A : vector<2000x100xi32> to vector<2000x100xf32>
    %dot_general3A_57 = arith.constant dense<0.000000e+00> : vector<100x42xf32>
    %dot_general3A_58 = tpu.matmul %convert_element_type3A_56, %dot_general3A_51, %dot_general3A_57 {dimension_numbers = #tpu.dot_dimension_numbers<[0], [0], [1], [1], [0, 1, 1, 1], [], []>, transpose_lhs_hint = false} : vector<2000x100xf32>, vector<2000x42xf32>, vector<100x42xf32> -> vector<100x42xf32>
    %broadcast_in_dim3A = arith.constant 1.000000e+00 : f32
    %broadcast_in_dim3A_59 = vector.broadcast %broadcast_in_dim3A : f32 to vector<2000x1xf32>
    %dot_general3A_60 = arith.constant dense<0.000000e+00> : vector<100x1xf32>
    %dot_general3A_61 = tpu.matmul %convert_element_type3A_56, %broadcast_in_dim3A_59, %dot_general3A_60 {dimension_numbers = #tpu.dot_dimension_numbers<[0], [0], [1], [1], [0, 1, 1, 1], [], []>, transpose_lhs_hint = false} : vector<2000x100xf32>, vector<2000x1xf32>, vector<100x1xf32> -> vector<100x1xf32>
    %eq3A_62 = arith.constant 0 : i32
    %eq3A_63 = arith.cmpi eq, %arg0, %eq3A_62 : i32
    %convert_element_type3A_64 = arith.extui %eq3A_63 : i1 to i32
    %cond3A = arith.constant 0 : i32
    %cond3A_65 = arith.cmpi ne, %convert_element_type3A_64, %cond3A : i32
    scf.if %cond3A_65 {
      %broadcast_in_dim3A_84 = arith.constant 0.000000e+00 : f32
      %broadcast_in_dim3A_85 = vector.broadcast %broadcast_in_dim3A_84 : f32 to vector<100x42xf32>
      %swap3A_86 = arith.constant 0 : index
      %swap3A_87 = arith.constant 0 : index
      %swap3A_88 = vector.load %arg13[%swap3A_86, %swap3A_87] : memref<100x42xf32, #tpu.memory_space<vmem>>, vector<100x42xf32>
      tpu.vector_store %arg13[%swap3A_86, %swap3A_87], %broadcast_in_dim3A_85 {strides = array<i32>} : memref<100x42xf32, #tpu.memory_space<vmem>>, vector<100x42xf32>,
      %broadcast_in_dim3A_89 = arith.constant 0.000000e+00 : f32
      %broadcast_in_dim3A_90 = vector.broadcast %broadcast_in_dim3A_89 : f32 to vector<100x1xf32>
      %swap3A_91 = arith.constant 0 : index
      %swap3A_92 = arith.constant 0 : index
      %swap3A_93 = vector.load %arg14[%swap3A_91, %swap3A_92] : memref<100x1xf32, #tpu.memory_space<vmem>>, vector<100x1xf32>
      tpu.vector_store %arg14[%swap3A_91, %swap3A_92], %broadcast_in_dim3A_90 {strides = array<i32>} : memref<100x1xf32, #tpu.memory_space<vmem>>, vector<100x1xf32>,
    } else {
    }
    %get3A_66 = arith.constant 0 : index
    %get3A_67 = arith.constant 0 : index
    %get3A_68 = vector.load %arg13[%get3A_66, %get3A_67] : memref<100x42xf32, #tpu.memory_space<vmem>>, vector<100x42xf32>
    %add3A_69 = arith.addf %get3A_68, %dot_general3A_58 : vector<100x42xf32>
    %swap3A = arith.constant 0 : index
    %swap3A_70 = arith.constant 0 : index
    %swap3A_71 = vector.load %arg13[%swap3A, %swap3A_70] : memref<100x42xf32, #tpu.memory_space<vmem>>, vector<100x42xf32>
    tpu.vector_store %arg13[%swap3A, %swap3A_70], %add3A_69 {strides = array<i32>} : memref<100x42xf32, #tpu.memory_space<vmem>>, vector<100x42xf32>,
    %get3A_72 = arith.constant 0 : index
    %get3A_73 = arith.constant 0 : index
    %get3A_74 = vector.load %arg14[%get3A_72, %get3A_73] : memref<100x1xf32, #tpu.memory_space<vmem>>, vector<100x1xf32>
    %add3A_75 = arith.addf %get3A_74, %dot_general3A_61 : vector<100x1xf32>
    %swap3A_76 = arith.constant 0 : index
    %swap3A_77 = arith.constant 0 : index
    %swap3A_78 = vector.load %arg14[%swap3A_76, %swap3A_77] : memref<100x1xf32, #tpu.memory_space<vmem>>, vector<100x1xf32>
    tpu.vector_store %arg14[%swap3A_76, %swap3A_77], %add3A_75 {strides = array<i32>} : memref<100x1xf32, #tpu.memory_space<vmem>>, vector<100x1xf32>,
    %eq3A_79 = arith.constant 4 : i32
    %eq3A_80 = arith.cmpi eq, %arg0, %eq3A_79 : i32
    %convert_element_type3A_81 = arith.extui %eq3A_80 : i1 to i32
    %cond3A_82 = arith.constant 0 : i32
    %cond3A_83 = arith.cmpi ne, %convert_element_type3A_81, %cond3A_82 : i32
    scf.if %cond3A_83 {
      %get3A_84 = arith.constant 0 : index
      %get3A_85 = arith.constant 0 : index
      %get3A_86 = vector.load %arg13[%get3A_84, %get3A_85] : memref<100x42xf32, #tpu.memory_space<vmem>>, vector<100x42xf32>
      %get3A_87 = arith.constant 0 : index
      %get3A_88 = arith.constant 0 : index
      %get3A_89 = vector.load %arg11[%get3A_87, %get3A_88] : memref<1x1xf32, #tpu.memory_space<vmem>>, vector<1x1xf32>
      %add3A_90 = vector.broadcast %get3A_89 : vector<1x1xf32> to vector<100x42xf32>
      %add3A_91 = arith.addf %get3A_86, %add3A_90 : vector<100x42xf32>
      %get3A_92 = arith.constant 0 : index
      %get3A_93 = arith.constant 0 : index
      %get3A_94 = vector.load %arg14[%get3A_92, %get3A_93] : memref<100x1xf32, #tpu.memory_space<vmem>>, vector<100x1xf32>
      %max3A = arith.constant 1.000000e+00 : f32
      %max3A_95 = vector.broadcast %max3A : f32 to vector<100x1xf32>
      %max3A_96 = arith.maximumf %get3A_94, %max3A_95 : vector<100x1xf32>
      %div3A_97 = vector.broadcast %max3A_96 : vector<100x1xf32> to vector<100x42xf32>
      %div3A_98 = arith.divf %add3A_91, %div3A_97 : vector<100x42xf32>
      %get3A_99 = arith.constant 0 : index
      %get3A_100 = arith.constant 0 : index
      %get3A_101 = vector.load %arg9[%get3A_99, %get3A_100] : memref<42x36xf32, #tpu.memory_space<vmem>>, vector<42x36xf32>
      %dot_general3A_102 = arith.constant dense<0.000000e+00> : vector<100x36xf32>
      %dot_general3A_103 = tpu.matmul %div3A_98, %get3A_101, %dot_general3A_102 {dimension_numbers = #tpu.dot_dimension_numbers<[1], [0], [0], [1], [0, 0, 1, 1], [], []>, transpose_lhs_hint = false} : vector<100x42xf32>, vector<42x36xf32>, vector<100x36xf32> -> vector<100x36xf32>
      %get3A_104 = arith.constant 0 : index
      %get3A_105 = arith.constant 0 : index
      %get3A_106 = vector.load %arg10[%get3A_104, %get3A_105] : memref<1x36xf32, #tpu.memory_space<vmem>>, vector<1x36xf32>
      %add3A_107 = vector.broadcast %get3A_106 : vector<1x36xf32> to vector<100x36xf32>
      %add3A_108 = arith.addf %dot_general3A_103, %add3A_107 : vector<100x36xf32>
      %slice3A = vector.extract_strided_slice %add3A_108 {offsets = [0, 0], sizes = [100, 6], strides = [1, 1]} : vector<100x36xf32> to vector<100x6xf32>
      %slice3A_109 = vector.extract_strided_slice %add3A_108 {offsets = [0, 0], sizes = [100, 6], strides = [1, 1]} : vector<100x36xf32> to vector<100x6xf32>
      %mul3A_110 = arith.mulf %slice3A, %slice3A_109 : vector<100x6xf32>
      %reduce_sum3A = arith.constant dense<0.000000e+00> : vector<100xf32>
      %reduce_sum3A_111 = vector.multi_reduction <add>, %mul3A_110, %reduce_sum3A [1] : vector<100x6xf32> to vector<100xf32>
      %broadcast_in_dim3A_112 = vector.shape_cast %reduce_sum3A_111 : vector<100xf32> to vector<100x1xf32>
      %add3A_113 = arith.constant 1.000000e-03 : f32
      %add3A_114 = vector.broadcast %add3A_113 : f32 to vector<100x1xf32>
      %add3A_115 = arith.addf %broadcast_in_dim3A_112, %add3A_114 : vector<100x1xf32>
      %slice3A_116 = vector.extract_strided_slice %add3A_108 {offsets = [0, 6], sizes = [100, 6], strides = [1, 1]} : vector<100x36xf32> to vector<100x6xf32>
      %mul3A_117 = arith.mulf %slice3A, %slice3A_116 : vector<100x6xf32>
      %reduce_sum3A_118 = arith.constant dense<0.000000e+00> : vector<100xf32>
      %reduce_sum3A_119 = vector.multi_reduction <add>, %mul3A_117, %reduce_sum3A_118 [1] : vector<100x6xf32> to vector<100xf32>
      %broadcast_in_dim3A_120 = vector.shape_cast %reduce_sum3A_119 : vector<100xf32> to vector<100x1xf32>
      %slice3A_121 = vector.extract_strided_slice %add3A_108 {offsets = [0, 12], sizes = [100, 6], strides = [1, 1]} : vector<100x36xf32> to vector<100x6xf32>
      %mul3A_122 = arith.mulf %slice3A, %slice3A_121 : vector<100x6xf32>
      %reduce_sum3A_123 = arith.constant dense<0.000000e+00> : vector<100xf32>
      %reduce_sum3A_124 = vector.multi_reduction <add>, %mul3A_122, %reduce_sum3A_123 [1] : vector<100x6xf32> to vector<100xf32>
      %broadcast_in_dim3A_125 = vector.shape_cast %reduce_sum3A_124 : vector<100xf32> to vector<100x1xf32>
      %slice3A_126 = vector.extract_strided_slice %add3A_108 {offsets = [0, 18], sizes = [100, 6], strides = [1, 1]} : vector<100x36xf32> to vector<100x6xf32>
      %mul3A_127 = arith.mulf %slice3A, %slice3A_126 : vector<100x6xf32>
      %reduce_sum3A_128 = arith.constant dense<0.000000e+00> : vector<100xf32>
      %reduce_sum3A_129 = vector.multi_reduction <add>, %mul3A_127, %reduce_sum3A_128 [1] : vector<100x6xf32> to vector<100xf32>
      %broadcast_in_dim3A_130 = vector.shape_cast %reduce_sum3A_129 : vector<100xf32> to vector<100x1xf32>
      %slice3A_131 = vector.extract_strided_slice %add3A_108 {offsets = [0, 24], sizes = [100, 6], strides = [1, 1]} : vector<100x36xf32> to vector<100x6xf32>
      %mul3A_132 = arith.mulf %slice3A, %slice3A_131 : vector<100x6xf32>
      %reduce_sum3A_133 = arith.constant dense<0.000000e+00> : vector<100xf32>
      %reduce_sum3A_134 = vector.multi_reduction <add>, %mul3A_132, %reduce_sum3A_133 [1] : vector<100x6xf32> to vector<100xf32>
      %broadcast_in_dim3A_135 = vector.shape_cast %reduce_sum3A_134 : vector<100xf32> to vector<100x1xf32>
      %slice3A_136 = vector.extract_strided_slice %add3A_108 {offsets = [0, 30], sizes = [100, 6], strides = [1, 1]} : vector<100x36xf32> to vector<100x6xf32>
      %mul3A_137 = arith.mulf %slice3A, %slice3A_136 : vector<100x6xf32>
      %reduce_sum3A_138 = arith.constant dense<0.000000e+00> : vector<100xf32>
      %reduce_sum3A_139 = vector.multi_reduction <add>, %mul3A_137, %reduce_sum3A_138 [1] : vector<100x6xf32> to vector<100xf32>
      %broadcast_in_dim3A_140 = vector.shape_cast %reduce_sum3A_139 : vector<100xf32> to vector<100x1xf32>
      %slice3A_141 = vector.extract_strided_slice %add3A_108 {offsets = [0, 6], sizes = [100, 6], strides = [1, 1]} : vector<100x36xf32> to vector<100x6xf32>
      %slice3A_142 = vector.extract_strided_slice %add3A_108 {offsets = [0, 0], sizes = [100, 6], strides = [1, 1]} : vector<100x36xf32> to vector<100x6xf32>
      %mul3A_143 = arith.mulf %slice3A_141, %slice3A_142 : vector<100x6xf32>
      %reduce_sum3A_144 = arith.constant dense<0.000000e+00> : vector<100xf32>
      %reduce_sum3A_145 = vector.multi_reduction <add>, %mul3A_143, %reduce_sum3A_144 [1] : vector<100x6xf32> to vector<100xf32>
      %broadcast_in_dim3A_146 = vector.shape_cast %reduce_sum3A_145 : vector<100xf32> to vector<100x1xf32>
      %slice3A_147 = vector.extract_strided_slice %add3A_108 {offsets = [0, 6], sizes = [100, 6], strides = [1, 1]} : vector<100x36xf32> to vector<100x6xf32>
      %mul3A_148 = arith.mulf %slice3A_141, %slice3A_147 : vector<100x6xf32>
      %reduce_sum3A_149 = arith.constant dense<0.000000e+00> : vector<100xf32>
      %reduce_sum3A_150 = vector.multi_reduction <add>, %mul3A_148, %reduce_sum3A_149 [1] : vector<100x6xf32> to vector<100xf32>
      %broadcast_in_dim3A_151 = vector.shape_cast %reduce_sum3A_150 : vector<100xf32> to vector<100x1xf32>
      %add3A_152 = arith.constant 1.000000e-03 : f32
      %add3A_153 = vector.broadcast %add3A_152 : f32 to vector<100x1xf32>
      %add3A_154 = arith.addf %broadcast_in_dim3A_151, %add3A_153 : vector<100x1xf32>
      %slice3A_155 = vector.extract_strided_slice %add3A_108 {offsets = [0, 12], sizes = [100, 6], strides = [1, 1]} : vector<100x36xf32> to vector<100x6xf32>
      %mul3A_156 = arith.mulf %slice3A_141, %slice3A_155 : vector<100x6xf32>
      %reduce_sum3A_157 = arith.constant dense<0.000000e+00> : vector<100xf32>
      %reduce_sum3A_158 = vector.multi_reduction <add>, %mul3A_156, %reduce_sum3A_157 [1] : vector<100x6xf32> to vector<100xf32>
      %broadcast_in_dim3A_159 = vector.shape_cast %reduce_sum3A_158 : vector<100xf32> to vector<100x1xf32>
      %slice3A_160 = vector.extract_strided_slice %add3A_108 {offsets = [0, 18], sizes = [100, 6], strides = [1, 1]} : vector<100x36xf32> to vector<100x6xf32>
      %mul3A_161 = arith.mulf %slice3A_141, %slice3A_160 : vector<100x6xf32>
      %reduce_sum3A_162 = arith.constant dense<0.000000e+00> : vector<100xf32>
      %reduce_sum3A_163 = vector.multi_reduction <add>, %mul3A_161, %reduce_sum3A_162 [1] : vector<100x6xf32> to vector<100xf32>
      %broadcast_in_dim3A_164 = vector.shape_cast %reduce_sum3A_163 : vector<100xf32> to vector<100x1xf32>
      %slice3A_165 = vector.extract_strided_slice %add3A_108 {offsets = [0, 24], sizes = [100, 6], strides = [1, 1]} : vector<100x36xf32> to vector<100x6xf32>
      %mul3A_166 = arith.mulf %slice3A_141, %slice3A_165 : vector<100x6xf32>
      %reduce_sum3A_167 = arith.constant dense<0.000000e+00> : vector<100xf32>
      %reduce_sum3A_168 = vector.multi_reduction <add>, %mul3A_166, %reduce_sum3A_167 [1] : vector<100x6xf32> to vector<100xf32>
      %broadcast_in_dim3A_169 = vector.shape_cast %reduce_sum3A_168 : vector<100xf32> to vector<100x1xf32>
      %slice3A_170 = vector.extract_strided_slice %add3A_108 {offsets = [0, 30], sizes = [100, 6], strides = [1, 1]} : vector<100x36xf32> to vector<100x6xf32>
      %mul3A_171 = arith.mulf %slice3A_141, %slice3A_170 : vector<100x6xf32>
      %reduce_sum3A_172 = arith.constant dense<0.000000e+00> : vector<100xf32>
      %reduce_sum3A_173 = vector.multi_reduction <add>, %mul3A_171, %reduce_sum3A_172 [1] : vector<100x6xf32> to vector<100xf32>
      %broadcast_in_dim3A_174 = vector.shape_cast %reduce_sum3A_173 : vector<100xf32> to vector<100x1xf32>
      %slice3A_175 = vector.extract_strided_slice %add3A_108 {offsets = [0, 12], sizes = [100, 6], strides = [1, 1]} : vector<100x36xf32> to vector<100x6xf32>
      %slice3A_176 = vector.extract_strided_slice %add3A_108 {offsets = [0, 0], sizes = [100, 6], strides = [1, 1]} : vector<100x36xf32> to vector<100x6xf32>
      %mul3A_177 = arith.mulf %slice3A_175, %slice3A_176 : vector<100x6xf32>
      %reduce_sum3A_178 = arith.constant dense<0.000000e+00> : vector<100xf32>
      %reduce_sum3A_179 = vector.multi_reduction <add>, %mul3A_177, %reduce_sum3A_178 [1] : vector<100x6xf32> to vector<100xf32>
      %broadcast_in_dim3A_180 = vector.shape_cast %reduce_sum3A_179 : vector<100xf32> to vector<100x1xf32>
      %slice3A_181 = vector.extract_strided_slice %add3A_108 {offsets = [0, 6], sizes = [100, 6], strides = [1, 1]} : vector<100x36xf32> to vector<100x6xf32>
      %mul3A_182 = arith.mulf %slice3A_175, %slice3A_181 : vector<100x6xf32>
      %reduce_sum3A_183 = arith.constant dense<0.000000e+00> : vector<100xf32>
      %reduce_sum3A_184 = vector.multi_reduction <add>, %mul3A_182, %reduce_sum3A_183 [1] : vector<100x6xf32> to vector<100xf32>
      %broadcast_in_dim3A_185 = vector.shape_cast %reduce_sum3A_184 : vector<100xf32> to vector<100x1xf32>
      %slice3A_186 = vector.extract_strided_slice %add3A_108 {offsets = [0, 12], sizes = [100, 6], strides = [1, 1]} : vector<100x36xf32> to vector<100x6xf32>
      %mul3A_187 = arith.mulf %slice3A_175, %slice3A_186 : vector<100x6xf32>
      %reduce_sum3A_188 = arith.constant dense<0.000000e+00> : vector<100xf32>
      %reduce_sum3A_189 = vector.multi_reduction <add>, %mul3A_187, %reduce_sum3A_188 [1] : vector<100x6xf32> to vector<100xf32>
      %broadcast_in_dim3A_190 = vector.shape_cast %reduce_sum3A_189 : vector<100xf32> to vector<100x1xf32>
      %add3A_191 = arith.constant 1.000000e-03 : f32
      %add3A_192 = vector.broadcast %add3A_191 : f32 to vector<100x1xf32>
      %add3A_193 = arith.addf %broadcast_in_dim3A_190, %add3A_192 : vector<100x1xf32>
      %slice3A_194 = vector.extract_strided_slice %add3A_108 {offsets = [0, 18], sizes = [100, 6], strides = [1, 1]} : vector<100x36xf32> to vector<100x6xf32>
      %mul3A_195 = arith.mulf %slice3A_175, %slice3A_194 : vector<100x6xf32>
      %reduce_sum3A_196 = arith.constant dense<0.000000e+00> : vector<100xf32>
      %reduce_sum3A_197 = vector.multi_reduction <add>, %mul3A_195, %reduce_sum3A_196 [1] : vector<100x6xf32> to vector<100xf32>
      %broadcast_in_dim3A_198 = vector.shape_cast %reduce_sum3A_197 : vector<100xf32> to vector<100x1xf32>
      %slice3A_199 = vector.extract_strided_slice %add3A_108 {offsets = [0, 24], sizes = [100, 6], strides = [1, 1]} : vector<100x36xf32> to vector<100x6xf32>
      %mul3A_200 = arith.mulf %slice3A_175, %slice3A_199 : vector<100x6xf32>
      %reduce_sum3A_201 = arith.constant dense<0.000000e+00> : vector<100xf32>
      %reduce_sum3A_202 = vector.multi_reduction <add>, %mul3A_200, %reduce_sum3A_201 [1] : vector<100x6xf32> to vector<100xf32>
      %broadcast_in_dim3A_203 = vector.shape_cast %reduce_sum3A_202 : vector<100xf32> to vector<100x1xf32>
      %slice3A_204 = vector.extract_strided_slice %add3A_108 {offsets = [0, 30], sizes = [100, 6], strides = [1, 1]} : vector<100x36xf32> to vector<100x6xf32>
      %mul3A_205 = arith.mulf %slice3A_175, %slice3A_204 : vector<100x6xf32>
      %reduce_sum3A_206 = arith.constant dense<0.000000e+00> : vector<100xf32>
      %reduce_sum3A_207 = vector.multi_reduction <add>, %mul3A_205, %reduce_sum3A_206 [1] : vector<100x6xf32> to vector<100xf32>
      %broadcast_in_dim3A_208 = vector.shape_cast %reduce_sum3A_207 : vector<100xf32> to vector<100x1xf32>
      %slice3A_209 = vector.extract_strided_slice %add3A_108 {offsets = [0, 18], sizes = [100, 6], strides = [1, 1]} : vector<100x36xf32> to vector<100x6xf32>
      %slice3A_210 = vector.extract_strided_slice %add3A_108 {offsets = [0, 0], sizes = [100, 6], strides = [1, 1]} : vector<100x36xf32> to vector<100x6xf32>
      %mul3A_211 = arith.mulf %slice3A_209, %slice3A_210 : vector<100x6xf32>
      %reduce_sum3A_212 = arith.constant dense<0.000000e+00> : vector<100xf32>
      %reduce_sum3A_213 = vector.multi_reduction <add>, %mul3A_211, %reduce_sum3A_212 [1] : vector<100x6xf32> to vector<100xf32>
      %broadcast_in_dim3A_214 = vector.shape_cast %reduce_sum3A_213 : vector<100xf32> to vector<100x1xf32>
      %slice3A_215 = vector.extract_strided_slice %add3A_108 {offsets = [0, 6], sizes = [100, 6], strides = [1, 1]} : vector<100x36xf32> to vector<100x6xf32>
      %mul3A_216 = arith.mulf %slice3A_209, %slice3A_215 : vector<100x6xf32>
      %reduce_sum3A_217 = arith.constant dense<0.000000e+00> : vector<100xf32>
      %reduce_sum3A_218 = vector.multi_reduction <add>, %mul3A_216, %reduce_sum3A_217 [1] : vector<100x6xf32> to vector<100xf32>
      %broadcast_in_dim3A_219 = vector.shape_cast %reduce_sum3A_218 : vector<100xf32> to vector<100x1xf32>
      %slice3A_220 = vector.extract_strided_slice %add3A_108 {offsets = [0, 12], sizes = [100, 6], strides = [1, 1]} : vector<100x36xf32> to vector<100x6xf32>
      %mul3A_221 = arith.mulf %slice3A_209, %slice3A_220 : vector<100x6xf32>
      %reduce_sum3A_222 = arith.constant dense<0.000000e+00> : vector<100xf32>
      %reduce_sum3A_223 = vector.multi_reduction <add>, %mul3A_221, %reduce_sum3A_222 [1] : vector<100x6xf32> to vector<100xf32>
      %broadcast_in_dim3A_224 = vector.shape_cast %reduce_sum3A_223 : vector<100xf32> to vector<100x1xf32>
      %slice3A_225 = vector.extract_strided_slice %add3A_108 {offsets = [0, 18], sizes = [100, 6], strides = [1, 1]} : vector<100x36xf32> to vector<100x6xf32>
      %mul3A_226 = arith.mulf %slice3A_209, %slice3A_225 : vector<100x6xf32>
      %reduce_sum3A_227 = arith.constant dense<0.000000e+00> : vector<100xf32>
      %reduce_sum3A_228 = vector.multi_reduction <add>, %mul3A_226, %reduce_sum3A_227 [1] : vector<100x6xf32> to vector<100xf32>
      %broadcast_in_dim3A_229 = vector.shape_cast %reduce_sum3A_228 : vector<100xf32> to vector<100x1xf32>
      %add3A_230 = arith.constant 1.000000e-03 : f32
      %add3A_231 = vector.broadcast %add3A_230 : f32 to vector<100x1xf32>
      %add3A_232 = arith.addf %broadcast_in_dim3A_229, %add3A_231 : vector<100x1xf32>
      %slice3A_233 = vector.extract_strided_slice %add3A_108 {offsets = [0, 24], sizes = [100, 6], strides = [1, 1]} : vector<100x36xf32> to vector<100x6xf32>
      %mul3A_234 = arith.mulf %slice3A_209, %slice3A_233 : vector<100x6xf32>
      %reduce_sum3A_235 = arith.constant dense<0.000000e+00> : vector<100xf32>
      %reduce_sum3A_236 = vector.multi_reduction <add>, %mul3A_234, %reduce_sum3A_235 [1] : vector<100x6xf32> to vector<100xf32>
      %broadcast_in_dim3A_237 = vector.shape_cast %reduce_sum3A_236 : vector<100xf32> to vector<100x1xf32>
      %slice3A_238 = vector.extract_strided_slice %add3A_108 {offsets = [0, 30], sizes = [100, 6], strides = [1, 1]} : vector<100x36xf32> to vector<100x6xf32>
      %mul3A_239 = arith.mulf %slice3A_209, %slice3A_238 : vector<100x6xf32>
      %reduce_sum3A_240 = arith.constant dense<0.000000e+00> : vector<100xf32>
      %reduce_sum3A_241 = vector.multi_reduction <add>, %mul3A_239, %reduce_sum3A_240 [1] : vector<100x6xf32> to vector<100xf32>
      %broadcast_in_dim3A_242 = vector.shape_cast %reduce_sum3A_241 : vector<100xf32> to vector<100x1xf32>
      %slice3A_243 = vector.extract_strided_slice %add3A_108 {offsets = [0, 24], sizes = [100, 6], strides = [1, 1]} : vector<100x36xf32> to vector<100x6xf32>
      %slice3A_244 = vector.extract_strided_slice %add3A_108 {offsets = [0, 0], sizes = [100, 6], strides = [1, 1]} : vector<100x36xf32> to vector<100x6xf32>
      %mul3A_245 = arith.mulf %slice3A_243, %slice3A_244 : vector<100x6xf32>
      %reduce_sum3A_246 = arith.constant dense<0.000000e+00> : vector<100xf32>
      %reduce_sum3A_247 = vector.multi_reduction <add>, %mul3A_245, %reduce_sum3A_246 [1] : vector<100x6xf32> to vector<100xf32>
      %broadcast_in_dim3A_248 = vector.shape_cast %reduce_sum3A_247 : vector<100xf32> to vector<100x1xf32>
      %slice3A_249 = vector.extract_strided_slice %add3A_108 {offsets = [0, 6], sizes = [100, 6], strides = [1, 1]} : vector<100x36xf32> to vector<100x6xf32>
      %mul3A_250 = arith.mulf %slice3A_243, %slice3A_249 : vector<100x6xf32>
      %reduce_sum3A_251 = arith.constant dense<0.000000e+00> : vector<100xf32>
      %reduce_sum3A_252 = vector.multi_reduction <add>, %mul3A_250, %reduce_sum3A_251 [1] : vector<100x6xf32> to vector<100xf32>
      %broadcast_in_dim3A_253 = vector.shape_cast %reduce_sum3A_252 : vector<100xf32> to vector<100x1xf32>
      %slice3A_254 = vector.extract_strided_slice %add3A_108 {offsets = [0, 12], sizes = [100, 6], strides = [1, 1]} : vector<100x36xf32> to vector<100x6xf32>
      %mul3A_255 = arith.mulf %slice3A_243, %slice3A_254 : vector<100x6xf32>
      %reduce_sum3A_256 = arith.constant dense<0.000000e+00> : vector<100xf32>
      %reduce_sum3A_257 = vector.multi_reduction <add>, %mul3A_255, %reduce_sum3A_256 [1] : vector<100x6xf32> to vector<100xf32>
      %broadcast_in_dim3A_258 = vector.shape_cast %reduce_sum3A_257 : vector<100xf32> to vector<100x1xf32>
      %slice3A_259 = vector.extract_strided_slice %add3A_108 {offsets = [0, 18], sizes = [100, 6], strides = [1, 1]} : vector<100x36xf32> to vector<100x6xf32>
      %mul3A_260 = arith.mulf %slice3A_243, %slice3A_259 : vector<100x6xf32>
      %reduce_sum3A_261 = arith.constant dense<0.000000e+00> : vector<100xf32>
      %reduce_sum3A_262 = vector.multi_reduction <add>, %mul3A_260, %reduce_sum3A_261 [1] : vector<100x6xf32> to vector<100xf32>
      %broadcast_in_dim3A_263 = vector.shape_cast %reduce_sum3A_262 : vector<100xf32> to vector<100x1xf32>
      %slice3A_264 = vector.extract_strided_slice %add3A_108 {offsets = [0, 24], sizes = [100, 6], strides = [1, 1]} : vector<100x36xf32> to vector<100x6xf32>
      %mul3A_265 = arith.mulf %slice3A_243, %slice3A_264 : vector<100x6xf32>
      %reduce_sum3A_266 = arith.constant dense<0.000000e+00> : vector<100xf32>
      %reduce_sum3A_267 = vector.multi_reduction <add>, %mul3A_265, %reduce_sum3A_266 [1] : vector<100x6xf32> to vector<100xf32>
      %broadcast_in_dim3A_268 = vector.shape_cast %reduce_sum3A_267 : vector<100xf32> to vector<100x1xf32>
      %add3A_269 = arith.constant 1.000000e-03 : f32
      %add3A_270 = vector.broadcast %add3A_269 : f32 to vector<100x1xf32>
      %add3A_271 = arith.addf %broadcast_in_dim3A_268, %add3A_270 : vector<100x1xf32>
      %slice3A_272 = vector.extract_strided_slice %add3A_108 {offsets = [0, 30], sizes = [100, 6], strides = [1, 1]} : vector<100x36xf32> to vector<100x6xf32>
      %mul3A_273 = arith.mulf %slice3A_243, %slice3A_272 : vector<100x6xf32>
      %reduce_sum3A_274 = arith.constant dense<0.000000e+00> : vector<100xf32>
      %reduce_sum3A_275 = vector.multi_reduction <add>, %mul3A_273, %reduce_sum3A_274 [1] : vector<100x6xf32> to vector<100xf32>
      %broadcast_in_dim3A_276 = vector.shape_cast %reduce_sum3A_275 : vector<100xf32> to vector<100x1xf32>
      %slice3A_277 = vector.extract_strided_slice %add3A_108 {offsets = [0, 30], sizes = [100, 6], strides = [1, 1]} : vector<100x36xf32> to vector<100x6xf32>
      %slice3A_278 = vector.extract_strided_slice %add3A_108 {offsets = [0, 0], sizes = [100, 6], strides = [1, 1]} : vector<100x36xf32> to vector<100x6xf32>
      %mul3A_279 = arith.mulf %slice3A_277, %slice3A_278 : vector<100x6xf32>
      %reduce_sum3A_280 = arith.constant dense<0.000000e+00> : vector<100xf32>
      %reduce_sum3A_281 = vector.multi_reduction <add>, %mul3A_279, %reduce_sum3A_280 [1] : vector<100x6xf32> to vector<100xf32>
      %broadcast_in_dim3A_282 = vector.shape_cast %reduce_sum3A_281 : vector<100xf32> to vector<100x1xf32>
      %slice3A_283 = vector.extract_strided_slice %add3A_108 {offsets = [0, 6], sizes = [100, 6], strides = [1, 1]} : vector<100x36xf32> to vector<100x6xf32>
      %mul3A_284 = arith.mulf %slice3A_277, %slice3A_283 : vector<100x6xf32>
      %reduce_sum3A_285 = arith.constant dense<0.000000e+00> : vector<100xf32>
      %reduce_sum3A_286 = vector.multi_reduction <add>, %mul3A_284, %reduce_sum3A_285 [1] : vector<100x6xf32> to vector<100xf32>
      %broadcast_in_dim3A_287 = vector.shape_cast %reduce_sum3A_286 : vector<100xf32> to vector<100x1xf32>
      %slice3A_288 = vector.extract_strided_slice %add3A_108 {offsets = [0, 12], sizes = [100, 6], strides = [1, 1]} : vector<100x36xf32> to vector<100x6xf32>
      %mul3A_289 = arith.mulf %slice3A_277, %slice3A_288 : vector<100x6xf32>
      %reduce_sum3A_290 = arith.constant dense<0.000000e+00> : vector<100xf32>
      %reduce_sum3A_291 = vector.multi_reduction <add>, %mul3A_289, %reduce_sum3A_290 [1] : vector<100x6xf32> to vector<100xf32>
      %broadcast_in_dim3A_292 = vector.shape_cast %reduce_sum3A_291 : vector<100xf32> to vector<100x1xf32>
      %slice3A_293 = vector.extract_strided_slice %add3A_108 {offsets = [0, 18], sizes = [100, 6], strides = [1, 1]} : vector<100x36xf32> to vector<100x6xf32>
      %mul3A_294 = arith.mulf %slice3A_277, %slice3A_293 : vector<100x6xf32>
      %reduce_sum3A_295 = arith.constant dense<0.000000e+00> : vector<100xf32>
      %reduce_sum3A_296 = vector.multi_reduction <add>, %mul3A_294, %reduce_sum3A_295 [1] : vector<100x6xf32> to vector<100xf32>
      %broadcast_in_dim3A_297 = vector.shape_cast %reduce_sum3A_296 : vector<100xf32> to vector<100x1xf32>
      %slice3A_298 = vector.extract_strided_slice %add3A_108 {offsets = [0, 24], sizes = [100, 6], strides = [1, 1]} : vector<100x36xf32> to vector<100x6xf32>
      %mul3A_299 = arith.mulf %slice3A_277, %slice3A_298 : vector<100x6xf32>
      %reduce_sum3A_300 = arith.constant dense<0.000000e+00> : vector<100xf32>
      %reduce_sum3A_301 = vector.multi_reduction <add>, %mul3A_299, %reduce_sum3A_300 [1] : vector<100x6xf32> to vector<100xf32>
      %broadcast_in_dim3A_302 = vector.shape_cast %reduce_sum3A_301 : vector<100xf32> to vector<100x1xf32>
      %slice3A_303 = vector.extract_strided_slice %add3A_108 {offsets = [0, 30], sizes = [100, 6], strides = [1, 1]} : vector<100x36xf32> to vector<100x6xf32>
      %mul3A_304 = arith.mulf %slice3A_277, %slice3A_303 : vector<100x6xf32>
      %reduce_sum3A_305 = arith.constant dense<0.000000e+00> : vector<100xf32>
      %reduce_sum3A_306 = vector.multi_reduction <add>, %mul3A_304, %reduce_sum3A_305 [1] : vector<100x6xf32> to vector<100xf32>
      %broadcast_in_dim3A_307 = vector.shape_cast %reduce_sum3A_306 : vector<100xf32> to vector<100x1xf32>
      %add3A_308 = arith.constant 1.000000e-03 : f32
      %add3A_309 = vector.broadcast %add3A_308 : f32 to vector<100x1xf32>
      %add3A_310 = arith.addf %broadcast_in_dim3A_307, %add3A_309 : vector<100x1xf32>
      %concatenate3A = tpu.concatenate %add3A_115, %broadcast_in_dim3A_120, %broadcast_in_dim3A_125, %broadcast_in_dim3A_130, %broadcast_in_dim3A_135, %broadcast_in_dim3A_140, %broadcast_in_dim3A_146, %add3A_154, %broadcast_in_dim3A_159, %broadcast_in_dim3A_164, %broadcast_in_dim3A_169, %broadcast_in_dim3A_174, %broadcast_in_dim3A_180, %broadcast_in_dim3A_185, %add3A_193, %broadcast_in_dim3A_198, %broadcast_in_dim3A_203, %broadcast_in_dim3A_208, %broadcast_in_dim3A_214, %broadcast_in_dim3A_219, %broadcast_in_dim3A_224, %add3A_232, %broadcast_in_dim3A_237, %broadcast_in_dim3A_242, %broadcast_in_dim3A_248, %broadcast_in_dim3A_253, %broadcast_in_dim3A_258, %broadcast_in_dim3A_263, %add3A_271, %broadcast_in_dim3A_276, %broadcast_in_dim3A_282, %broadcast_in_dim3A_287, %broadcast_in_dim3A_292, %broadcast_in_dim3A_297, %broadcast_in_dim3A_302, %add3A_310 in 1 : vector<100x1xf32>, vector<100x1xf32>, vector<100x1xf32>, vector<100x1xf32>, vector<100x1xf32>, vector<100x1xf32>, vector<100x1xf32>, vector<100x1xf32>, vector<100x1xf32>, vector<100x1xf32>, vector<100x1xf32>, vector<100x1xf32>, vector<100x1xf32>, vector<100x1xf32>, vector<100x1xf32>, vector<100x1xf32>, vector<100x1xf32>, vector<100x1xf32>, vector<100x1xf32>, vector<100x1xf32>, vector<100x1xf32>, vector<100x1xf32>, vector<100x1xf32>, vector<100x1xf32>, vector<100x1xf32>, vector<100x1xf32>, vector<100x1xf32>, vector<100x1xf32>, vector<100x1xf32>, vector<100x1xf32>, vector<100x1xf32>, vector<100x1xf32>, vector<100x1xf32>, vector<100x1xf32>, vector<100x1xf32>, vector<100x1xf32> -> vector<100x36xf32>
      %swap3A_311 = arith.constant 0 : index
      %swap3A_312 = arith.constant 0 : index
      %swap3A_313 = vector.load %arg12[%swap3A_311, %swap3A_312] : memref<100x36xf32, #tpu.memory_space<vmem>>, vector<100x36xf32>
      tpu.vector_store %arg12[%swap3A_311, %swap3A_312], %concatenate3A {strides = array<i32>} : memref<100x36xf32, #tpu.memory_space<vmem>>, vector<100x36xf32>,
    } else {
    }
    return
  }
  func.func @transform_0(%arg0: i32) -> (i32, i32, i32) {
    %c0_i32 = arith.constant 0 : i32
    %c0_i32_0 = arith.constant 0 : i32
    %c0_i32_1 = arith.constant 0 : i32
    return %c0_i32, %arg0, %c0_i32_0 : i32, i32, i32
  }
  func.func @transform_1(%arg0: i32) -> (i32, i32) {
    %c0_i32 = arith.constant 0 : i32
    %c0_i32_0 = arith.constant 0 : i32
    return %arg0, %c0_i32 : i32, i32
  }
  func.func @transform_2(%arg0: i32) -> (i32, i32) {
    %c0_i32 = arith.constant 0 : i32
    %c0_i32_0 = arith.constant 0 : i32
    %c0_i32_1 = arith.constant 0 : i32
    return %c0_i32, %c0_i32_0 : i32, i32
  }
  func.func @transform_3(%arg0: i32) -> (i32, i32) {
    %c0_i32 = arith.constant 0 : i32
    %c0_i32_0 = arith.constant 0 : i32
    %c0_i32_1 = arith.constant 0 : i32
    return %c0_i32, %c0_i32_0 : i32, i32
  }
  func.func @transform_4(%arg0: i32) -> (i32, i32) {
    %c0_i32 = arith.constant 0 : i32
    %c0_i32_0 = arith.constant 0 : i32
    %c0_i32_1 = arith.constant 0 : i32
    return %c0_i32, %c0_i32_0 : i32, i32
  }
  func.func @transform_5(%arg0: i32) -> (i32, i32) {
    %c0_i32 = arith.constant 0 : i32
    %c0_i32_0 = arith.constant 0 : i32
    %c0_i32_1 = arith.constant 0 : i32
    return %c0_i32, %c0_i32_0 : i32, i32
  }
  func.func @transform_6(%arg0: i32) -> (i32, i32) {
    %c0_i32 = arith.constant 0 : i32
    %c0_i32_0 = arith.constant 0 : i32
    %c0_i32_1 = arith.constant 0 : i32
    return %c0_i32, %c0_i32_0 : i32, i32
  }
  func.func @transform_7(%arg0: i32) -> (i32, i32) {
    %c0_i32 = arith.constant 0 : i32
    %c0_i32_0 = arith.constant 0 : i32
    return %arg0, %c0_i32 : i32, i32
  }
  func.func @transform_8(%arg0: i32) -> (i32, i32) {
    %c0_i32 = arith.constant 0 : i32
    %c0_i32_0 = arith.constant 0 : i32
    %c0_i32_1 = arith.constant 0 : i32
    return %c0_i32, %c0_i32_0 : i32, i32
  }
  func.func @transform_9(%arg0: i32) -> (i32, i32) {
    %c0_i32 = arith.constant 0 : i32
    %c0_i32_0 = arith.constant 0 : i32
    %c0_i32_1 = arith.constant 0 : i32
    return %c0_i32, %c0_i32_0 : i32, i32
  }
  func.func @transform_10(%arg0: i32) -> (i32, i32) {
    %c0_i32 = arith.constant 0 : i32
    %c0_i32_0 = arith.constant 0 : i32
    %c0_i32_1 = arith.constant 0 : i32
    return %c0_i32, %c0_i32_0 : i32, i32
  }
  func.func @transform_11(%arg0: i32) -> (i32, i32) {
    %c0_i32 = arith.constant 0 : i32
    %c0_i32_0 = arith.constant 0 : i32
    %c0_i32_1 = arith.constant 0 : i32
    return %c0_i32, %c0_i32_0 : i32, i32
  }
}

</mosaic_0001>

<sc_bundles>
// kernel: kernel.11.cloned.1.call-start
scs
__scs_entry_jumppad:
0x0: {  	(pc) =	sbr.rel $0x88, $3  }
0x1: {  	(tag) =	ssettag $0x0;
	lr =	simm.s32 $0x1  }
0x2: {  	[smem:$0x3F88] =	sst lr;
	_ =	strace $0xD0000000  }
0x3: {  	_ = 	snop  }
0x4: {  	_ = 	snop  }
0x5: {  	_ = 	snop  }
0x6: {  	_ = 	snop  }
0x7: {  	_ = 	snop  }
__scs_overlays_trampoline_lowered:
0x8: {  	[smem:$0x3F97] =	sst s0  }
0x9: {  	[smem:$0x3F98] =	sst s1  }
0xa: {  	[smem:$0x3F99] =	sst s2  }
0xb: {  	[smem:$0x3F9A] =	sst s3  }
0xc: {  	[smem:$0x3F9B] =	sst s4  }
0xd: {  	[smem:$0x3F9C] =	sst s5  }
0xe: {  	[smem:$0x3F9D] =	sst s6  }
0xf: {  	[smem:$0x3F9E] =	sst s7  }
0x10: {  	[smem:$0x3F9F] =	sst s8  }
0x11: {  	[smem:$0x3FA0] =	sst s9;
	s0 =	simm.s32 @!p0 $0x0  }
0x12: {  	s1 =	sld [smem:$0x3F86];
	s0 =	simm.s32 @p0 $0x1  }
0x13: {  	[smem:$0x3FA1] =	sst s0;
	s0 =	simm.s32 @!p1 $0x0  }
0x14: {  	s2 =	sld [smem:$0x3F85];
	s0 =	simm.s32 @p1 $0x1  }
0x15: {  	[smem:$0x3FA2] =	sst s0;
	s0 =	simm.s32 @!p2 $0x0  }
0x16: {  	s3 =	sld [smem:$0x3FDB];
	s0 =	simm.s32 @p2 $0x1  }
0x17: {  	s4 =	simm.s32 $0x1BF5;
	[smem:$0x3FA4] =	sst s0  }
0x18: {  	s0 =	sld [smem:$0x3F87];
	_ =	swait.ge [sflag:s4], $0x0  }
0x19: {  	s7 =	sld [smem:$0x3F88]  }
0x1a: {  	s8 =	sadd.s32 $0xFFFFE003, lr  }
0x1b: {  	s9 =	sadd.s32 $0xFFFFFEF7, lr;
	s5 =	simm.s32 $0xFFFFFFFF;
	p2 =	slt.u32 s8, $0xFFFFF086  }
0x1c: {  	p1 =	slt.u32 s9, $0xF7A;
	s5 =	simm.s32 @!p2 $0x0  }
0x1d: {  	s5 =	simm.s32 @p1 $0x1;
	p0 =	seq.s32 s7, s2  }
0x1e: {  	s7 =	smul.u32 @!p0 $0xF7A, s2;
	p2 =	seq.s32 @!p0 s5, $0x0  }
0x1f: {  	s9 =	smul.u32 $0xF7A, s1;
	s8 =	simm.s32 @!p0 $0x1BF5;
	p2 =	por !p2, p0  }
0x20: {  	[sflag:s8] =	ssyncset.s32 @!p0 $0xFFFFF086;
	s6 =	sadd.s32 @!p0 s3, s7;
	s7 =	simm.s32 @!p0 $0x108  }
0x21: {  	s3 =	sadd.s32 s3, s9;
	s6 =	sadd.s32 @!p0 $0x88, s6;
	s7 =	simm.s32 @p2 $0x1082  }
0x22: {  	[simem:s7], [sflag:s8] =	dma.local @!p0 [hbm:s6], $0xF7A  }
0x23: {  	s9 =	sor.u32 $0xD0000000, s2;
	s6 =	simm.s32 $0x108;
	_ =	swait.ge @!p0 [sflag:s8], $0x0  }
0x24: {  	s3 =	sadd.s32 $0x88, s3;
	s6 =	simm.s32 @!p1 $0x1082;
	[sflag:s4] =	ssyncset.s32 $0xFFFFF086  }
0x25: {  	[simem:s6], [sflag:s4] =	dma.local [hbm:s3], $0xF7A  }
0x26: {  	[smem:$0x3F88] =	sst s1;
	(tag) =	ssettag s2;
	_ =	strace s9  }
0x27: {  	s1 =	sld [smem:$0x3F98]  }
0x28: {  	s2 =	sld [smem:$0x3F99]  }
0x29: {  	s4 =	sld [smem:$0x3F9B]  }
0x2a: {  	p0 =	seq.s32 s5, $0x0;
	s5 =	sld [smem:$0x3F9C]  }
0x2b: {  	s6 =	sld [smem:$0x3F9D]  }
0x2c: {  	s7 =	sld [smem:$0x3F9E]  }
0x2d: {  	s3 =	simm.s32 $0x108;
	s8 =	sld [smem:$0x3F9F]  }
0x2e: {  	s3 =	simm.s32 @!p0 $0x1082;
	s9 =	sld [smem:$0x3FA0]  }
0x2f: {  	lr =	sadd.s32 s0, s3;
	s0 =	sld [smem:$0x3F97]  }
0x30: {  	s3 =	sld [smem:$0x3F9A]  }
0x31: {  	[smem:$0x3FA3] =	sst s10  }
0x32: {  	s10 =	sld [smem:$0x3FA1];
	_ =	sdelay $0x3  }
0x33: {  	p0 =	seq.s32 s10, $0x1;
	s10 =	sld [smem:$0x3FA3];
	_ =	sdelay $0x3  }
0x34: {  	[smem:$0x3FA3] =	sst s10  }
0x35: {  	s10 =	sld [smem:$0x3FA2];
	_ =	sdelay $0x3  }
0x36: {  	p1 =	seq.s32 s10, $0x1;
	s10 =	sld [smem:$0x3FA3];
	_ =	sdelay $0x3  }
0x37: {  	[smem:$0x3FA3] =	sst s10  }
0x38: {  	s10 =	sld [smem:$0x3FA4]  }
0x39: {  	_ = 	snop;
	(pc) =	sbr.ind lr, $3  }
0x3a: {  	_ = 	snop  }
0x3b: {  	_ = 	snop  }
0x3c: {  	p2 =	seq.s32 s10, $0x1;
	s10 =	sld [smem:$0x3FA3]  }
0x3d: {  	_ =	shalt  }
0x3e: {  	_ =	shalt  }
0x3f: {  	_ =	shalt  }
0x40: {  	_ =	shalt  }
0x41: {  	_ =	shalt  }
0x42: {  	_ =	shalt  }
0x43: {  	_ =	shalt  }
0x44: {  	_ =	shalt  }
0x45: {  	_ =	shalt  }
0x46: {  	_ =	shalt  }
0x47: {  	_ =	shalt  }
0x48: {  	_ =	shalt  }
0x49: {  	_ =	shalt  }
0x4a: {  	_ =	shalt  }
0x4b: {  	_ =	shalt  }
0x4c: {  	_ =	shalt  }
0x4d: {  	_ =	shalt  }
0x4e: {  	_ =	shalt  }
0x4f: {  	_ =	shalt  }
0x50: {  	_ =	shalt  }
0x51: {  	_ =	shalt  }
0x52: {  	_ =	shalt  }
0x53: {  	_ =	shalt  }
0x54: {  	_ =	shalt  }
0x55: {  	_ =	shalt  }
0x56: {  	_ =	shalt  }
0x57: {  	_ =	shalt  }
0x58: {  	_ =	shalt  }
0x59: {  	_ =	shalt  }
0x5a: {  	_ =	shalt  }
0x5b: {  	_ =	shalt  }
0x5c: {  	_ =	shalt  }
0x5d: {  	_ =	shalt  }
0x5e: {  	_ =	shalt  }
0x5f: {  	_ =	shalt  }
0x60: {  	_ =	shalt  }
0x61: {  	_ =	shalt  }
0x62: {  	_ =	shalt  }
0x63: {  	_ =	shalt  }
0x64: {  	_ =	shalt  }
0x65: {  	_ =	shalt  }
0x66: {  	_ =	shalt  }
0x67: {  	_ =	shalt  }
0x68: {  	_ =	shalt  }
0x69: {  	_ =	shalt  }
0x6a: {  	_ =	shalt  }
0x6b: {  	_ =	shalt  }
0x6c: {  	_ =	shalt  }
0x6d: {  	_ =	shalt  }
0x6e: {  	_ =	shalt  }
0x6f: {  	_ =	shalt  }
0x70: {  	_ =	shalt  }
0x71: {  	_ =	shalt  }
0x72: {  	_ =	shalt  }
0x73: {  	_ =	shalt  }
0x74: {  	_ =	shalt  }
0x75: {  	_ =	shalt  }
0x76: {  	_ =	shalt  }
0x77: {  	_ =	shalt  }
0x78: {  	_ =	shalt  }
0x79: {  	_ =	shalt  }
0x7a: {  	_ =	shalt  }
0x7b: {  	_ =	shalt  }
0x7c: {  	_ =	shalt  }
0x7d: {  	_ =	shalt  }
0x7e: {  	_ =	shalt  }
0x7f: {  	_ =	shalt  }
0x80: {  	_ =	shalt  }
0x81: {  	_ =	shalt  }
0x82: {  	_ =	shalt  }
0x83: {  	_ =	shalt  }
0x84: {  	_ =	shalt  }
0x85: {  	_ =	shalt  }
0x86: {  	_ =	shalt  }
0x87: {  	_ =	shalt  }
.Lfunc_end0:
.L_simem_size_0:
called_computation.1_lowered:
.L_overlay_start_0:
0x88: {  	s2 =	sld [smem:$0x3FD9]  }
0x89: {  	s3 =	sld [smem:$0x3FFE];
	_ =	sdelay $0x1  }
0x8a: {  	s1 =	srdreg.scid  }
0x8b: {  	s0 =	sand.u32 $0x1, s1  }
0x8c: {  	s16 =	sshll.u32 s0, $0xA;
	s2 =	sadd.s32 s3, s2  }
0x8d: {  	s2 =	sadd.s32 s2, s16  }
0x8e: {  	[smem:$0x3FAF] =	sst s2  }
0x8f: {  	_ = 	snop  }
0x90: {  	(tm) =	ssettm $0x1  }
0x91: {  	s17 =	sld [smem:$0x3FFB];
	_ =	sdelay $0x3  }
0x92: {  	_ =	strace s17  }
0x93: {  	s2 =	sld [smem:$0x3FFC];
	_ =	sdelay $0x3  }
0x94: {  	_ =	strace s2  }
0x95: {  	s2 =	sld [smem:$0x3FFD];
	_ =	sdelay $0x3  }
0x96: {  	_ =	strace s2  }
0x97: {  	_ =	strace $0x8FFFFFFF  }
0x98: {  	s18 =	sld [smem:$0x3FDB];
	_ =	sdelay $0x1  }
0x99: {  	s19 =	simm.s32 $_scs_section_size  }
0x9a: {  	s4 =	simm.s32 $_size__tile_overlayer_lowered;
	s5 =	simm.s32 $_tile_overlayer_lowered  }
0x9b: {  	s22 =	simm.s32 $0x1BFF;
	s21 =	sshll.u32 s5, $0x1;
	s2 =	sadd.s32 s19, s18  }
0x9c: {  	s6 =	simm.s32 $0x0;
	s20 =	sshll.u32 s4, $0x1;
	s4 =	sadd.s32 s21, s2  }
0x9d: {  	[timem:s6], [sflag:s22] =	dma.local [hbm:s4], s20  }
0x9e: {  	_ =	swait.ge [sflag:s22], s20  }
0x9f: {  	s3 =	ssub.s32 $0x0, s20;
	[sflag:s22] =	ssyncset.done $0x0  }
0xa0: {  	[sflag:s22] =	ssyncadd.s32 s3;
	_ =	sdelay $0x1  }
0xa1: {  	s23 =	simm.s32 $0x1B8B  }
0xa2: {  	_ =	swait.ge [sflag:s23], $0x1  }
0xa3: {  	[sflag:s23] =	ssyncset.done $0x0  }
0xa4: {  	s25 =	simm.s32 $0x1B8E;
	s24 =	sld [smem:$0x3FFE];
	[sflag:s23] =	ssyncadd.s32 $0xFFFFFFFF  }
0xa5: {  	s26 =	simm.s32 $execute0_lowered;
	[smem:$0x3FD2] =	sst s25  }
0xa6: {  	s4 =	sshll.u32 s26, $0x1;
	_ =	strace $0x80000049;
	[dreg:$0x1] =	wrdreg $0xFFFFFFFF  }
0xa7: {  	s28 =	simm.s32 $_size_execute0_lowered;
	s2 =	sadd.s32 s2, s4;
	[dreg:$0x0] =	wrdreg $0x0  }
0xa8: {  	s4 =	sshll.u32 s28, $0x1;
	[dreg:$0x2] =	wrdreg s2  }
0xa9: {  	[dreg:$0x3] =	wrdreg s4  }
0xaa: {  	[dreg:$0x4] =	wrdreg $0xC0  }
0xab: {  	_ =	task [dreg:s6], $0x5FFFF  }
0xac: {  	[dreg:$0x1] =	wrdreg $0xFFFFFFFF  }
0xad: {  	[dreg:$0x0] =	wrdreg $0x60  }
0xae: {  	[dreg:$0x2] =	wrdreg s24  }
0xaf: {  	[dreg:$0x3] =	wrdreg $0x82000  }
0xb0: {  	[dreg:$0x4] =	wrdreg $0x9  }
0xb1: {  	_ =	task.clear_ibuf [dreg:s6], $0x5FFFF;
	_ =	strace $0x90000049  }
0xb2: {  	s29 =	simm.s32 $0x9;
	_ =	strace $0x8000004B  }
0xb3: {  	_ =	swait.ge [sflag:s29], $0x1  }
0xb4: {  	[sflag:s29] =	ssyncadd.s32 $0xFFFFFFFF  }
0xb5: {  	_ =	strace $0x9000004B  }
0xb6: {  	_ =	sfence  }
0xb7: {  	s30 =	sld [smem:$0x0];
	_ =	sdelay $0x2  }
0xb8: {  	s31 =	sshll.u32 s1, $0xD;
	s1 =	sshrl.u32 s1, $0x2  }
0xb9: {  	s3 =	sand.u32 $0x4000, s31;
	s1 =	sadd.s32 s1, s30  }
0xba: {  	s0 =	sor.u32 s3, s0;
	s1 =	sshll.u32 s1, $0x11  }
0xbb: {  	s0 =	sor.u32 s1, s0  }
0xbc: {  	s0 =	sadd.s32 $0x8F2B, s0  }
0xbd: {  	[sflag:s0] =	ssyncadd.remote.s32 $0x1  }
0xbe: {  	_ =	sfence.sel $0xFFFF  }
0xbf: {  	[dreg:$0x0] =	wrdreg $0xFFFFFFFF;
	(pc) =	sbr.abs _section_cstart, $3  }
0xc0: {  	[dreg:$0x1] =	wrdreg $0xFFFFFFFF  }
0xc1: {  	_ =	task.clear_ibuf [dreg:s6], $0x2FFFF;
	_ =	strace $0x9FFFFFFF  }
0xc2: {  	(tm) =	ssettm $0x7FFFFFFF  }
0xc3: {  	_ =	shalt  }
tec
execute0_lowered:
.L_overlay_start_1:
0x0: {  	(tag) =	ssettag $0x1  }
0x1: {  	s0 =	rddreg [dreg:$0x0]  }
0x2: {  	s1 =	rddreg [dreg:$0x1];
	s2 =	simm.s32 $0x0  }
0x3: {  	s5 =	srdreg.scid;
	[smem:$0x7FF] =	sst s2  }
0x4: {  	s14 =	stileid.u32;
	s3 =	sadd.s32 $0x9EEA00, s0;
	s4 =	sadd.s32 $0xF1EC00, s0  }
0x5: {  	s6 =	sadd.s32 $0x9C7600, s0;
	s7 =	sadd.s32 $0x9DB000, s0;
	s11 =	smul.u32 $0x50000, s14  }
0x6: {  	s5 =	sand.u32 $0x1, s5;
	s0 =	sadd.s32 $0xA15C00, s0;
	s21 =	smul.u32 $0x4E000, s14  }
0x7: {  	_ =	strace $0x8000004A;
	s8 =	ssub.s32 $0x2, s5;
	s9 =	sshll.u32 s5, $0x4  }
0x8: {  	s5 =	smul.u32 $0x138800, s5;
	s10 =	sshrl.u32 s8, $0x1;
	s9 =	sor.u32 s14, s9  }
0x9: {  	s11 =	sshrl.u32 s11, $0x2;
	s23 =	sshrl.u32 s21, $0x2;
	s21 =	simm.s32 $0x8  }
0xa: {  	s10 =	ssub.s32 s8, s10;
	p0 =	slt.u32 s9, $0x8;
	s15 =	sadd.s32 s11, s1  }
0xb: {  	s8 =	simm.s32 $0x9D;
	s11 =	sadd.s32 $0x2000, s15;
	[dreg:$0x3] =	wrdreg s15  }
0xc: {  	s12 =	smul.u32 $0x9C, s9;
	s28 =	sadd.s32 $0x4000, s15;
	[dreg:$0x4] =	wrdreg s11  }
0xd: {  	s9 =	smin.u32 s9, $0x8;
	s29 =	sadd.s32 $0x6000, s15;
	[dreg:$0x5] =	wrdreg s28  }
0xe: {  	s24 =	sadd.s32 s23, s1;
	s30 =	sadd.s32 $0x8000, s15;
	[dreg:$0x6] =	wrdreg s29  }
0xf: {  	s23 =	simm.s32 $0x4;
	s25 =	smax.u32 s10, $0x1;
	[dreg:$0x7] =	wrdreg s30  }
0x10: {  	s8 =	simm.s32 @!p0 $0x9C;
	s26 =	sadd.s32 $0xA000, s15;
	[dreg:$0x10] =	wrdreg s25  }
0x11: {  	p0 =	sne.s32 s14, $0xF;
	s9 =	sadd.s32 s9, s12;
	[dreg:$0x13] =	wrdreg s26  }
0x12: {  	s28 =	sadd.s32 $0xC000, s15;
	s29 =	sadd.s32 $0xE000, s15;
	s30 =	sadd.s32 $0x10000, s15  }
0x13: {  	s10 =	sadd.s32 $0xFFFFFFFD, s8;
	s25 =	simm.s32 $0x9;
	[dreg:$0x14] =	wrdreg s28  }
0x14: {  	s26 =	simm.s32 $0xA;
	s31 =	sshll.u32 s9, $0x4;
	[dreg:$0x15] =	wrdreg s29  }
0x15: {  	s16 =	sshll.u32 s9, $0xA;
	[dreg:$0x16] =	wrdreg s30;
	s13 =	sadd.s32 s6, s31  }
0x16: {  	s17 =	sadd.s32 $0x1, s9;
	s11 =	sadd.s32 s7, s31;
	[dreg:$0x8] =	wrdreg s13  }
0x17: {  	s20 =	sadd.s32 $0x2, s9;
	s31 =	sadd.s32 $0x12000, s15;
	[dreg:$0x9] =	wrdreg s11  }
0x18: {  	s18 =	sshll.u32 s17, $0x4;
	s11 =	sadd.s32 s4, s16;
	[dreg:$0x17] =	wrdreg s31  }
0x19: {  	s13 =	smul.u32 $0x13800, s14;
	s16 =	sadd.s32 s6, s18;
	[dreg:$0xa] =	wrdreg s11  }
0x1a: {  	s12 =	sadd.s32 s7, s18;
	s14 =	simm.s32 $0x180;
	[dreg:$0xb] =	wrdreg s16  }
0x1b: {  	s18 =	simm.s32 $0x5;
	s11 =	sshll.u32 s17, $0xA;
	[dreg:$0xc] =	wrdreg s12  }
0x1c: {  	s12 =	simm.s32 $0xB;
	s16 =	simm.s32 $0x40;
	s17 =	simm.s32 $0x7  }
0x1d: {  	s11 =	sand.u32 $0x1FFFFC00, s11;
	s19 =	sadd.s32 s13, s5;
	s5 =	sshrl.u32 s5, $0x3  }
0x1e: {  	s13 =	simm.s32 $0x100;
	s11 =	sadd.s32 s4, s11;
	s22 =	sshrl.u32 s19, $0x3  }
0x1f: {  	s19 =	simm.s32 $0x3;
	[dreg:$0xd] =	wrdreg s11;
	s9 =	sadd.s32 s0, s22  }
.Ltmp0:
0x20: {  	s0 =	sadd.s32 s0, s5;
	s5 =	sshrl.u32 s24, $0x3;
	(pc) =	sbr.rel .LBB2_1-.Ltmp0, $4  }
0x21: {  	s11 =	simm.s32 $0x4200;
	[dreg:$0xe] =	wrdreg s9;
	s0 =	sadd.s32 $0x27000, s0  }
0x22: {  	s22 =	simm.s32 $0x6;
	[dreg:$0xf] =	wrdreg s0;
	s0 =	sadd.s32 $0x138000, s1  }
0x23: {  	s24 =	simm.s32 $0x6200;
	[dreg:$0x11] =	wrdreg s5;
	s0 =	sshrl.u32 @!p0 s0, $0x3  }
0x24: {  	v0 =	vimm.f32 $0.0e+00;
	s5 =	sadd.s32 $0xFFFFFFFE, s8;
	[dreg:$0x12] =	wrdreg s0;
	s0 =	sadd.s32 $0xFFFFFFFF, s8  }
.LBB2_13:
0x25: {  	_ =	swait.ge [sflag:s25], $0x2000  }
0x26: {  	[sflag:s25] =	ssyncset.done $0x0  }
0x27: {  	[sflag:s25] =	ssyncadd.s32 $0xFFFFE000  }
0x28: {  	_ =	swait.ge [sflag:s26], $0x2000  }
0x29: {  	[sflag:s26] =	ssyncset.done $0x0  }
0x2a: {  	[sflag:s26] =	ssyncadd.s32 $0xFFFFE000  }
0x2b: {  	s9 =	stileid.u32;
	[bflag:$0x0] =	sbarrier.arrive $0xFFFF  }
0x2c: {  	s9 =	sshll.u32 s9, $0x6;
	s15 =	rddreg [dreg:$0xe]  }
0x2d: {  	s9 =	sor.u32 $0x1C0B, s9;
	s28 =	rddreg [dreg:$0x11]  }
0x2e: {  	[hbm:s15], [sflag:s9] =	dma.local [spmem:s28], $0x2700  }
0x2f: {  	_ =	swait.ge [sflag:s12], $0x2700  }
0x30: {  	[sflag:s12] =	ssyncset.done $0x0;
	s15 =	rddreg [dreg:$0xf]  }
0x31: {  	s28 =	rddreg [dreg:$0x12];
	[sflag:s12] =	ssyncadd.s32 $0xFFFFD900  }
0x32: {  	[hbm:s15], [sflag:s9] =	dma.local @!p0 [spmem:s28], $0x100  }
0x33: {  	s9 =	simm.s32 @!p0 $0xB  }
0x34: {  	_ =	swait.ge @!p0 [sflag:s9], $0x100  }
0x35: {  	s2 =	sadd.s32 $0x1, s2;
	s31 =	rddreg [dreg:$0x10]  }
0x36: {  	p1 =	sne.s32 s2, s31  }
.Ltmp1:
0x37: {  	_ = 	snop;
	(pc) =	sbr.rel @!p1 .LBB2_14-.Ltmp1, $3  }
0x38: {  	_ =	sdelay $0x1  }
0x39: {  	[sflag:s9] =	ssyncset.done @!p0 $0x0  }
0x3a: {  	[sflag:s9] =	ssyncadd.s32 @!p0 $0xFFFFFF00  }
.LBB2_1:
0x3b: {  	s9 =	simm.s32 $0x0;
	s28 =	simm.s32 $0x200  }
.LBB2_2:
0x3c: {  	p1 =	sne.s32 s28, $0x7E00;
	[tilespmem:s9+$0x4270] =	vst v0  }
0x3d: {  	[tilespmem:s9+$0x4200] =	vst v0  }
0x3e: {  	[tilespmem:s9+$0x4210] =	vst v0  }
.Ltmp2:
0x3f: {  	[tilespmem:s9+$0x4220] =	vst v0;
	(pc) =	sbr.rel @p1 .LBB2_2-.Ltmp2, $4  }
0x40: {  	[tilespmem:s9+$0x4230] =	vst v0  }
0x41: {  	[tilespmem:s9+$0x4240] =	vst v0  }
0x42: {  	[tilespmem:s9+$0x4250] =	vst v0  }
0x43: {  	[tilespmem:s9+$0x4260] =	vst v0;
	s9 =	sshra.s32 s28, $0x2;
	s28 =	sadd.s32 $0x200, s28  }
0x44: {  	[tilespmem:s9+$0x4270] =	vst v0  }
0x45: {  	[tilespmem:s9+$0x4200] =	vst v0  }
0x46: {  	[tilespmem:s9+$0x4210] =	vst v0  }
0x47: {  	[tilespmem:s9+$0x4220] =	vst v0  }
0x48: {  	[tilespmem:s9+$0x4230] =	vst v0  }
0x49: {  	[tilespmem:s9+$0x4240] =	vst v0  }
0x4a: {  	[tilespmem:s9+$0x4250] =	vst v0  }
0x4b: {  	[tilespmem:s9+$0x4260] =	vst v0;
	s29 =	rddreg [dreg:$0x3]  }
0x4c: {  	[spmem:s29] =	stream.linear.scatter [tilespmem:s11], [sflag:$0xB], $0x2000, $0x38;
	[tilespmem:$0x1C200] =	vst v63  }
0x4d: {  	_ =	swait.ge [sflag:s12], $0x2000  }
0x4e: {  	[sflag:s12] =	ssyncset.done $0x0  }
0x4f: {  	s30 =	rddreg [dreg:$0x4];
	[sflag:s12] =	ssyncadd.s32 $0xFFFFE000  }
0x50: {  	[spmem:s30] =	stream.linear.scatter [tilespmem:s11], [sflag:$0xB], $0x2000, $0x38;
	[tilespmem:$0x1C200] =	vst v63  }
0x51: {  	_ =	swait.ge [sflag:s12], $0x2000  }
0x52: {  	[sflag:s12] =	ssyncset.done $0x0  }
0x53: {  	s31 =	rddreg [dreg:$0x5];
	[sflag:s12] =	ssyncadd.s32 $0xFFFFE000  }
0x54: {  	[spmem:s31] =	stream.linear.scatter [tilespmem:s11], [sflag:$0xB], $0x2000, $0x38;
	[tilespmem:$0x1C200] =	vst v63  }
0x55: {  	_ =	swait.ge [sflag:s12], $0x2000  }
0x56: {  	[sflag:s12] =	ssyncset.done $0x0  }
0x57: {  	s15 =	rddreg [dreg:$0x6];
	[sflag:s12] =	ssyncadd.s32 $0xFFFFE000  }
0x58: {  	[spmem:s15] =	stream.linear.scatter [tilespmem:s11], [sflag:$0xB], $0x2000, $0x38;
	[tilespmem:$0x1C200] =	vst v63  }
0x59: {  	_ =	swait.ge [sflag:s12], $0x2000  }
0x5a: {  	[sflag:s12] =	ssyncset.done $0x0  }
0x5b: {  	s29 =	rddreg [dreg:$0x7];
	[sflag:s12] =	ssyncadd.s32 $0xFFFFE000  }
0x5c: {  	[spmem:s29] =	stream.linear.scatter [tilespmem:s11], [sflag:$0xB], $0x2000, $0x38;
	[tilespmem:$0x1C200] =	vst v63  }
0x5d: {  	_ =	swait.ge [sflag:s12], $0x2000  }
0x5e: {  	[sflag:s12] =	ssyncset.done $0x0  }
0x5f: {  	s30 =	rddreg [dreg:$0x13];
	[sflag:s12] =	ssyncadd.s32 $0xFFFFE000  }
0x60: {  	[spmem:s30] =	stream.linear.scatter [tilespmem:s11], [sflag:$0xB], $0x2000, $0x38;
	[tilespmem:$0x1C200] =	vst v63  }
0x61: {  	_ =	swait.ge [sflag:s12], $0x2000  }
0x62: {  	[sflag:s12] =	ssyncset.done $0x0  }
0x63: {  	s31 =	rddreg [dreg:$0x14];
	[sflag:s12] =	ssyncadd.s32 $0xFFFFE000  }
0x64: {  	[spmem:s31] =	stream.linear.scatter [tilespmem:s11], [sflag:$0xB], $0x2000, $0x38;
	[tilespmem:$0x1C200] =	vst v63  }
0x65: {  	_ =	swait.ge [sflag:s12], $0x2000  }
0x66: {  	[sflag:s12] =	ssyncset.done $0x0  }
0x67: {  	s15 =	rddreg [dreg:$0x15];
	[sflag:s12] =	ssyncadd.s32 $0xFFFFE000  }
0x68: {  	[spmem:s15] =	stream.linear.scatter [tilespmem:s11], [sflag:$0xB], $0x2000, $0x38;
	[tilespmem:$0x1C200] =	vst v63  }
0x69: {  	_ =	swait.ge [sflag:s12], $0x2000  }
0x6a: {  	[sflag:s12] =	ssyncset.done $0x0  }
0x6b: {  	s29 =	rddreg [dreg:$0x16];
	[sflag:s12] =	ssyncadd.s32 $0xFFFFE000  }
0x6c: {  	[spmem:s29] =	stream.linear.scatter [tilespmem:s11], [sflag:$0xB], $0x2000, $0x38;
	[tilespmem:$0x1C200] =	vst v63  }
0x6d: {  	_ =	swait.ge [sflag:s12], $0x2000  }
0x6e: {  	[sflag:s12] =	ssyncset.done $0x0  }
0x6f: {  	s30 =	rddreg [dreg:$0x17];
	[sflag:s12] =	ssyncadd.s32 $0xFFFFE000  }
0x70: {  	[spmem:s30] =	stream.linear.scatter [tilespmem:s11], [sflag:$0xB], $0x2000, $0x38;
	[tilespmem:$0x1C200] =	vst v63  }
0x71: {  	_ =	swait.ge [sflag:s12], $0x2000  }
0x72: {  	[sflag:s12] =	ssyncset.done $0x0  }
0x73: {  	[sflag:s12] =	ssyncadd.s32 $0xFFFFE000  }
0x74: {  	[bflag:$0x0] =	sbarrier.arrive $0xFFFF  }
0x75: {  	s28 =	simm.s32 $0x0;
	s31 =	rddreg [dreg:$0x8]  }
0x76: {  	[tilespmem:s28], [sflag:$0x1] =	stream.linear.gather [hbm4b:s31+s28], $0x80, $0x38;
	[tilespmem:$0x1C200] =	vst v63  }
0x77: {  	s15 =	rddreg [dreg:$0x9]  }
0x78: {  	[tilespmem:s13], [sflag:$0x3] =	stream.linear.gather [hbm4b:s15+s28], $0x80, $0x38;
	[tilespmem:$0x1C200] =	vst v63  }
0x79: {  	s29 =	rddreg [dreg:$0xa];
	s15 =	simm.s32 $0x200  }
0x7a: {  	[tilespmem:s15], [sflag:$0x5] =	stream.linear.gather [hbm4b:s29+s28], $0x2000, $0x38;
	[tilespmem:$0x1C200] =	vst v63  }
0x7b: {  	s30 =	rddreg [dreg:$0xb];
	s31 =	simm.s32 $0x80  }
0x7c: {  	[tilespmem:s31], [sflag:$0x2] =	stream.linear.gather [hbm4b:s30+s28], $0x80, $0x38;
	[tilespmem:$0x1C200] =	vst v63  }
0x7d: {  	s15 =	rddreg [dreg:$0xc]  }
0x7e: {  	[tilespmem:s14], [sflag:$0x4] =	stream.linear.gather [hbm4b:s15+s28], $0x80, $0x38;
	[tilespmem:$0x1C200] =	vst v63  }
0x7f: {  	s29 =	rddreg [dreg:$0xd];
	s30 =	simm.s32 $0x2200  }
0x80: {  	[tilespmem:s30], [sflag:$0x6] =	stream.linear.gather [hbm4b:s29+s28], $0x2000, $0x38;
	[tilespmem:$0x1C200] =	vst v63  }
.Ltmp3:
0x81: {  	s31 =	simm.s32 $0x1;
	(pc) =	sbr.rel .LBB2_4-.Ltmp3, $4  }
0x82: {  	_ =	swait.ge [sflag:s31], $0x80  }
0x83: {  	[sflag:s31] =	ssyncset.done $0x0  }
0x84: {  	[sflag:s31] =	ssyncadd.s32 $0xFFFFFF80  }
0x85: {  	[tilespmem:s11], [sflag:$0x7] =	stream.indirect.gather [hbm4b:s3+s16], $0x80, s28, s16, $0xb8;
	[tilespmem:$0x1C200] =	vst v63  }
.LBB2_12:
0x86: {  	s28 =	sadd.s32 $0x1, s28  }
0x87: {  	p1 =	sne.s32 s28, $0x4F  }
.Ltmp4:
0x88: {  	_ = 	snop;
	(pc) =	sbr.rel @!p1 .LBB2_13-.Ltmp4, $1  }
0x89: {  	_ =	sdelay $0x3  }
.LBB2_4:
0x8a: {  	s29 =	sshll.u32 s28, $0x1  }
0x8b: {  	p1 =	sge.u32 s29, s8  }
.Ltmp5:
0x8c: {  	_ = 	snop;
	(pc) =	sbr.rel @p1 .LBB2_8-.Ltmp5, $1  }
0x8d: {  	_ =	sdelay $0x3  }
0x8e: {  	p1 =	sge.u32 s29, s0  }
0x8f: {  	s9 =	simm.s32 @!p1 $0x2  }
0x90: {  	p2 =	seq.s32 @!p1 s28, $0x0;
	_ =	swait.ge @!p1 [sflag:s9], $0x80  }
0x91: {  	p2 =	por p2, p1;
	[sflag:s9] =	ssyncset.done @!p1 $0x0  }
0x92: {  	[sflag:s9] =	ssyncadd.s32 @!p1 $0xFFFFFF80;
	s9 =	simm.s32 @!p2 $0xA  }
0x93: {  	_ =	swait.ge @!p2 [sflag:s9], $0x2000  }
0x94: {  	s30 =	simm.s32 @!p1 $0x80;
	[sflag:s9] =	ssyncset.done @!p2 $0x0  }
0x95: {  	s31 =	simm.s32 @!p1 $0x6200;
	[sflag:s9] =	ssyncadd.s32 @!p2 $0xFFFFE000;
	s9 =	simm.s32 @!p1 $0x40  }
0x96: {  	[tilespmem:s31], [sflag:$0x8] =	stream.indirect.gather @!p1 [hbm4b:s3+s9], $0x80, s30, s9, $0xb8;
	[tilespmem:$0x1C200] =	vst v63  }
0x97: {  	_ =	swait.ge [sflag:s17], $0x2000  }
0x98: {  	[sflag:s17] =	ssyncset.done $0x0  }
0x99: {  	[sflag:s17] =	ssyncadd.s32 $0xFFFFE000  }
0x9a: {  	_ =	swait.ge [sflag:s18], $0x2000  }
0x9b: {  	[sflag:s18] =	ssyncset.done $0x0  }
0x9c: {  	[sflag:s18] =	ssyncadd.s32 $0xFFFFE000  }
0x9d: {  	_ =	swait.ge [sflag:s19], $0x80  }
0x9e: {  	[sflag:s19] =	ssyncset.done $0x0  }
0x9f: {  	s30 =	simm.s32 $0x0;
	[sflag:s19] =	ssyncadd.s32 $0xFFFFFF80  }
0xa0: {  	v8 =	vld [tilespmem:s30+$0x200]  }
0xa1: {  	v12 =	vld [tilespmem:s30+$0x210]  }
0xa2: {  	v6 =	vld [tilespmem:s30+$0x220]  }
0xa3: {  	v5 =	vld [tilespmem:s30+$0x230]  }
0xa4: {  	v4 =	vld [tilespmem:s30+$0x240]  }
0xa5: {  	v3 =	vld [tilespmem:s30+$0x250]  }
0xa6: {  	v2 =	vld [tilespmem:s30+$0x260]  }
0xa7: {  	v1 =	vld [tilespmem:s30+$0x270]  }
0xa8: {  	v13 =	vld [tilespmem:s30+$0x4200]  }
0xa9: {  	v14 =	vld [tilespmem:s30+$0x4210]  }
0xaa: {  	v11 =	vld [tilespmem:s30+$0x4220]  }
0xab: {  	v10 =	vld [tilespmem:s30+$0x4230]  }
0xac: {  	v9 =	vld [tilespmem:s30+$0x4240]  }
0xad: {  	v7 =	vld [tilespmem:s30+$0x4250];
	v13 =	vmul.f32 v8, v13  }
0xae: {  	s31 =	simm.s32 $0x200;
	v12 =	vmul.f32 v12, v14;
	v8 =	vld [tilespmem:s30+$0x4260]  }
.LBB2_6:
0xaf: {  	s9 =	sshra.s32 s31, $0x2;
	p1 =	sne.s32 s31, $0x7E00;
	[tilespmem:s30+$0x4200] =	vst v13;
	v6 =	vmul.f32 v6, v11;
	v11 =	vld [tilespmem:s30+$0x4270]  }
0xb0: {  	v13 =	vld [tilespmem:s9+$0x200];
	[tilespmem:s30+$0x4210] =	vst v12;
	v5 =	vmul.f32 v5, v10  }
0xb1: {  	v12 =	vld [tilespmem:s9+$0x210];
	[tilespmem:s30+$0x4220] =	vst v6;
	v4 =	vmul.f32 v4, v9  }
0xb2: {  	v6 =	vld [tilespmem:s9+$0x220];
	[tilespmem:s30+$0x4230] =	vst v5;
	v3 =	vmul.f32 v3, v7  }
0xb3: {  	v5 =	vld [tilespmem:s9+$0x230];
	[tilespmem:s30+$0x4240] =	vst v4;
	v2 =	vmul.f32 v2, v8  }
0xb4: {  	v4 =	vld [tilespmem:s9+$0x240];
	[tilespmem:s30+$0x4250] =	vst v3;
	v1 =	vmul.f32 v1, v11  }
0xb5: {  	v3 =	vld [tilespmem:s9+$0x250];
	[tilespmem:s30+$0x4260] =	vst v2  }
0xb6: {  	v2 =	vld [tilespmem:s9+$0x260];
	[tilespmem:s30+$0x4270] =	vst v1;
	s30 =	smov.u32 s9  }
0xb7: {  	v1 =	vld [tilespmem:s30+$0x270]  }
0xb8: {  	v7 =	vld [tilespmem:s30+$0x4200]  }
0xb9: {  	v8 =	vld [tilespmem:s30+$0x4210]  }
.Ltmp6:
0xba: {  	v11 =	vld [tilespmem:s30+$0x4220];
	(pc) =	sbr.rel @p1 .LBB2_6-.Ltmp6, $4  }
0xbb: {  	v10 =	vld [tilespmem:s30+$0x4230]  }
0xbc: {  	v9 =	vld [tilespmem:s30+$0x4240]  }
0xbd: {  	v13 =	vmul.f32 v13, v7;
	v7 =	vld [tilespmem:s30+$0x4250]  }
0xbe: {  	s31 =	sadd.s32 $0x200, s31;
	v12 =	vmul.f32 v12, v8;
	v8 =	vld [tilespmem:s30+$0x4260]  }
0xbf: {  	[tilespmem:s30+$0x4200] =	vst v13;
	v6 =	vmul.f32 v6, v11;
	v63 =	vld [tilespmem:s30+$0x4270]  }
0xc0: {  	[tilespmem:s30+$0x4210] =	vst v12;
	v5 =	vmul.f32 v5, v10  }
0xc1: {  	[tilespmem:s30+$0x4220] =	vst v6;
	v4 =	vmul.f32 v4, v9  }
0xc2: {  	[tilespmem:s30+$0x4230] =	vst v5;
	v3 =	vmul.f32 v3, v7  }
0xc3: {  	[tilespmem:s30+$0x4240] =	vst v4;
	v2 =	vmul.f32 v2, v8  }
0xc4: {  	p1 =	sge.u32 s29, s5;
	[tilespmem:s30+$0x4250] =	vst v3;
	v1 =	vmul.f32 v1, v63  }
0xc5: {  	s9 =	sadd.s32 @!p1 s29, s20;
	[tilespmem:s30+$0x4260] =	vst v2  }
0xc6: {  	[tilespmem:s30+$0x4270] =	vst v1;
	s30 =	sshll.u32 @!p1 s9, $0x4  }
0xc7: {  	[spmem:s1] =	stream.indirect.scatter.add.f32 [tilespmem:s11], [sflag:$0x9], $0x80, s13, s16, $0xb8;
	[tilespmem:$0x1C200] =	vst v63  }
0xc8: {  	s30 =	sand.u32 @!p1 $0x1FFFFFF0, s30  }
0xc9: {  	s15 =	simm.s32 @!p1 $0x0;
	s9 =	sshll.u32 @!p1 s9, $0xA;
	s31 =	sadd.s32 @!p1 s6, s30  }
0xca: {  	[tilespmem:s15], [sflag:$0x1] =	stream.linear.gather @!p1 [hbm4b:s31+s15], $0x80, $0x38;
	[tilespmem:$0x1C200] =	vst v63  }
0xcb: {  	s9 =	sand.u32 @!p1 $0x1FFFFC00, s9;
	s30 =	sadd.s32 @!p1 s7, s30;
	s31 =	simm.s32 @!p1 $0x100  }
0xcc: {  	[tilespmem:s31], [sflag:$0x3] =	stream.linear.gather @!p1 [hbm4b:s30+s15], $0x80, $0x38;
	[tilespmem:$0x1C200] =	vst v63  }
0xcd: {  	s9 =	sadd.s32 @!p1 s4, s9;
	s30 =	simm.s32 @!p1 $0x200  }
0xce: {  	[tilespmem:s30], [sflag:$0x5] =	stream.linear.gather @!p1 [hbm4b:s9+s15], $0x2000, $0x38;
	[tilespmem:$0x1C200] =	vst v63  }
.LBB2_8:
0xcf: {  	s30 =	sor.u32 $0x1, s29  }
0xd0: {  	p1 =	sge.u32 s30, s8  }
.Ltmp7:
0xd1: {  	_ = 	snop;
	(pc) =	sbr.rel @p1 .LBB2_12-.Ltmp7, $1  }
0xd2: {  	_ =	sdelay $0x3  }
0xd3: {  	p1 =	sge.u32 s29, s5  }
0xd4: {  	s9 =	simm.s32 @!p1 $0x1  }
0xd5: {  	_ =	swait.ge @!p1 [sflag:s9], $0x80  }
0xd6: {  	[sflag:s9] =	ssyncset.done @!p1 $0x0  }
0xd7: {  	[sflag:s9] =	ssyncadd.s32 @!p1 $0xFFFFFF80;
	s9 =	simm.s32 @!p1 $0x9  }
0xd8: {  	_ =	swait.ge @!p1 [sflag:s9], $0x2000  }
0xd9: {  	s15 =	simm.s32 @!p1 $0x0;
	[sflag:s9] =	ssyncset.done @!p1 $0x0  }
0xda: {  	s31 =	simm.s32 @!p1 $0x4200;
	[sflag:s9] =	ssyncadd.s32 @!p1 $0xFFFFE000;
	s9 =	simm.s32 @!p1 $0x40  }
0xdb: {  	[tilespmem:s31], [sflag:$0x7] =	stream.indirect.gather @!p1 [hbm4b:s3+s9], $0x80, s15, s9, $0xb8;
	[tilespmem:$0x1C200] =	vst v63  }
0xdc: {  	_ =	swait.ge [sflag:s21], $0x2000  }
0xdd: {  	[sflag:s21] =	ssyncset.done $0x0  }
0xde: {  	[sflag:s21] =	ssyncadd.s32 $0xFFFFE000  }
0xdf: {  	_ =	swait.ge [sflag:s22], $0x2000  }
0xe0: {  	[sflag:s22] =	ssyncset.done $0x0  }
0xe1: {  	[sflag:s22] =	ssyncadd.s32 $0xFFFFE000  }
0xe2: {  	_ =	swait.ge [sflag:s23], $0x80  }
0xe3: {  	[sflag:s23] =	ssyncset.done $0x0  }
0xe4: {  	s31 =	simm.s32 $0x0;
	[sflag:s23] =	ssyncadd.s32 $0xFFFFFF80  }
0xe5: {  	v8 =	vld [tilespmem:s31+$0x2200]  }
0xe6: {  	v12 =	vld [tilespmem:s31+$0x2210]  }
0xe7: {  	v6 =	vld [tilespmem:s31+$0x2220]  }
0xe8: {  	v5 =	vld [tilespmem:s31+$0x2230]  }
0xe9: {  	v4 =	vld [tilespmem:s31+$0x2240]  }
0xea: {  	v3 =	vld [tilespmem:s31+$0x2250]  }
0xeb: {  	v2 =	vld [tilespmem:s31+$0x2260]  }
0xec: {  	v1 =	vld [tilespmem:s31+$0x2270]  }
0xed: {  	v13 =	vld [tilespmem:s31+$0x6200]  }
0xee: {  	v14 =	vld [tilespmem:s31+$0x6210]  }
0xef: {  	v11 =	vld [tilespmem:s31+$0x6220]  }
0xf0: {  	v10 =	vld [tilespmem:s31+$0x6230]  }
0xf1: {  	v9 =	vld [tilespmem:s31+$0x6240]  }
0xf2: {  	v7 =	vld [tilespmem:s31+$0x6250];
	v13 =	vmul.f32 v8, v13  }
0xf3: {  	s9 =	simm.s32 $0x200;
	v12 =	vmul.f32 v12, v14;
	v8 =	vld [tilespmem:s31+$0x6260]  }
.LBB2_10:
0xf4: {  	s15 =	sshra.s32 s9, $0x2;
	p1 =	sne.s32 s9, $0x7E00;
	[tilespmem:s31+$0x6200] =	vst v13;
	v6 =	vmul.f32 v6, v11;
	v11 =	vld [tilespmem:s31+$0x6270]  }
0xf5: {  	v13 =	vld [tilespmem:s15+$0x2200];
	[tilespmem:s31+$0x6210] =	vst v12;
	v5 =	vmul.f32 v5, v10  }
0xf6: {  	v12 =	vld [tilespmem:s15+$0x2210];
	[tilespmem:s31+$0x6220] =	vst v6;
	v4 =	vmul.f32 v4, v9  }
0xf7: {  	v6 =	vld [tilespmem:s15+$0x2220];
	[tilespmem:s31+$0x6230] =	vst v5;
	v3 =	vmul.f32 v3, v7  }
0xf8: {  	v5 =	vld [tilespmem:s15+$0x2230];
	[tilespmem:s31+$0x6240] =	vst v4;
	v2 =	vmul.f32 v2, v8  }
0xf9: {  	v4 =	vld [tilespmem:s15+$0x2240];
	[tilespmem:s31+$0x6250] =	vst v3;
	v1 =	vmul.f32 v1, v11  }
0xfa: {  	v3 =	vld [tilespmem:s15+$0x2250];
	[tilespmem:s31+$0x6260] =	vst v2  }
0xfb: {  	v2 =	vld [tilespmem:s15+$0x2260];
	[tilespmem:s31+$0x6270] =	vst v1;
	s31 =	smov.u32 s15  }
0xfc: {  	v1 =	vld [tilespmem:s31+$0x2270]  }
0xfd: {  	v7 =	vld [tilespmem:s31+$0x6200]  }
0xfe: {  	v8 =	vld [tilespmem:s31+$0x6210]  }
.Ltmp8:
0xff: {  	v11 =	vld [tilespmem:s31+$0x6220];
	(pc) =	sbr.rel @p1 .LBB2_10-.Ltmp8, $4  }
0x100: {  	v10 =	vld [tilespmem:s31+$0x6230]  }
0x101: {  	v9 =	vld [tilespmem:s31+$0x6240]  }
0x102: {  	v13 =	vmul.f32 v13, v7;
	v7 =	vld [tilespmem:s31+$0x6250]  }
0x103: {  	s9 =	sadd.s32 $0x200, s9;
	v12 =	vmul.f32 v12, v8;
	v8 =	vld [tilespmem:s31+$0x6260]  }
0x104: {  	[tilespmem:s31+$0x6200] =	vst v13;
	v6 =	vmul.f32 v6, v11;
	v63 =	vld [tilespmem:s31+$0x6270]  }
0x105: {  	[tilespmem:s31+$0x6210] =	vst v12;
	v5 =	vmul.f32 v5, v10  }
0x106: {  	[tilespmem:s31+$0x6220] =	vst v6;
	v4 =	vmul.f32 v4, v9  }
0x107: {  	[tilespmem:s31+$0x6230] =	vst v5;
	v3 =	vmul.f32 v3, v7  }
0x108: {  	p1 =	sge.u32 s29, s10;
	[tilespmem:s31+$0x6240] =	vst v4;
	v2 =	vmul.f32 v2, v8  }
0x109: {  	s9 =	sadd.s32 @!p1 s30, s20;
	[tilespmem:s31+$0x6250] =	vst v3;
	v1 =	vmul.f32 v1, v63  }
0x10a: {  	s15 =	sshll.u32 @!p1 s9, $0x4;
	[tilespmem:s31+$0x6260] =	vst v2  }
0x10b: {  	s15 =	sand.u32 @!p1 $0x1FFFFFF0, s15;
	[tilespmem:s31+$0x6270] =	vst v1  }
0x10c: {  	[spmem:s1] =	stream.indirect.scatter.add.f32 [tilespmem:s24], [sflag:$0xA], $0x80, s14, s16, $0xb8;
	[tilespmem:$0x1C200] =	vst v63  }
0x10d: {  	s30 =	simm.s32 @!p1 $0x0;
	s29 =	sadd.s32 @!p1 s6, s15;
	s31 =	simm.s32 @!p1 $0x80  }
0x10e: {  	[tilespmem:s31], [sflag:$0x2] =	stream.linear.gather @!p1 [hbm4b:s29+s30], $0x80, $0x38;
	[tilespmem:$0x1C200] =	vst v63  }
.Ltmp9:
0x10f: {  	s9 =	sshll.u32 @!p1 s9, $0xA;
	(pc) =	sbr.rel .LBB2_12-.Ltmp9, $4  }
0x110: {  	s9 =	sand.u32 @!p1 $0x1FFFFC00, s9;
	s15 =	sadd.s32 @!p1 s7, s15;
	s29 =	simm.s32 @!p1 $0x180  }
0x111: {  	[tilespmem:s29], [sflag:$0x4] =	stream.linear.gather @!p1 [hbm4b:s15+s30], $0x80, $0x38;
	[tilespmem:$0x1C200] =	vst v63  }
0x112: {  	s9 =	sadd.s32 @!p1 s4, s9;
	s15 =	simm.s32 @!p1 $0x2200  }
0x113: {  	[tilespmem:s15], [sflag:$0x6] =	stream.linear.gather @!p1 [hbm4b:s9+s30], $0x2000, $0x38;
	[tilespmem:$0x1C200] =	vst v63  }
.LBB2_14:
0x114: {  	_ =	sfence.sel $0x180000  }
0x115: {  	[bflag:$0x0] =	sbarrier.arrive $0xFFFF  }
0x116: {  	_ =	strace $0x9000004A  }
0x117: {  	s0 =	stileid.u32;
	[bflag:$0x2] =	sbarrier.arrive $0xFFFF  }
0x118: {  	p0 =	sne.s32 s0, $0x0;
	s0 =	rddreg [dreg:$0x2]  }
0x119: {  	s0 =	sadd.s32 @!p0 $0x100000, s0  }
0x11a: {  	[sflag:s0] =	ssyncadd.tile.s32 @!p0 $0x1;
	_ =	shalt  }
.Lfunc_end2:
_tile_overlayer_lowered:
.L_overlay_start_2:
0x11b: {  	(tag) =	ssettag $0x2  }
0x11c: {  	s0 =	rddreg [dreg:$0x0];
	s2 =	stileid.u32  }
0x11d: {  	s1 =	rddreg [dreg:$0x1];
	p0 =	sne.s32 s2, $0x0  }
0x11e: {  	s3 =	rddreg [dreg:$0x2];
	[bflag:$0x3] =	sbarrier.arrive $0xFFFF;
	s2 =	simm.s32 @!p0 $0x1C0B  }
0x11f: {  	[timem:s3], [sflag:s2] =	dma.local @!p0 [hbm:s0], s1  }
0x120: {  	s0 =	simm.s32 @!p0 $0xB  }
0x121: {  	_ =	swait.ge @!p0 [sflag:s0], s1  }
0x122: {  	s1 =	ssub.s32 @!p0 $0x0, s1;
	[sflag:s0] =	ssyncset.done @!p0 $0x0  }
0x123: {  	[sflag:s0] =	ssyncadd.s32 @!p0 s1  }
0x124: {  	[bflag:$0x3] =	sbarrier.arrive $0xFFFF  }
0x125: {  	_ =	shalt  }

// kernel: kernel.8.cloned.1.call-start
scs
__scs_entry_jumppad:
0x0: {  	(pc) =	sbr.rel $0x88, $3  }
0x1: {  	(tag) =	ssettag $0x0;
	lr =	simm.s32 $0x1  }
0x2: {  	[smem:$0x3F88] =	sst lr;
	_ =	strace $0xD0000000  }
0x3: {  	_ = 	snop  }
0x4: {  	_ = 	snop  }
0x5: {  	_ = 	snop  }
0x6: {  	_ = 	snop  }
0x7: {  	_ = 	snop  }
__scs_overlays_trampoline_lowered:
0x8: {  	[smem:$0x3F97] =	sst s0  }
0x9: {  	[smem:$0x3F98] =	sst s1  }
0xa: {  	[smem:$0x3F99] =	sst s2  }
0xb: {  	[smem:$0x3F9A] =	sst s3  }
0xc: {  	[smem:$0x3F9B] =	sst s4  }
0xd: {  	[smem:$0x3F9C] =	sst s5  }
0xe: {  	[smem:$0x3F9D] =	sst s6  }
0xf: {  	[smem:$0x3F9E] =	sst s7  }
0x10: {  	[smem:$0x3F9F] =	sst s8  }
0x11: {  	[smem:$0x3FA0] =	sst s9;
	s0 =	simm.s32 @!p0 $0x0  }
0x12: {  	s1 =	sld [smem:$0x3F86];
	s0 =	simm.s32 @p0 $0x1  }
0x13: {  	[smem:$0x3FA1] =	sst s0;
	s0 =	simm.s32 @!p1 $0x0  }
0x14: {  	s2 =	sld [smem:$0x3F85];
	s0 =	simm.s32 @p1 $0x1  }
0x15: {  	[smem:$0x3FA2] =	sst s0;
	s0 =	simm.s32 @!p2 $0x0  }
0x16: {  	s3 =	sld [smem:$0x3FDB];
	s0 =	simm.s32 @p2 $0x1  }
0x17: {  	s4 =	simm.s32 $0x1BF5;
	[smem:$0x3FA4] =	sst s0  }
0x18: {  	s0 =	sld [smem:$0x3F87];
	_ =	swait.ge [sflag:s4], $0x0  }
0x19: {  	s7 =	sld [smem:$0x3F88]  }
0x1a: {  	s8 =	sadd.s32 $0xFFFFE003, lr  }
0x1b: {  	s9 =	sadd.s32 $0xFFFFFEF7, lr;
	s5 =	simm.s32 $0xFFFFFFFF;
	p2 =	slt.u32 s8, $0xFFFFF086  }
0x1c: {  	p1 =	slt.u32 s9, $0xF7A;
	s5 =	simm.s32 @!p2 $0x0  }
0x1d: {  	s5 =	simm.s32 @p1 $0x1;
	p0 =	seq.s32 s7, s2  }
0x1e: {  	s7 =	smul.u32 @!p0 $0xF7A, s2;
	p2 =	seq.s32 @!p0 s5, $0x0  }
0x1f: {  	s9 =	smul.u32 $0xF7A, s1;
	s8 =	simm.s32 @!p0 $0x1BF5;
	p2 =	por !p2, p0  }
0x20: {  	[sflag:s8] =	ssyncset.s32 @!p0 $0xFFFFF086;
	s6 =	sadd.s32 @!p0 s3, s7;
	s7 =	simm.s32 @!p0 $0x108  }
0x21: {  	s3 =	sadd.s32 s3, s9;
	s6 =	sadd.s32 @!p0 $0x88, s6;
	s7 =	simm.s32 @p2 $0x1082  }
0x22: {  	[simem:s7], [sflag:s8] =	dma.local @!p0 [hbm:s6], $0xF7A  }
0x23: {  	s9 =	sor.u32 $0xD0000000, s2;
	s6 =	simm.s32 $0x108;
	_ =	swait.ge @!p0 [sflag:s8], $0x0  }
0x24: {  	s3 =	sadd.s32 $0x88, s3;
	s6 =	simm.s32 @!p1 $0x1082;
	[sflag:s4] =	ssyncset.s32 $0xFFFFF086  }
0x25: {  	[simem:s6], [sflag:s4] =	dma.local [hbm:s3], $0xF7A  }
0x26: {  	[smem:$0x3F88] =	sst s1;
	(tag) =	ssettag s2;
	_ =	strace s9  }
0x27: {  	s1 =	sld [smem:$0x3F98]  }
0x28: {  	s2 =	sld [smem:$0x3F99]  }
0x29: {  	s4 =	sld [smem:$0x3F9B]  }
0x2a: {  	p0 =	seq.s32 s5, $0x0;
	s5 =	sld [smem:$0x3F9C]  }
0x2b: {  	s6 =	sld [smem:$0x3F9D]  }
0x2c: {  	s7 =	sld [smem:$0x3F9E]  }
0x2d: {  	s3 =	simm.s32 $0x108;
	s8 =	sld [smem:$0x3F9F]  }
0x2e: {  	s3 =	simm.s32 @!p0 $0x1082;
	s9 =	sld [smem:$0x3FA0]  }
0x2f: {  	lr =	sadd.s32 s0, s3;
	s0 =	sld [smem:$0x3F97]  }
0x30: {  	s3 =	sld [smem:$0x3F9A]  }
0x31: {  	[smem:$0x3FA3] =	sst s10  }
0x32: {  	s10 =	sld [smem:$0x3FA1];
	_ =	sdelay $0x3  }
0x33: {  	p0 =	seq.s32 s10, $0x1;
	s10 =	sld [smem:$0x3FA3];
	_ =	sdelay $0x3  }
0x34: {  	[smem:$0x3FA3] =	sst s10  }
0x35: {  	s10 =	sld [smem:$0x3FA2];
	_ =	sdelay $0x3  }
0x36: {  	p1 =	seq.s32 s10, $0x1;
	s10 =	sld [smem:$0x3FA3];
	_ =	sdelay $0x3  }
0x37: {  	[smem:$0x3FA3] =	sst s10  }
0x38: {  	s10 =	sld [smem:$0x3FA4]  }
0x39: {  	_ = 	snop;
	(pc) =	sbr.ind lr, $3  }
0x3a: {  	_ = 	snop  }
0x3b: {  	_ = 	snop  }
0x3c: {  	p2 =	seq.s32 s10, $0x1;
	s10 =	sld [smem:$0x3FA3]  }
0x3d: {  	_ =	shalt  }
0x3e: {  	_ =	shalt  }
0x3f: {  	_ =	shalt  }
0x40: {  	_ =	shalt  }
0x41: {  	_ =	shalt  }
0x42: {  	_ =	shalt  }
0x43: {  	_ =	shalt  }
0x44: {  	_ =	shalt  }
0x45: {  	_ =	shalt  }
0x46: {  	_ =	shalt  }
0x47: {  	_ =	shalt  }
0x48: {  	_ =	shalt  }
0x49: {  	_ =	shalt  }
0x4a: {  	_ =	shalt  }
0x4b: {  	_ =	shalt  }
0x4c: {  	_ =	shalt  }
0x4d: {  	_ =	shalt  }
0x4e: {  	_ =	shalt  }
0x4f: {  	_ =	shalt  }
0x50: {  	_ =	shalt  }
0x51: {  	_ =	shalt  }
0x52: {  	_ =	shalt  }
0x53: {  	_ =	shalt  }
0x54: {  	_ =	shalt  }
0x55: {  	_ =	shalt  }
0x56: {  	_ =	shalt  }
0x57: {  	_ =	shalt  }
0x58: {  	_ =	shalt  }
0x59: {  	_ =	shalt  }
0x5a: {  	_ =	shalt  }
0x5b: {  	_ =	shalt  }
0x5c: {  	_ =	shalt  }
0x5d: {  	_ =	shalt  }
0x5e: {  	_ =	shalt  }
0x5f: {  	_ =	shalt  }
0x60: {  	_ =	shalt  }
0x61: {  	_ =	shalt  }
0x62: {  	_ =	shalt  }
0x63: {  	_ =	shalt  }
0x64: {  	_ =	shalt  }
0x65: {  	_ =	shalt  }
0x66: {  	_ =	shalt  }
0x67: {  	_ =	shalt  }
0x68: {  	_ =	shalt  }
0x69: {  	_ =	shalt  }
0x6a: {  	_ =	shalt  }
0x6b: {  	_ =	shalt  }
0x6c: {  	_ =	shalt  }
0x6d: {  	_ =	shalt  }
0x6e: {  	_ =	shalt  }
0x6f: {  	_ =	shalt  }
0x70: {  	_ =	shalt  }
0x71: {  	_ =	shalt  }
0x72: {  	_ =	shalt  }
0x73: {  	_ =	shalt  }
0x74: {  	_ =	shalt  }
0x75: {  	_ =	shalt  }
0x76: {  	_ =	shalt  }
0x77: {  	_ =	shalt  }
0x78: {  	_ =	shalt  }
0x79: {  	_ =	shalt  }
0x7a: {  	_ =	shalt  }
0x7b: {  	_ =	shalt  }
0x7c: {  	_ =	shalt  }
0x7d: {  	_ =	shalt  }
0x7e: {  	_ =	shalt  }
0x7f: {  	_ =	shalt  }
0x80: {  	_ =	shalt  }
0x81: {  	_ =	shalt  }
0x82: {  	_ =	shalt  }
0x83: {  	_ =	shalt  }
0x84: {  	_ =	shalt  }
0x85: {  	_ =	shalt  }
0x86: {  	_ =	shalt  }
0x87: {  	_ =	shalt  }
.Lfunc_end0:
.L_simem_size_0:
called_computation_lowered:
.L_overlay_start_0:
0x88: {  	s2 =	sld [smem:$0x3FD9]  }
0x89: {  	s3 =	sld [smem:$0x3FFE];
	_ =	sdelay $0x1  }
0x8a: {  	s1 =	srdreg.scid  }
0x8b: {  	s0 =	sand.u32 $0x1, s1  }
0x8c: {  	s17 =	sshll.u32 s0, $0xA;
	s2 =	sadd.s32 s3, s2  }
0x8d: {  	s2 =	sadd.s32 s2, s17  }
0x8e: {  	[smem:$0x3FAF] =	sst s2  }
0x8f: {  	_ = 	snop  }
0x90: {  	s2 =	sld [smem:$0x3FC8];
	(tm) =	ssettm $0x1  }
0x91: {  	s18 =	sld [smem:$0x3FFB];
	_ =	sdelay $0x3  }
0x92: {  	_ =	strace s18  }
0x93: {  	s3 =	sld [smem:$0x3FFC];
	_ =	sdelay $0x3  }
0x94: {  	_ =	strace s3  }
0x95: {  	s3 =	sld [smem:$0x3FFD];
	_ =	sdelay $0x3  }
0x96: {  	_ =	strace s3  }
0x97: {  	_ =	strace $0x8FFFFFFF  }
0x98: {  	s19 =	sld [smem:$0x3FDB];
	_ =	sdelay $0x1  }
0x99: {  	s4 =	simm.s32 $_scs_section_size  }
0x9a: {  	s5 =	simm.s32 $_size__tile_overlayer_lowered;
	s6 =	simm.s32 $_tile_overlayer_lowered  }
0x9b: {  	s22 =	simm.s32 $0x1BFF;
	s21 =	sshll.u32 s6, $0x1;
	s3 =	sadd.s32 s4, s19  }
0x9c: {  	s7 =	simm.s32 $0x0;
	s20 =	sshll.u32 s5, $0x1;
	s5 =	sadd.s32 s21, s3  }
0x9d: {  	[timem:s7], [sflag:s22] =	dma.local [hbm:s5], s20  }
0x9e: {  	_ =	swait.ge [sflag:s22], s20  }
0x9f: {  	s4 =	ssub.s32 $0x0, s20;
	[sflag:s22] =	ssyncset.done $0x0  }
0xa0: {  	[sflag:s22] =	ssyncadd.s32 s4;
	_ =	sdelay $0x1  }
0xa1: {  	s23 =	simm.s32 $0x1B8B  }
0xa2: {  	_ =	swait.ge [sflag:s23], $0x1  }
0xa3: {  	[sflag:s23] =	ssyncset.done $0x0  }
0xa4: {  	s25 =	simm.s32 $0x1B8E;
	s24 =	sld [smem:$0x3FFE];
	[sflag:s23] =	ssyncadd.s32 $0xFFFFFFFF  }
0xa5: {  	s26 =	simm.s32 $execute0_lowered;
	[smem:$0x3FD2] =	sst s25  }
0xa6: {  	s5 =	sshll.u32 s26, $0x1;
	_ =	strace $0x80000046;
	[dreg:$0x1] =	wrdreg $0xFFFFFFFF  }
0xa7: {  	s28 =	simm.s32 $_size_execute0_lowered;
	s3 =	sadd.s32 s3, s5;
	[dreg:$0x0] =	wrdreg $0x0  }
0xa8: {  	s5 =	sshll.u32 s28, $0x1;
	[dreg:$0x2] =	wrdreg s3  }
0xa9: {  	[dreg:$0x3] =	wrdreg s5  }
0xaa: {  	[dreg:$0x4] =	wrdreg $0xC0  }
0xab: {  	_ =	task [dreg:s7], $0x5FFFF  }
0xac: {  	[dreg:$0x1] =	wrdreg $0xFFFFFFFF  }
0xad: {  	[dreg:$0x0] =	wrdreg $0x60  }
0xae: {  	[dreg:$0x2] =	wrdreg s2  }
0xaf: {  	[dreg:$0x3] =	wrdreg s24  }
0xb0: {  	[dreg:$0x4] =	wrdreg $0x82000  }
0xb1: {  	[dreg:$0x5] =	wrdreg $0x9  }
0xb2: {  	_ =	task.clear_ibuf [dreg:s7], $0x6FFFF;
	_ =	strace $0x90000046  }
0xb3: {  	s29 =	simm.s32 $0x9;
	_ =	strace $0x80000048  }
0xb4: {  	_ =	swait.ge [sflag:s29], $0x1  }
0xb5: {  	[sflag:s29] =	ssyncadd.s32 $0xFFFFFFFF  }
0xb6: {  	_ =	strace $0x90000048  }
0xb7: {  	_ =	sfence  }
0xb8: {  	s30 =	sld [smem:$0x0];
	_ =	sdelay $0x2  }
0xb9: {  	s31 =	sshll.u32 s1, $0xD;
	s1 =	sshrl.u32 s1, $0x2  }
0xba: {  	s3 =	sand.u32 $0x4000, s31;
	s1 =	sadd.s32 s1, s30  }
0xbb: {  	s0 =	sor.u32 s3, s0;
	s1 =	sshll.u32 s1, $0x11  }
0xbc: {  	s0 =	sor.u32 s1, s0  }
0xbd: {  	s0 =	sadd.s32 $0x8F2B, s0  }
0xbe: {  	[sflag:s0] =	ssyncadd.remote.s32 $0x1  }
0xbf: {  	_ =	sfence.sel $0xFFFF  }
0xc0: {  	[dreg:$0x0] =	wrdreg $0xFFFFFFFF;
	(pc) =	sbr.abs _section_cstart, $3  }
0xc1: {  	[dreg:$0x1] =	wrdreg $0xFFFFFFFF  }
0xc2: {  	_ =	task.clear_ibuf [dreg:s7], $0x2FFFF;
	_ =	strace $0x9FFFFFFF  }
0xc3: {  	(tm) =	ssettm $0x7FFFFFFF  }
tec
execute0_lowered:
.L_overlay_start_1:
0x0: {  	(tag) =	ssettag $0x1  }
0x1: {  	s1 =	rddreg [dreg:$0x0]  }
0x2: {  	s0 =	rddreg [dreg:$0x1]  }
0x3: {  	s2 =	rddreg [dreg:$0x2];
	s3 =	simm.s32 $0x0;
	s5 =	srdreg.scid  }
0x4: {  	s14 =	stileid.u32;
	[smem:$0x7FF] =	sst s3;
	s4 =	sadd.s32 $0x9EEA00, s0  }
0x5: {  	s6 =	sadd.s32 $0x9C7600, s0;
	s7 =	sadd.s32 $0x9DB000, s0;
	s11 =	smul.u32 $0x50000, s14  }
0x6: {  	s5 =	sand.u32 $0x1, s5;
	s0 =	sadd.s32 $0xED0A00, s0;
	s21 =	smul.u32 $0x4E000, s14  }
0x7: {  	_ =	strace $0x80000047;
	s8 =	ssub.s32 $0x2, s5;
	s9 =	sshll.u32 s5, $0x4  }
0x8: {  	s5 =	smul.u32 $0x138800, s5;
	s10 =	sshrl.u32 s8, $0x1;
	s9 =	sor.u32 s14, s9  }
0x9: {  	s11 =	sshrl.u32 s11, $0x2;
	s23 =	sshrl.u32 s21, $0x2;
	s21 =	simm.s32 $0x8  }
0xa: {  	s10 =	ssub.s32 s8, s10;
	p0 =	slt.u32 s9, $0x8;
	s15 =	sadd.s32 s11, s2  }
0xb: {  	s8 =	simm.s32 $0x9D;
	s11 =	sadd.s32 $0x2000, s15;
	[dreg:$0x4] =	wrdreg s15  }
0xc: {  	s12 =	smul.u32 $0x9C, s9;
	s28 =	sadd.s32 $0x4000, s15;
	[dreg:$0x5] =	wrdreg s11  }
0xd: {  	s9 =	smin.u32 s9, $0x8;
	s29 =	sadd.s32 $0x6000, s15;
	[dreg:$0x6] =	wrdreg s28  }
0xe: {  	s24 =	sadd.s32 s23, s2;
	s30 =	sadd.s32 $0x8000, s15;
	[dreg:$0x7] =	wrdreg s29  }
0xf: {  	s23 =	simm.s32 $0x4;
	s25 =	smax.u32 s10, $0x1;
	[dreg:$0x8] =	wrdreg s30  }
0x10: {  	s8 =	simm.s32 @!p0 $0x9C;
	s26 =	sadd.s32 $0xA000, s15;
	[dreg:$0x11] =	wrdreg s25  }
0x11: {  	p0 =	sne.s32 s14, $0xF;
	s9 =	sadd.s32 s9, s12;
	[dreg:$0x14] =	wrdreg s26  }
0x12: {  	s28 =	sadd.s32 $0xC000, s15;
	s29 =	sadd.s32 $0xE000, s15;
	s30 =	sadd.s32 $0x10000, s15  }
0x13: {  	s10 =	sadd.s32 $0xFFFFFFFD, s8;
	s25 =	simm.s32 $0x9;
	[dreg:$0x15] =	wrdreg s28  }
0x14: {  	s26 =	simm.s32 $0xA;
	s31 =	sshll.u32 s9, $0x4;
	[dreg:$0x16] =	wrdreg s29  }
0x15: {  	s16 =	sshll.u32 s9, $0xA;
	[dreg:$0x17] =	wrdreg s30;
	s13 =	sadd.s32 s6, s31  }
0x16: {  	s17 =	sadd.s32 $0x1, s9;
	s11 =	sadd.s32 s7, s31;
	[dreg:$0x9] =	wrdreg s13  }
0x17: {  	s20 =	sadd.s32 $0x2, s9;
	s31 =	sadd.s32 $0x12000, s15;
	[dreg:$0xa] =	wrdreg s11  }
0x18: {  	s18 =	sshll.u32 s17, $0x4;
	s11 =	sadd.s32 s4, s16;
	[dreg:$0x18] =	wrdreg s31  }
0x19: {  	s13 =	smul.u32 $0x13800, s14;
	s16 =	sadd.s32 s6, s18;
	[dreg:$0xb] =	wrdreg s11  }
0x1a: {  	s12 =	sadd.s32 s7, s18;
	s14 =	simm.s32 $0x180;
	[dreg:$0xc] =	wrdreg s16  }
0x1b: {  	s18 =	simm.s32 $0x5;
	s11 =	sshll.u32 s17, $0xA;
	[dreg:$0xd] =	wrdreg s12  }
0x1c: {  	s12 =	simm.s32 $0xB;
	s16 =	simm.s32 $0x40;
	s17 =	simm.s32 $0x7  }
0x1d: {  	s11 =	sand.u32 $0x1FFFFC00, s11;
	s19 =	sadd.s32 s13, s5;
	s5 =	sshrl.u32 s5, $0x3  }
0x1e: {  	s13 =	simm.s32 $0x100;
	s11 =	sadd.s32 s4, s11;
	s22 =	sshrl.u32 s19, $0x3  }
0x1f: {  	s19 =	simm.s32 $0x3;
	[dreg:$0xe] =	wrdreg s11;
	s9 =	sadd.s32 s0, s22  }
.Ltmp0:
0x20: {  	s0 =	sadd.s32 s0, s5;
	s5 =	sshrl.u32 s24, $0x3;
	(pc) =	sbr.rel .LBB2_1-.Ltmp0, $4  }
0x21: {  	s11 =	simm.s32 $0x4200;
	[dreg:$0xf] =	wrdreg s9;
	s0 =	sadd.s32 $0x27000, s0  }
0x22: {  	s22 =	simm.s32 $0x6;
	[dreg:$0x10] =	wrdreg s0;
	s0 =	sadd.s32 $0x138000, s2  }
0x23: {  	s24 =	simm.s32 $0x6200;
	[dreg:$0x12] =	wrdreg s5;
	s0 =	sshrl.u32 @!p0 s0, $0x3  }
0x24: {  	v0 =	vimm.f32 $0.0e+00;
	s5 =	sadd.s32 $0xFFFFFFFE, s8;
	[dreg:$0x13] =	wrdreg s0;
	s0 =	sadd.s32 $0xFFFFFFFF, s8  }
.LBB2_13:
0x25: {  	_ =	swait.ge [sflag:s25], $0x2000  }
0x26: {  	[sflag:s25] =	ssyncset.done $0x0  }
0x27: {  	[sflag:s25] =	ssyncadd.s32 $0xFFFFE000  }
0x28: {  	_ =	swait.ge [sflag:s26], $0x2000  }
0x29: {  	[sflag:s26] =	ssyncset.done $0x0  }
0x2a: {  	[sflag:s26] =	ssyncadd.s32 $0xFFFFE000  }
0x2b: {  	s9 =	stileid.u32;
	[bflag:$0x0] =	sbarrier.arrive $0xFFFF  }
0x2c: {  	s9 =	sshll.u32 s9, $0x6;
	s15 =	rddreg [dreg:$0xf]  }
0x2d: {  	s9 =	sor.u32 $0x1C0B, s9;
	s28 =	rddreg [dreg:$0x12]  }
0x2e: {  	[hbm:s15], [sflag:s9] =	dma.local [spmem:s28], $0x2700  }
0x2f: {  	_ =	swait.ge [sflag:s12], $0x2700  }
0x30: {  	[sflag:s12] =	ssyncset.done $0x0;
	s15 =	rddreg [dreg:$0x10]  }
0x31: {  	s28 =	rddreg [dreg:$0x13];
	[sflag:s12] =	ssyncadd.s32 $0xFFFFD900  }
0x32: {  	[hbm:s15], [sflag:s9] =	dma.local @!p0 [spmem:s28], $0x100  }
0x33: {  	s9 =	simm.s32 @!p0 $0xB  }
0x34: {  	_ =	swait.ge @!p0 [sflag:s9], $0x100  }
0x35: {  	s3 =	sadd.s32 $0x1, s3;
	s31 =	rddreg [dreg:$0x11]  }
0x36: {  	p1 =	sne.s32 s3, s31  }
.Ltmp1:
0x37: {  	_ = 	snop;
	(pc) =	sbr.rel @!p1 .LBB2_14-.Ltmp1, $3  }
0x38: {  	_ =	sdelay $0x1  }
0x39: {  	[sflag:s9] =	ssyncset.done @!p0 $0x0  }
0x3a: {  	[sflag:s9] =	ssyncadd.s32 @!p0 $0xFFFFFF00  }
.LBB2_1:
0x3b: {  	s9 =	simm.s32 $0x0;
	s28 =	simm.s32 $0x200  }
.LBB2_2:
0x3c: {  	p1 =	sne.s32 s28, $0x7E00;
	[tilespmem:s9+$0x4270] =	vst v0  }
0x3d: {  	[tilespmem:s9+$0x4200] =	vst v0  }
0x3e: {  	[tilespmem:s9+$0x4210] =	vst v0  }
.Ltmp2:
0x3f: {  	[tilespmem:s9+$0x4220] =	vst v0;
	(pc) =	sbr.rel @p1 .LBB2_2-.Ltmp2, $4  }
0x40: {  	[tilespmem:s9+$0x4230] =	vst v0  }
0x41: {  	[tilespmem:s9+$0x4240] =	vst v0  }
0x42: {  	[tilespmem:s9+$0x4250] =	vst v0  }
0x43: {  	[tilespmem:s9+$0x4260] =	vst v0;
	s9 =	sshra.s32 s28, $0x2;
	s28 =	sadd.s32 $0x200, s28  }
0x44: {  	[tilespmem:s9+$0x4270] =	vst v0  }
0x45: {  	[tilespmem:s9+$0x4200] =	vst v0  }
0x46: {  	[tilespmem:s9+$0x4210] =	vst v0  }
0x47: {  	[tilespmem:s9+$0x4220] =	vst v0  }
0x48: {  	[tilespmem:s9+$0x4230] =	vst v0  }
0x49: {  	[tilespmem:s9+$0x4240] =	vst v0  }
0x4a: {  	[tilespmem:s9+$0x4250] =	vst v0  }
0x4b: {  	[tilespmem:s9+$0x4260] =	vst v0;
	s29 =	rddreg [dreg:$0x4]  }
0x4c: {  	[spmem:s29] =	stream.linear.scatter [tilespmem:s11], [sflag:$0xB], $0x2000, $0x38;
	[tilespmem:$0x1C200] =	vst v63  }
0x4d: {  	_ =	swait.ge [sflag:s12], $0x2000  }
0x4e: {  	[sflag:s12] =	ssyncset.done $0x0  }
0x4f: {  	s30 =	rddreg [dreg:$0x5];
	[sflag:s12] =	ssyncadd.s32 $0xFFFFE000  }
0x50: {  	[spmem:s30] =	stream.linear.scatter [tilespmem:s11], [sflag:$0xB], $0x2000, $0x38;
	[tilespmem:$0x1C200] =	vst v63  }
0x51: {  	_ =	swait.ge [sflag:s12], $0x2000  }
0x52: {  	[sflag:s12] =	ssyncset.done $0x0  }
0x53: {  	s31 =	rddreg [dreg:$0x6];
	[sflag:s12] =	ssyncadd.s32 $0xFFFFE000  }
0x54: {  	[spmem:s31] =	stream.linear.scatter [tilespmem:s11], [sflag:$0xB], $0x2000, $0x38;
	[tilespmem:$0x1C200] =	vst v63  }
0x55: {  	_ =	swait.ge [sflag:s12], $0x2000  }
0x56: {  	[sflag:s12] =	ssyncset.done $0x0  }
0x57: {  	s15 =	rddreg [dreg:$0x7];
	[sflag:s12] =	ssyncadd.s32 $0xFFFFE000  }
0x58: {  	[spmem:s15] =	stream.linear.scatter [tilespmem:s11], [sflag:$0xB], $0x2000, $0x38;
	[tilespmem:$0x1C200] =	vst v63  }
0x59: {  	_ =	swait.ge [sflag:s12], $0x2000  }
0x5a: {  	[sflag:s12] =	ssyncset.done $0x0  }
0x5b: {  	s29 =	rddreg [dreg:$0x8];
	[sflag:s12] =	ssyncadd.s32 $0xFFFFE000  }
0x5c: {  	[spmem:s29] =	stream.linear.scatter [tilespmem:s11], [sflag:$0xB], $0x2000, $0x38;
	[tilespmem:$0x1C200] =	vst v63  }
0x5d: {  	_ =	swait.ge [sflag:s12], $0x2000  }
0x5e: {  	[sflag:s12] =	ssyncset.done $0x0  }
0x5f: {  	s30 =	rddreg [dreg:$0x14];
	[sflag:s12] =	ssyncadd.s32 $0xFFFFE000  }
0x60: {  	[spmem:s30] =	stream.linear.scatter [tilespmem:s11], [sflag:$0xB], $0x2000, $0x38;
	[tilespmem:$0x1C200] =	vst v63  }
0x61: {  	_ =	swait.ge [sflag:s12], $0x2000  }
0x62: {  	[sflag:s12] =	ssyncset.done $0x0  }
0x63: {  	s31 =	rddreg [dreg:$0x15];
	[sflag:s12] =	ssyncadd.s32 $0xFFFFE000  }
0x64: {  	[spmem:s31] =	stream.linear.scatter [tilespmem:s11], [sflag:$0xB], $0x2000, $0x38;
	[tilespmem:$0x1C200] =	vst v63  }
0x65: {  	_ =	swait.ge [sflag:s12], $0x2000  }
0x66: {  	[sflag:s12] =	ssyncset.done $0x0  }
0x67: {  	s15 =	rddreg [dreg:$0x16];
	[sflag:s12] =	ssyncadd.s32 $0xFFFFE000  }
0x68: {  	[spmem:s15] =	stream.linear.scatter [tilespmem:s11], [sflag:$0xB], $0x2000, $0x38;
	[tilespmem:$0x1C200] =	vst v63  }
0x69: {  	_ =	swait.ge [sflag:s12], $0x2000  }
0x6a: {  	[sflag:s12] =	ssyncset.done $0x0  }
0x6b: {  	s29 =	rddreg [dreg:$0x17];
	[sflag:s12] =	ssyncadd.s32 $0xFFFFE000  }
0x6c: {  	[spmem:s29] =	stream.linear.scatter [tilespmem:s11], [sflag:$0xB], $0x2000, $0x38;
	[tilespmem:$0x1C200] =	vst v63  }
0x6d: {  	_ =	swait.ge [sflag:s12], $0x2000  }
0x6e: {  	[sflag:s12] =	ssyncset.done $0x0  }
0x6f: {  	s30 =	rddreg [dreg:$0x18];
	[sflag:s12] =	ssyncadd.s32 $0xFFFFE000  }
0x70: {  	[spmem:s30] =	stream.linear.scatter [tilespmem:s11], [sflag:$0xB], $0x2000, $0x38;
	[tilespmem:$0x1C200] =	vst v63  }
0x71: {  	_ =	swait.ge [sflag:s12], $0x2000  }
0x72: {  	[sflag:s12] =	ssyncset.done $0x0  }
0x73: {  	[sflag:s12] =	ssyncadd.s32 $0xFFFFE000  }
0x74: {  	[bflag:$0x0] =	sbarrier.arrive $0xFFFF  }
0x75: {  	s28 =	simm.s32 $0x0;
	s31 =	rddreg [dreg:$0x9]  }
0x76: {  	[tilespmem:s28], [sflag:$0x1] =	stream.linear.gather [hbm4b:s31+s28], $0x80, $0x38;
	[tilespmem:$0x1C200] =	vst v63  }
0x77: {  	s15 =	rddreg [dreg:$0xa]  }
0x78: {  	[tilespmem:s13], [sflag:$0x3] =	stream.linear.gather [hbm4b:s15+s28], $0x80, $0x38;
	[tilespmem:$0x1C200] =	vst v63  }
0x79: {  	s29 =	rddreg [dreg:$0xb];
	s15 =	simm.s32 $0x200  }
0x7a: {  	[tilespmem:s15], [sflag:$0x5] =	stream.linear.gather [hbm4b:s29+s28], $0x2000, $0x38;
	[tilespmem:$0x1C200] =	vst v63  }
0x7b: {  	s30 =	rddreg [dreg:$0xc];
	s31 =	simm.s32 $0x80  }
0x7c: {  	[tilespmem:s31], [sflag:$0x2] =	stream.linear.gather [hbm4b:s30+s28], $0x80, $0x38;
	[tilespmem:$0x1C200] =	vst v63  }
0x7d: {  	s15 =	rddreg [dreg:$0xd]  }
0x7e: {  	[tilespmem:s14], [sflag:$0x4] =	stream.linear.gather [hbm4b:s15+s28], $0x80, $0x38;
	[tilespmem:$0x1C200] =	vst v63  }
0x7f: {  	s29 =	rddreg [dreg:$0xe];
	s30 =	simm.s32 $0x2200  }
0x80: {  	[tilespmem:s30], [sflag:$0x6] =	stream.linear.gather [hbm4b:s29+s28], $0x2000, $0x38;
	[tilespmem:$0x1C200] =	vst v63  }
.Ltmp3:
0x81: {  	s31 =	simm.s32 $0x1;
	(pc) =	sbr.rel .LBB2_4-.Ltmp3, $4  }
0x82: {  	_ =	swait.ge [sflag:s31], $0x80  }
0x83: {  	[sflag:s31] =	ssyncset.done $0x0  }
0x84: {  	[sflag:s31] =	ssyncadd.s32 $0xFFFFFF80  }
0x85: {  	[tilespmem:s11], [sflag:$0x7] =	stream.indirect.gather [hbm4b:s1+s16], $0x80, s28, s16, $0xb8;
	[tilespmem:$0x1C200] =	vst v63  }
.LBB2_12:
0x86: {  	s28 =	sadd.s32 $0x1, s28  }
0x87: {  	p1 =	sne.s32 s28, $0x4F  }
.Ltmp4:
0x88: {  	_ = 	snop;
	(pc) =	sbr.rel @!p1 .LBB2_13-.Ltmp4, $1  }
0x89: {  	_ =	sdelay $0x3  }
.LBB2_4:
0x8a: {  	s29 =	sshll.u32 s28, $0x1  }
0x8b: {  	p1 =	sge.u32 s29, s8  }
.Ltmp5:
0x8c: {  	_ = 	snop;
	(pc) =	sbr.rel @p1 .LBB2_8-.Ltmp5, $1  }
0x8d: {  	_ =	sdelay $0x3  }
0x8e: {  	p1 =	sge.u32 s29, s0  }
0x8f: {  	s9 =	simm.s32 @!p1 $0x2  }
0x90: {  	p2 =	seq.s32 @!p1 s28, $0x0;
	_ =	swait.ge @!p1 [sflag:s9], $0x80  }
0x91: {  	p2 =	por p2, p1;
	[sflag:s9] =	ssyncset.done @!p1 $0x0  }
0x92: {  	[sflag:s9] =	ssyncadd.s32 @!p1 $0xFFFFFF80;
	s9 =	simm.s32 @!p2 $0xA  }
0x93: {  	_ =	swait.ge @!p2 [sflag:s9], $0x2000  }
0x94: {  	s30 =	simm.s32 @!p1 $0x80;
	[sflag:s9] =	ssyncset.done @!p2 $0x0  }
0x95: {  	s31 =	simm.s32 @!p1 $0x6200;
	[sflag:s9] =	ssyncadd.s32 @!p2 $0xFFFFE000;
	s9 =	simm.s32 @!p1 $0x40  }
0x96: {  	[tilespmem:s31], [sflag:$0x8] =	stream.indirect.gather @!p1 [hbm4b:s1+s9], $0x80, s30, s9, $0xb8;
	[tilespmem:$0x1C200] =	vst v63  }
0x97: {  	_ =	swait.ge [sflag:s17], $0x2000  }
0x98: {  	[sflag:s17] =	ssyncset.done $0x0  }
0x99: {  	[sflag:s17] =	ssyncadd.s32 $0xFFFFE000  }
0x9a: {  	_ =	swait.ge [sflag:s18], $0x2000  }
0x9b: {  	[sflag:s18] =	ssyncset.done $0x0  }
0x9c: {  	[sflag:s18] =	ssyncadd.s32 $0xFFFFE000  }
0x9d: {  	_ =	swait.ge [sflag:s19], $0x80  }
0x9e: {  	[sflag:s19] =	ssyncset.done $0x0  }
0x9f: {  	s30 =	simm.s32 $0x0;
	[sflag:s19] =	ssyncadd.s32 $0xFFFFFF80  }
0xa0: {  	v8 =	vld [tilespmem:s30+$0x200]  }
0xa1: {  	v12 =	vld [tilespmem:s30+$0x210]  }
0xa2: {  	v6 =	vld [tilespmem:s30+$0x220]  }
0xa3: {  	v5 =	vld [tilespmem:s30+$0x230]  }
0xa4: {  	v4 =	vld [tilespmem:s30+$0x240]  }
0xa5: {  	v3 =	vld [tilespmem:s30+$0x250]  }
0xa6: {  	v2 =	vld [tilespmem:s30+$0x260]  }
0xa7: {  	v1 =	vld [tilespmem:s30+$0x270]  }
0xa8: {  	v13 =	vld [tilespmem:s30+$0x4200]  }
0xa9: {  	v14 =	vld [tilespmem:s30+$0x4210]  }
0xaa: {  	v11 =	vld [tilespmem:s30+$0x4220]  }
0xab: {  	v10 =	vld [tilespmem:s30+$0x4230]  }
0xac: {  	v9 =	vld [tilespmem:s30+$0x4240]  }
0xad: {  	v7 =	vld [tilespmem:s30+$0x4250];
	v13 =	vmul.f32 v8, v13  }
0xae: {  	s31 =	simm.s32 $0x200;
	v12 =	vmul.f32 v12, v14;
	v8 =	vld [tilespmem:s30+$0x4260]  }
.LBB2_6:
0xaf: {  	s9 =	sshra.s32 s31, $0x2;
	p1 =	sne.s32 s31, $0x7E00;
	[tilespmem:s30+$0x4200] =	vst v13;
	v6 =	vmul.f32 v6, v11;
	v11 =	vld [tilespmem:s30+$0x4270]  }
0xb0: {  	v13 =	vld [tilespmem:s9+$0x200];
	[tilespmem:s30+$0x4210] =	vst v12;
	v5 =	vmul.f32 v5, v10  }
0xb1: {  	v12 =	vld [tilespmem:s9+$0x210];
	[tilespmem:s30+$0x4220] =	vst v6;
	v4 =	vmul.f32 v4, v9  }
0xb2: {  	v6 =	vld [tilespmem:s9+$0x220];
	[tilespmem:s30+$0x4230] =	vst v5;
	v3 =	vmul.f32 v3, v7  }
0xb3: {  	v5 =	vld [tilespmem:s9+$0x230];
	[tilespmem:s30+$0x4240] =	vst v4;
	v2 =	vmul.f32 v2, v8  }
0xb4: {  	v4 =	vld [tilespmem:s9+$0x240];
	[tilespmem:s30+$0x4250] =	vst v3;
	v1 =	vmul.f32 v1, v11  }
0xb5: {  	v3 =	vld [tilespmem:s9+$0x250];
	[tilespmem:s30+$0x4260] =	vst v2  }
0xb6: {  	v2 =	vld [tilespmem:s9+$0x260];
	[tilespmem:s30+$0x4270] =	vst v1;
	s30 =	smov.u32 s9  }
0xb7: {  	v1 =	vld [tilespmem:s30+$0x270]  }
0xb8: {  	v7 =	vld [tilespmem:s30+$0x4200]  }
0xb9: {  	v8 =	vld [tilespmem:s30+$0x4210]  }
.Ltmp6:
0xba: {  	v11 =	vld [tilespmem:s30+$0x4220];
	(pc) =	sbr.rel @p1 .LBB2_6-.Ltmp6, $4  }
0xbb: {  	v10 =	vld [tilespmem:s30+$0x4230]  }
0xbc: {  	v9 =	vld [tilespmem:s30+$0x4240]  }
0xbd: {  	v13 =	vmul.f32 v13, v7;
	v7 =	vld [tilespmem:s30+$0x4250]  }
0xbe: {  	s31 =	sadd.s32 $0x200, s31;
	v12 =	vmul.f32 v12, v8;
	v8 =	vld [tilespmem:s30+$0x4260]  }
0xbf: {  	[tilespmem:s30+$0x4200] =	vst v13;
	v6 =	vmul.f32 v6, v11;
	v63 =	vld [tilespmem:s30+$0x4270]  }
0xc0: {  	[tilespmem:s30+$0x4210] =	vst v12;
	v5 =	vmul.f32 v5, v10  }
0xc1: {  	[tilespmem:s30+$0x4220] =	vst v6;
	v4 =	vmul.f32 v4, v9  }
0xc2: {  	[tilespmem:s30+$0x4230] =	vst v5;
	v3 =	vmul.f32 v3, v7  }
0xc3: {  	[tilespmem:s30+$0x4240] =	vst v4;
	v2 =	vmul.f32 v2, v8  }
0xc4: {  	p1 =	sge.u32 s29, s5;
	[tilespmem:s30+$0x4250] =	vst v3;
	v1 =	vmul.f32 v1, v63  }
0xc5: {  	s9 =	sadd.s32 @!p1 s29, s20;
	[tilespmem:s30+$0x4260] =	vst v2  }
0xc6: {  	[tilespmem:s30+$0x4270] =	vst v1;
	s30 =	sshll.u32 @!p1 s9, $0x4  }
0xc7: {  	[spmem:s2] =	stream.indirect.scatter.add.f32 [tilespmem:s11], [sflag:$0x9], $0x80, s13, s16, $0xb8;
	[tilespmem:$0x1C200] =	vst v63  }
0xc8: {  	s30 =	sand.u32 @!p1 $0x1FFFFFF0, s30  }
0xc9: {  	s15 =	simm.s32 @!p1 $0x0;
	s9 =	sshll.u32 @!p1 s9, $0xA;
	s31 =	sadd.s32 @!p1 s6, s30  }
0xca: {  	[tilespmem:s15], [sflag:$0x1] =	stream.linear.gather @!p1 [hbm4b:s31+s15], $0x80, $0x38;
	[tilespmem:$0x1C200] =	vst v63  }
0xcb: {  	s9 =	sand.u32 @!p1 $0x1FFFFC00, s9;
	s30 =	sadd.s32 @!p1 s7, s30;
	s31 =	simm.s32 @!p1 $0x100  }
0xcc: {  	[tilespmem:s31], [sflag:$0x3] =	stream.linear.gather @!p1 [hbm4b:s30+s15], $0x80, $0x38;
	[tilespmem:$0x1C200] =	vst v63  }
0xcd: {  	s9 =	sadd.s32 @!p1 s4, s9;
	s30 =	simm.s32 @!p1 $0x200  }
0xce: {  	[tilespmem:s30], [sflag:$0x5] =	stream.linear.gather @!p1 [hbm4b:s9+s15], $0x2000, $0x38;
	[tilespmem:$0x1C200] =	vst v63  }
.LBB2_8:
0xcf: {  	s30 =	sor.u32 $0x1, s29  }
0xd0: {  	p1 =	sge.u32 s30, s8  }
.Ltmp7:
0xd1: {  	_ = 	snop;
	(pc) =	sbr.rel @p1 .LBB2_12-.Ltmp7, $1  }
0xd2: {  	_ =	sdelay $0x3  }
0xd3: {  	p1 =	sge.u32 s29, s5  }
0xd4: {  	s9 =	simm.s32 @!p1 $0x1  }
0xd5: {  	_ =	swait.ge @!p1 [sflag:s9], $0x80  }
0xd6: {  	[sflag:s9] =	ssyncset.done @!p1 $0x0  }
0xd7: {  	[sflag:s9] =	ssyncadd.s32 @!p1 $0xFFFFFF80;
	s9 =	simm.s32 @!p1 $0x9  }
0xd8: {  	_ =	swait.ge @!p1 [sflag:s9], $0x2000  }
0xd9: {  	s15 =	simm.s32 @!p1 $0x0;
	[sflag:s9] =	ssyncset.done @!p1 $0x0  }
0xda: {  	s31 =	simm.s32 @!p1 $0x4200;
	[sflag:s9] =	ssyncadd.s32 @!p1 $0xFFFFE000;
	s9 =	simm.s32 @!p1 $0x40  }
0xdb: {  	[tilespmem:s31], [sflag:$0x7] =	stream.indirect.gather @!p1 [hbm4b:s1+s9], $0x80, s15, s9, $0xb8;
	[tilespmem:$0x1C200] =	vst v63  }
0xdc: {  	_ =	swait.ge [sflag:s21], $0x2000  }
0xdd: {  	[sflag:s21] =	ssyncset.done $0x0  }
0xde: {  	[sflag:s21] =	ssyncadd.s32 $0xFFFFE000  }
0xdf: {  	_ =	swait.ge [sflag:s22], $0x2000  }
0xe0: {  	[sflag:s22] =	ssyncset.done $0x0  }
0xe1: {  	[sflag:s22] =	ssyncadd.s32 $0xFFFFE000  }
0xe2: {  	_ =	swait.ge [sflag:s23], $0x80  }
0xe3: {  	[sflag:s23] =	ssyncset.done $0x0  }
0xe4: {  	s31 =	simm.s32 $0x0;
	[sflag:s23] =	ssyncadd.s32 $0xFFFFFF80  }
0xe5: {  	v8 =	vld [tilespmem:s31+$0x2200]  }
0xe6: {  	v12 =	vld [tilespmem:s31+$0x2210]  }
0xe7: {  	v6 =	vld [tilespmem:s31+$0x2220]  }
0xe8: {  	v5 =	vld [tilespmem:s31+$0x2230]  }
0xe9: {  	v4 =	vld [tilespmem:s31+$0x2240]  }
0xea: {  	v3 =	vld [tilespmem:s31+$0x2250]  }
0xeb: {  	v2 =	vld [tilespmem:s31+$0x2260]  }
0xec: {  	v1 =	vld [tilespmem:s31+$0x2270]  }
0xed: {  	v13 =	vld [tilespmem:s31+$0x6200]  }
0xee: {  	v14 =	vld [tilespmem:s31+$0x6210]  }
0xef: {  	v11 =	vld [tilespmem:s31+$0x6220]  }
0xf0: {  	v10 =	vld [tilespmem:s31+$0x6230]  }
0xf1: {  	v9 =	vld [tilespmem:s31+$0x6240]  }
0xf2: {  	v7 =	vld [tilespmem:s31+$0x6250];
	v13 =	vmul.f32 v8, v13  }
0xf3: {  	s9 =	simm.s32 $0x200;
	v12 =	vmul.f32 v12, v14;
	v8 =	vld [tilespmem:s31+$0x6260]  }
.LBB2_10:
0xf4: {  	s15 =	sshra.s32 s9, $0x2;
	p1 =	sne.s32 s9, $0x7E00;
	[tilespmem:s31+$0x6200] =	vst v13;
	v6 =	vmul.f32 v6, v11;
	v11 =	vld [tilespmem:s31+$0x6270]  }
0xf5: {  	v13 =	vld [tilespmem:s15+$0x2200];
	[tilespmem:s31+$0x6210] =	vst v12;
	v5 =	vmul.f32 v5, v10  }
0xf6: {  	v12 =	vld [tilespmem:s15+$0x2210];
	[tilespmem:s31+$0x6220] =	vst v6;
	v4 =	vmul.f32 v4, v9  }
0xf7: {  	v6 =	vld [tilespmem:s15+$0x2220];
	[tilespmem:s31+$0x6230] =	vst v5;
	v3 =	vmul.f32 v3, v7  }
0xf8: {  	v5 =	vld [tilespmem:s15+$0x2230];
	[tilespmem:s31+$0x6240] =	vst v4;
	v2 =	vmul.f32 v2, v8  }
0xf9: {  	v4 =	vld [tilespmem:s15+$0x2240];
	[tilespmem:s31+$0x6250] =	vst v3;
	v1 =	vmul.f32 v1, v11  }
0xfa: {  	v3 =	vld [tilespmem:s15+$0x2250];
	[tilespmem:s31+$0x6260] =	vst v2  }
0xfb: {  	v2 =	vld [tilespmem:s15+$0x2260];
	[tilespmem:s31+$0x6270] =	vst v1;
	s31 =	smov.u32 s15  }
0xfc: {  	v1 =	vld [tilespmem:s31+$0x2270]  }
0xfd: {  	v7 =	vld [tilespmem:s31+$0x6200]  }
0xfe: {  	v8 =	vld [tilespmem:s31+$0x6210]  }
.Ltmp8:
0xff: {  	v11 =	vld [tilespmem:s31+$0x6220];
	(pc) =	sbr.rel @p1 .LBB2_10-.Ltmp8, $4  }
0x100: {  	v10 =	vld [tilespmem:s31+$0x6230]  }
0x101: {  	v9 =	vld [tilespmem:s31+$0x6240]  }
0x102: {  	v13 =	vmul.f32 v13, v7;
	v7 =	vld [tilespmem:s31+$0x6250]  }
0x103: {  	s9 =	sadd.s32 $0x200, s9;
	v12 =	vmul.f32 v12, v8;
	v8 =	vld [tilespmem:s31+$0x6260]  }
0x104: {  	[tilespmem:s31+$0x6200] =	vst v13;
	v6 =	vmul.f32 v6, v11;
	v63 =	vld [tilespmem:s31+$0x6270]  }
0x105: {  	[tilespmem:s31+$0x6210] =	vst v12;
	v5 =	vmul.f32 v5, v10  }
0x106: {  	[tilespmem:s31+$0x6220] =	vst v6;
	v4 =	vmul.f32 v4, v9  }
0x107: {  	[tilespmem:s31+$0x6230] =	vst v5;
	v3 =	vmul.f32 v3, v7  }
0x108: {  	p1 =	sge.u32 s29, s10;
	[tilespmem:s31+$0x6240] =	vst v4;
	v2 =	vmul.f32 v2, v8  }
0x109: {  	s9 =	sadd.s32 @!p1 s30, s20;
	[tilespmem:s31+$0x6250] =	vst v3;
	v1 =	vmul.f32 v1, v63  }
0x10a: {  	s15 =	sshll.u32 @!p1 s9, $0x4;
	[tilespmem:s31+$0x6260] =	vst v2  }
0x10b: {  	s15 =	sand.u32 @!p1 $0x1FFFFFF0, s15;
	[tilespmem:s31+$0x6270] =	vst v1  }
0x10c: {  	[spmem:s2] =	stream.indirect.scatter.add.f32 [tilespmem:s24], [sflag:$0xA], $0x80, s14, s16, $0xb8;
	[tilespmem:$0x1C200] =	vst v63  }
0x10d: {  	s30 =	simm.s32 @!p1 $0x0;
	s29 =	sadd.s32 @!p1 s6, s15;
	s31 =	simm.s32 @!p1 $0x80  }
0x10e: {  	[tilespmem:s31], [sflag:$0x2] =	stream.linear.gather @!p1 [hbm4b:s29+s30], $0x80, $0x38;
	[tilespmem:$0x1C200] =	vst v63  }
.Ltmp9:
0x10f: {  	s9 =	sshll.u32 @!p1 s9, $0xA;
	(pc) =	sbr.rel .LBB2_12-.Ltmp9, $4  }
0x110: {  	s9 =	sand.u32 @!p1 $0x1FFFFC00, s9;
	s15 =	sadd.s32 @!p1 s7, s15;
	s29 =	simm.s32 @!p1 $0x180  }
0x111: {  	[tilespmem:s29], [sflag:$0x4] =	stream.linear.gather @!p1 [hbm4b:s15+s30], $0x80, $0x38;
	[tilespmem:$0x1C200] =	vst v63  }
0x112: {  	s9 =	sadd.s32 @!p1 s4, s9;
	s15 =	simm.s32 @!p1 $0x2200  }
0x113: {  	[tilespmem:s15], [sflag:$0x6] =	stream.linear.gather @!p1 [hbm4b:s9+s30], $0x2000, $0x38;
	[tilespmem:$0x1C200] =	vst v63  }
.LBB2_14:
0x114: {  	_ =	sfence.sel $0x180000  }
0x115: {  	[bflag:$0x0] =	sbarrier.arrive $0xFFFF  }
0x116: {  	_ =	strace $0x90000047  }
0x117: {  	s0 =	stileid.u32;
	[bflag:$0x2] =	sbarrier.arrive $0xFFFF  }
0x118: {  	p0 =	sne.s32 s0, $0x0;
	s0 =	rddreg [dreg:$0x3]  }
0x119: {  	s0 =	sadd.s32 @!p0 $0x100000, s0  }
0x11a: {  	[sflag:s0] =	ssyncadd.tile.s32 @!p0 $0x1;
	_ =	shalt  }
.Lfunc_end2:
_tile_overlayer_lowered:
.L_overlay_start_2:
0x11b: {  	(tag) =	ssettag $0x2  }
0x11c: {  	s0 =	rddreg [dreg:$0x0];
	s2 =	stileid.u32  }
0x11d: {  	s1 =	rddreg [dreg:$0x1];
	p0 =	sne.s32 s2, $0x0  }
0x11e: {  	s3 =	rddreg [dreg:$0x2];
	[bflag:$0x3] =	sbarrier.arrive $0xFFFF;
	s2 =	simm.s32 @!p0 $0x1C0B  }
0x11f: {  	[timem:s3], [sflag:s2] =	dma.local @!p0 [hbm:s0], s1  }
0x120: {  	s0 =	simm.s32 @!p0 $0xB  }
0x121: {  	_ =	swait.ge @!p0 [sflag:s0], s1  }
0x122: {  	s1 =	ssub.s32 @!p0 $0x0, s1;
	[sflag:s0] =	ssyncset.done @!p0 $0x0  }
0x123: {  	[sflag:s0] =	ssyncadd.s32 @!p0 s1  }
0x124: {  	[bflag:$0x3] =	sbarrier.arrive $0xFFFF  }
0x125: {  	_ =	shalt  }

</sc_bundles>
